<compile_context>
chip_gen: v7x
topology: tpu7x:2x2x1
jax: 0.10.2.dev20260603
libtpu: 0.0.44.dev20260713+nightly
codegen_flags: <defaults>
</compile_context>

<pallas_src>
import dataclasses
import functools

import jax
import jax.numpy as jnp
from jax import lax
from jax.experimental import pallas as pl
from jax.experimental.pallas import tpu as pltpu
from jax.experimental.pallas import tpu_sc as plsc

_B, _S, _D = 4096, 200, 32
_E = _B * _S
_Q = _E // 4
_NC, _NS = 2, 16
_NW = _NC * _NS
_CHUNK = 1024
_QCHUNK = _CHUNK // 4
_NCHUNK = _E // _CHUNK // _NW
_GWIN = 128
_NG = _QCHUNK // _GWIN
_TROWS = 16 * 16 * 16 * 16
_QBLK = 8192


def _quad_body(base_ref, pos_ref, wt_ref, b_ref, out_ref):
    cid = lax.broadcasted_iota(jnp.int32, (16, 1), 0)
    nid = jnp.minimum(cid // 3, 4)
    pid = cid - (cid // 3) * 3
    eb = jnp.zeros((16, _D), jnp.float32)
    for r in range(5):
        eb = eb + jnp.where(nid == r, 1.0, 0.0) * base_ref[r : r + 1, :]
    ep = jnp.zeros((16, _D), jnp.float32)
    for r in range(3):
        ep = ep + jnp.where(pid == r, 1.0, 0.0) * pos_ref[r : r + 1, :]
    e = jnp.concatenate([eb, ep], axis=1)
    fused = (
        lax.dot_general(
            e,
            wt_ref[...],
            (((1,), (1,)), ((), ())),
            preferred_element_type=jnp.float32,
        )
        + b_ref[...]
    )
    i = pl.program_id(0)
    q = i * _QBLK + lax.broadcasted_iota(jnp.int32, (_QBLK, 1), 0)
    lane = lax.broadcasted_iota(jnp.int32, (1, 16), 1)
    hots = []
    bands = []
    zero = jnp.zeros((16, _D), jnp.float32)
    for k in range(4):
        ck = (q >> (12 - 4 * k)) & 15
        hots.append(jnp.where(ck == lane, 1.0, 0.0))
        bands.append(
            jnp.concatenate(
                [zero] * k + [fused] + [zero] * (3 - k), axis=1
            )
        )
    onehot64 = jnp.concatenate(hots, axis=1)
    bd = jnp.concatenate(bands, axis=0)
    out_ref[...] = jnp.dot(onehot64, bd, preferred_element_type=jnp.float32)


def _build_quad_table(base_table, pos_table, W, b):
    return pl.pallas_call(
        _quad_body,
        grid=(_TROWS // _QBLK,),
        in_specs=[
            pl.BlockSpec((5, _D), lambda i: (0, 0)),
            pl.BlockSpec((3, _D), lambda i: (0, 0)),
            pl.BlockSpec((_D, 2 * _D), lambda i: (0, 0)),
            pl.BlockSpec((1, _D), lambda i: (0, 0)),
        ],
        out_specs=pl.BlockSpec((_QBLK, 4 * _D), lambda i: (i, 0)),
        out_shape=jax.ShapeDtypeStruct((_TROWS, 4 * _D), jnp.float32),
    )(base_table, pos_table, jnp.transpose(W), b.reshape(1, _D))


def _sc_body(nchunk, goff, tbl_hbm, n_hbm, p_hbm, out_hbm, *scratch):
    n_v = scratch[0:2]
    p_v = scratch[2:4]
    q_v = scratch[4:6]
    rows_v = scratch[6:8]
    isem = scratch[8:10]
    gsem = scratch[10:12]
    wsem = scratch[12:14]
    wid = lax.axis_index("s") * _NC + lax.axis_index("c")
    qbase = wid * nchunk * _QCHUNK

    def idx_start(g, b):
        gchunk = goff + wid * nchunk + g
        s = gchunk // 4
        i0 = (gchunk % 4) * _CHUNK
        pltpu.async_copy(n_hbm.at[s, pl.ds(i0, _CHUNK)], n_v[b], isem[b])
        pltpu.async_copy(p_hbm.at[s, pl.ds(i0, _CHUNK)], p_v[b], isem[b])

    def idx_wait(b):
        pltpu.make_async_copy(
            n_hbm.at[0, pl.ds(0, _CHUNK)], n_v[b], isem[b]
        ).wait()
        pltpu.make_async_copy(
            p_hbm.at[0, pl.ds(0, _CHUNK)], p_v[b], isem[b]
        ).wait()

    def compute_q(b):
        nb, pb, qb = n_v[b], p_v[b], q_v[b]

        @pl.loop(0, _QCHUNK, step=16)
        def _pack(q0):
            acc = nb[pl.ds(q0, 16)] * 3 + pb[pl.ds(q0, 16)]
            for j in range(1, 4):
                s_ = pl.ds(q0 + _QCHUNK * j, 16)
                acc = acc * 16 + (nb[s_] * 3 + pb[s_])
            qb[pl.ds(q0, 16)] = acc

    def gathers_start(b):
        for j in range(_NG):
            s_ = pl.ds(j * _GWIN, _GWIN)
            pltpu.async_copy(
                tbl_hbm.at[q_v[b].at[s_]], rows_v[b].at[s_], gsem[b]
            )

    def gathers_wait(b):
        for j in range(_NG):
            s_ = pl.ds(j * _GWIN, _GWIN)
            pltpu.make_async_copy(
                tbl_hbm.at[q_v[b].at[s_]], rows_v[b].at[s_], gsem[b]
            ).wait()

    def write_start(g, b):
        off = qbase + g * _QCHUNK
        pltpu.async_copy(rows_v[b], out_hbm.at[pl.ds(off, _QCHUNK)], wsem[b])

    def write_wait(b):
        pltpu.make_async_copy(
            rows_v[b], out_hbm.at[pl.ds(0, _QCHUNK)], wsem[b]
        ).wait()

    def step(g, b):
        idx_wait(b)

        @pl.when(g >= 2)
        def _():
            write_wait(b)

        compute_q(b)
        gathers_start(b)

        @pl.when(g + 2 < nchunk)
        def _():
            idx_start(g + 2, b)

        @pl.when(g >= 1)
        def _():
            gathers_wait(b ^ 1)
            write_start(g - 1, b ^ 1)

    idx_start(0, 0)
    idx_start(1, 1)

    npairs, tail = divmod(nchunk, 2)

    @pl.loop(0, npairs)
    def _pair(gg):
        for b in range(2):
            step(gg * 2 + b, b)

    last = nchunk - 1
    if tail:
        step(last, last & 1)
    gathers_wait(last & 1)
    write_start(last, last & 1)
    write_wait(last & 1)
    write_wait((last & 1) ^ 1)


def _sc_compiler_params():
    cp = pltpu.CompilerParams()
    if "needs_layout_passes" in pltpu.CompilerParams.__dataclass_fields__:
        cp = dataclasses.replace(cp, needs_layout_passes=False)
    return cp


def _sc_lookup(tbl, n_flat, p_flat, nchunk, goff):
    mesh = plsc.VectorSubcoreMesh(core_axis_name="c", subcore_axis_name="s")
    run = pl.kernel(
        functools.partial(_sc_body, nchunk, goff),
        out_type=jax.ShapeDtypeStruct(
            (_NW * nchunk * _QCHUNK, 4 * _D), jnp.float32
        ),
        mesh=mesh,
        scratch_types=(
            [pltpu.VMEM((_CHUNK,), jnp.int32) for _ in range(2)]
            + [pltpu.VMEM((_CHUNK,), jnp.int32) for _ in range(2)]
            + [pltpu.VMEM((_QCHUNK,), jnp.int32) for _ in range(2)]
            + [pltpu.VMEM((_QCHUNK, 4 * _D), jnp.float32) for _ in range(2)]
            + [pltpu.SemaphoreType.DMA for _ in range(6)]
        ),
        compiler_params=_sc_compiler_params(),
    )
    return run(tbl, n_flat, p_flat)


_XS = 8


def _do_xpose(in_ref, out_ref):
    for s_ in range(_XS):
        xt = in_ref[s_].T
        for j in range(4):
            for k in range(4):
                out_ref[s_, :, 1024 * k + 256 * j : 1024 * k + 256 * j + 256] = (
                    xt[32 * j : 32 * (j + 1), 256 * k : 256 * (k + 1)]
                )


def _xpose_body(in_ref, out_ref):
    _do_xpose(in_ref, out_ref)


def _to_output_layout(out_sc):
    in3 = out_sc.reshape(_S, _B // 4, 128)
    return pl.pallas_call(
        _xpose_body,
        grid=(_S // _XS,),
        in_specs=[pl.BlockSpec((_XS, _B // 4, 128), lambda s: (s, 0, 0))],
        out_specs=pl.BlockSpec((_XS, _D, _B), lambda s: (s, 0, 0)),
        out_shape=jax.ShapeDtypeStruct((_S, _D, _B), jnp.float32),
    )(in3)


def kernel(nucleotides, positions, base_table, pos_table, W, b):
    tbl4 = _build_quad_table(base_table, pos_table, W, b)
    n_t = jnp.transpose(nucleotides).astype(jnp.int32)
    p_t = jnp.transpose(positions).astype(jnp.int32)
    sc_all = _sc_lookup(tbl4, n_t, p_t, _NCHUNK, 0)
    out_t = _to_output_layout(sc_all)
    return jnp.transpose(out_t, (2, 0, 1))

# --- scband reference (transcript-rebuilt; emitter-appended) ---
"""Pipeline reference for scband-nucleotide-embedding-12335146074826 (READ-ONLY COPY).

The authoritative reference and input builder live on the scoring server;
editing this copy changes nothing except your own understanding.
"""

import jax, jax.numpy as jnp
import numpy as np

B, S, D = 4096, 200, 32

def setup_inputs(seed: int = 0) -> dict:
    key = jax.random.key(seed)
    k1, k2, k3, k4, k5, k6 = jax.random.split(key, 6)
    nucleotides = jax.random.randint(k1, (B, S), 0, 5)
    positions = jax.random.randint(k2, (B, S), 0, 3)
    # nn.Embedding(5, D, padding_idx=4): row 4 initialized to zeros
    base_table = jax.random.normal(k3, (5, D), dtype=jnp.float32).at[4].set(0.0)
    pos_table = jax.random.normal(k4, (3, D), dtype=jnp.float32)
    # nn.Linear(2D, D): store as (2D, D) so y = x @ W + b
    W = (jax.random.normal(k5, (2 * D, D), dtype=jnp.float32) * (1.0 / np.sqrt(2 * D)))
    b = jax.random.normal(k6, (D,), dtype=jnp.float32) * 0.01
    return {"nucleotides": nucleotides, "positions": positions,
            "base_table": base_table, "pos_table": pos_table, "W": W, "b": b}


def reference(nucleotides, positions, base_table, pos_table, W, b):
    base_emb = jnp.take(base_table, nucleotides, axis=0)      # (B, S, D)
    pos_emb = jnp.take(pos_table, positions, axis=0)          # (B, S, D)
    combined = jnp.concatenate([base_emb, pos_emb], axis=-1)  # (B, S, 2D)
    return combined @ W + b                                   # (B, S, D)

if __name__ == "__main__":
    import jax
    _d = setup_inputs()
    print(jax.jit(kernel)(*tuple(_d.values())))

</pallas_src>

<mosaic_0001>
#map = affine_map<(d0, d1) -> (0, 0)>
module attributes {stable_mosaic.version = 14 : i64} {
  func.func @_sc_body(%arg0: i32, %arg1: i32, %arg2: memref<65536x128xf32, #tpu.memory_space<hbm>>, %arg3: memref<200x4096xi32, #tpu.memory_space<hbm>>, %arg4: memref<200x4096xi32, #tpu.memory_space<hbm>>, %arg5: memref<204800x128xf32, #tpu.memory_space<hbm>>, %arg6: memref<1024xi32, #tpu.memory_space<vmem>>, %arg7: memref<1024xi32, #tpu.memory_space<vmem>>, %arg8: memref<1024xi32, #tpu.memory_space<vmem>>, %arg9: memref<1024xi32, #tpu.memory_space<vmem>>, %arg10: memref<256xi32, #tpu.memory_space<vmem>>, %arg11: memref<256xi32, #tpu.memory_space<vmem>>, %arg12: memref<256x128xf32, #tpu.memory_space<vmem>>, %arg13: memref<256x128xf32, #tpu.memory_space<vmem>>, %arg14: memref<!tpu.dma_semaphore, #tpu.memory_space<semaphore_mem>>, %arg15: memref<!tpu.dma_semaphore, #tpu.memory_space<semaphore_mem>>, %arg16: memref<!tpu.dma_semaphore, #tpu.memory_space<semaphore_mem>>, %arg17: memref<!tpu.dma_semaphore, #tpu.memory_space<semaphore_mem>>, %arg18: memref<!tpu.dma_semaphore, #tpu.memory_space<semaphore_mem>>, %arg19: memref<!tpu.dma_semaphore, #tpu.memory_space<semaphore_mem>>) attributes {dimension_semantics = [#tpu.dimension_semantics<core_parallel>, #tpu.dimension_semantics<subcore_parallel>], iteration_bounds = array<i64: 2, 16>, scalar_prefetch = 0 : i64, scratch_operands = 14 : i64, tpu.core_type = #tpu.core_type<sc_vector_subcore>, window_params = [{transform_indices = #map}, {transform_indices = #map}, {transform_indices = #map}, {transform_indices = #map}]} {
    %mul3A = arith.constant 2 : i32
    %mul3A_0 = arith.muli %arg1, %mul3A : i32
    %add3A = arith.addi %mul3A_0, %arg0 : i32
    %mul3A_1 = arith.constant 25 : i32
    %mul3A_2 = arith.muli %add3A, %mul3A_1 : i32
    %mul3A_3 = arith.constant 256 : i32
    %mul3A_4 = arith.muli %mul3A_2, %mul3A_3 : i32
    %mul3A_5 = arith.constant 25 : i32
    %mul3A_6 = arith.muli %add3A, %mul3A_5 : i32
    %add3A_7 = arith.constant 0 : i32
    %add3A_8 = arith.addi %add3A_7, %mul3A_6 : i32
    %add3A_9 = arith.constant 0 : i32
    %add3A_10 = arith.addi %add3A_8, %add3A_9 : i32
    %jit3A = arith.constant 4 : i32
    %div3A = arith.divsi %add3A_10, %jit3A : i32
    %sign3A = arith.constant 0 : i32
    %sign3A_11 = arith.cmpi sgt, %add3A_10, %sign3A : i32
    %sign3A_12 = arith.extui %sign3A_11 : i1 to i32
    %sign3A_13 = arith.constant 0 : i32
    %sign3A_14 = arith.cmpi slt, %add3A_10, %sign3A_13 : i32
    %sign3A_15 = arith.extui %sign3A_14 : i1 to i32
    %sign3A_16 = arith.subi %sign3A_12, %sign3A_15 : i32
    %sign3A_17 = arith.constant 0 : i32
    %sign3A_18 = arith.cmpi sgt, %jit3A, %sign3A_17 : i32
    %sign3A_19 = arith.extui %sign3A_18 : i1 to i32
    %sign3A_20 = arith.constant 0 : i32
    %sign3A_21 = arith.cmpi slt, %jit3A, %sign3A_20 : i32
    %sign3A_22 = arith.extui %sign3A_21 : i1 to i32
    %sign3A_23 = arith.subi %sign3A_19, %sign3A_22 : i32
    %ne3A = arith.cmpi ne, %sign3A_16, %sign3A_23 : i32
    %rem3A = arith.remsi %add3A_10, %jit3A : i32
    %ne3A_24 = arith.constant 0 : i32
    %ne3A_25 = arith.cmpi ne, %rem3A, %ne3A_24 : i32
    %and3A = arith.andi %ne3A, %ne3A_25 : i1
    %sub3A = arith.constant 1 : i32
    %sub3A_26 = arith.subi %div3A, %sub3A : i32
    %select_n3A = arith.select %and3A, %sub3A_26, %div3A : i32
    %jit3A_27 = arith.constant 4 : i32
    %eq3A = arith.constant 0 : i32
    %eq3A_28 = arith.cmpi eq, %jit3A_27, %eq3A : i32
    %jit3A_29 = arith.constant 1 : i32
    %select_n3A_30 = arith.select %eq3A_28, %jit3A_29, %jit3A_27 : i32
    %rem3A_31 = arith.remsi %add3A_10, %select_n3A_30 : i32
    %ne3A_32 = arith.constant 0 : i32
    %ne3A_33 = arith.cmpi ne, %rem3A_31, %ne3A_32 : i32
    %lt3A = arith.constant 0 : i32
    %lt3A_34 = arith.cmpi slt, %rem3A_31, %lt3A : i32
    %lt3A_35 = arith.constant 0 : i32
    %lt3A_36 = arith.cmpi slt, %select_n3A_30, %lt3A_35 : i32
    %ne3A_37 = arith.xori %lt3A_34, %lt3A_36 : i1
    %and3A_38 = arith.andi %ne3A_37, %ne3A_33 : i1
    %add3A_39 = arith.addi %rem3A_31, %select_n3A_30 : i32
    %select_n3A_40 = arith.select %and3A_38, %add3A_39, %rem3A_31 : i32
    %mul3A_41 = arith.constant 1024 : i32
    %mul3A_42 = arith.muli %select_n3A_40, %mul3A_41 : i32
    %dma_start3A = tpu.memref_slice %arg3[%select_n3A, %mul3A_42] : memref<200x4096xi32, #tpu.memory_space<hbm>> -> memref<1x1024xi32, #tpu.memory_space<hbm>>
    %dma_start3A_43 = tpu.memref_squeeze %dma_start3A : memref<1x1024xi32, #tpu.memory_space<hbm>> -> memref<1024xi32, #tpu.memory_space<hbm>>
    %dma_start3A_44 = tpu.memref_slice %arg3[%select_n3A, %mul3A_42] : memref<200x4096xi32, #tpu.memory_space<hbm>> -> memref<1x1024xi32, #tpu.memory_space<hbm>>
    %dma_start3A_45 = tpu.memref_squeeze %dma_start3A_44 : memref<1x1024xi32, #tpu.memory_space<hbm>> -> memref<1024xi32, #tpu.memory_space<hbm>>
    tpu.enqueue_dma source(%dma_start3A_45 : memref<1024xi32, #tpu.memory_space<hbm>>) target(%arg6 : memref<1024xi32, #tpu.memory_space<vmem>>) target_semaphore(%arg14 : memref<!tpu.dma_semaphore, #tpu.memory_space<semaphore_mem>>)
    %dma_start3A_46 = tpu.memref_slice %arg4[%select_n3A, %mul3A_42] : memref<200x4096xi32, #tpu.memory_space<hbm>> -> memref<1x1024xi32, #tpu.memory_space<hbm>>
    %dma_start3A_47 = tpu.memref_squeeze %dma_start3A_46 : memref<1x1024xi32, #tpu.memory_space<hbm>> -> memref<1024xi32, #tpu.memory_space<hbm>>
    %dma_start3A_48 = tpu.memref_slice %arg4[%select_n3A, %mul3A_42] : memref<200x4096xi32, #tpu.memory_space<hbm>> -> memref<1x1024xi32, #tpu.memory_space<hbm>>
    %dma_start3A_49 = tpu.memref_squeeze %dma_start3A_48 : memref<1x1024xi32, #tpu.memory_space<hbm>> -> memref<1024xi32, #tpu.memory_space<hbm>>
    tpu.enqueue_dma source(%dma_start3A_49 : memref<1024xi32, #tpu.memory_space<hbm>>) target(%arg8 : memref<1024xi32, #tpu.memory_space<vmem>>) target_semaphore(%arg14 : memref<!tpu.dma_semaphore, #tpu.memory_space<semaphore_mem>>)
    %mul3A_50 = arith.constant 25 : i32
    %mul3A_51 = arith.muli %add3A, %mul3A_50 : i32
    %add3A_52 = arith.constant 0 : i32
    %add3A_53 = arith.addi %add3A_52, %mul3A_51 : i32
    %add3A_54 = arith.constant 1 : i32
    %add3A_55 = arith.addi %add3A_53, %add3A_54 : i32
    %jit3A_56 = arith.constant 4 : i32
    %div3A_57 = arith.divsi %add3A_55, %jit3A_56 : i32
    %sign3A_58 = arith.constant 0 : i32
    %sign3A_59 = arith.cmpi sgt, %add3A_55, %sign3A_58 : i32
    %sign3A_60 = arith.extui %sign3A_59 : i1 to i32
    %sign3A_61 = arith.constant 0 : i32
    %sign3A_62 = arith.cmpi slt, %add3A_55, %sign3A_61 : i32
    %sign3A_63 = arith.extui %sign3A_62 : i1 to i32
    %sign3A_64 = arith.subi %sign3A_60, %sign3A_63 : i32
    %sign3A_65 = arith.constant 0 : i32
    %sign3A_66 = arith.cmpi sgt, %jit3A_56, %sign3A_65 : i32
    %sign3A_67 = arith.extui %sign3A_66 : i1 to i32
    %sign3A_68 = arith.constant 0 : i32
    %sign3A_69 = arith.cmpi slt, %jit3A_56, %sign3A_68 : i32
    %sign3A_70 = arith.extui %sign3A_69 : i1 to i32
    %sign3A_71 = arith.subi %sign3A_67, %sign3A_70 : i32
    %ne3A_72 = arith.cmpi ne, %sign3A_64, %sign3A_71 : i32
    %rem3A_73 = arith.remsi %add3A_55, %jit3A_56 : i32
    %ne3A_74 = arith.constant 0 : i32
    %ne3A_75 = arith.cmpi ne, %rem3A_73, %ne3A_74 : i32
    %and3A_76 = arith.andi %ne3A_72, %ne3A_75 : i1
    %sub3A_77 = arith.constant 1 : i32
    %sub3A_78 = arith.subi %div3A_57, %sub3A_77 : i32
    %select_n3A_79 = arith.select %and3A_76, %sub3A_78, %div3A_57 : i32
    %jit3A_80 = arith.constant 4 : i32
    %eq3A_81 = arith.constant 0 : i32
    %eq3A_82 = arith.cmpi eq, %jit3A_80, %eq3A_81 : i32
    %jit3A_83 = arith.constant 1 : i32
    %select_n3A_84 = arith.select %eq3A_82, %jit3A_83, %jit3A_80 : i32
    %rem3A_85 = arith.remsi %add3A_55, %select_n3A_84 : i32
    %ne3A_86 = arith.constant 0 : i32
    %ne3A_87 = arith.cmpi ne, %rem3A_85, %ne3A_86 : i32
    %lt3A_88 = arith.constant 0 : i32
    %lt3A_89 = arith.cmpi slt, %rem3A_85, %lt3A_88 : i32
    %lt3A_90 = arith.constant 0 : i32
    %lt3A_91 = arith.cmpi slt, %select_n3A_84, %lt3A_90 : i32
    %ne3A_92 = arith.xori %lt3A_89, %lt3A_91 : i1
    %and3A_93 = arith.andi %ne3A_92, %ne3A_87 : i1
    %add3A_94 = arith.addi %rem3A_85, %select_n3A_84 : i32
    %select_n3A_95 = arith.select %and3A_93, %add3A_94, %rem3A_85 : i32
    %mul3A_96 = arith.constant 1024 : i32
    %mul3A_97 = arith.muli %select_n3A_95, %mul3A_96 : i32
    %dma_start3A_98 = tpu.memref_slice %arg3[%select_n3A_79, %mul3A_97] : memref<200x4096xi32, #tpu.memory_space<hbm>> -> memref<1x1024xi32, #tpu.memory_space<hbm>>
    %dma_start3A_99 = tpu.memref_squeeze %dma_start3A_98 : memref<1x1024xi32, #tpu.memory_space<hbm>> -> memref<1024xi32, #tpu.memory_space<hbm>>
    %dma_start3A_100 = tpu.memref_slice %arg3[%select_n3A_79, %mul3A_97] : memref<200x4096xi32, #tpu.memory_space<hbm>> -> memref<1x1024xi32, #tpu.memory_space<hbm>>
    %dma_start3A_101 = tpu.memref_squeeze %dma_start3A_100 : memref<1x1024xi32, #tpu.memory_space<hbm>> -> memref<1024xi32, #tpu.memory_space<hbm>>
    tpu.enqueue_dma source(%dma_start3A_101 : memref<1024xi32, #tpu.memory_space<hbm>>) target(%arg7 : memref<1024xi32, #tpu.memory_space<vmem>>) target_semaphore(%arg15 : memref<!tpu.dma_semaphore, #tpu.memory_space<semaphore_mem>>)
    %dma_start3A_102 = tpu.memref_slice %arg4[%select_n3A_79, %mul3A_97] : memref<200x4096xi32, #tpu.memory_space<hbm>> -> memref<1x1024xi32, #tpu.memory_space<hbm>>
    %dma_start3A_103 = tpu.memref_squeeze %dma_start3A_102 : memref<1x1024xi32, #tpu.memory_space<hbm>> -> memref<1024xi32, #tpu.memory_space<hbm>>
    %dma_start3A_104 = tpu.memref_slice %arg4[%select_n3A_79, %mul3A_97] : memref<200x4096xi32, #tpu.memory_space<hbm>> -> memref<1x1024xi32, #tpu.memory_space<hbm>>
    %dma_start3A_105 = tpu.memref_squeeze %dma_start3A_104 : memref<1x1024xi32, #tpu.memory_space<hbm>> -> memref<1024xi32, #tpu.memory_space<hbm>>
    tpu.enqueue_dma source(%dma_start3A_105 : memref<1024xi32, #tpu.memory_space<hbm>>) target(%arg9 : memref<1024xi32, #tpu.memory_space<vmem>>) target_semaphore(%arg15 : memref<!tpu.dma_semaphore, #tpu.memory_space<semaphore_mem>>)
    %scan3A = arith.constant 0 : i32
    %scan3A_106 = arith.constant 12 : i32
    %scan3A_107 = arith.addi %scan3A, %scan3A_106 : i32
    %scan3A_108 = arith.constant 1 : i32
    scf.for %scan3A_206 = %scan3A to %scan3A_107 step %scan3A_108  : i32 {
      %mul3A_207 = arith.constant 1 : i32
      %mul3A_208 = arith.muli %scan3A_206, %mul3A_207 : i32
      %add3A_209 = arith.constant 0 : i32
      %add3A_210 = arith.addi %add3A_209, %mul3A_208 : i32
      %mul3A_211 = arith.constant 2 : i32
      %mul3A_212 = arith.muli %add3A_210, %mul3A_211 : i32
      %add3A_213 = arith.constant 0 : i32
      %add3A_214 = arith.addi %mul3A_212, %add3A_213 : i32
      %dma_wait3A_215 = arith.constant 0 : i32
      %dma_wait3A_216 = arith.constant 0 : i32
      %dma_wait3A_217 = tpu.memref_slice %arg3[%dma_wait3A_215, %dma_wait3A_216] : memref<200x4096xi32, #tpu.memory_space<hbm>> -> memref<1x1024xi32, #tpu.memory_space<hbm>>
      %dma_wait3A_218 = tpu.memref_squeeze %dma_wait3A_217 : memref<1x1024xi32, #tpu.memory_space<hbm>> -> memref<1024xi32, #tpu.memory_space<hbm>>
      %dma_wait3A_219 = arith.constant 0 : i32
      %dma_wait3A_220 = tpu.memref_slice %arg3[%dma_wait3A_215, %dma_wait3A_219] : memref<200x4096xi32, #tpu.memory_space<hbm>> -> memref<1x1024xi32, #tpu.memory_space<hbm>>
      %dma_wait3A_221 = tpu.memref_squeeze %dma_wait3A_220 : memref<1x1024xi32, #tpu.memory_space<hbm>> -> memref<1024xi32, #tpu.memory_space<hbm>>
      tpu.wait_dma2 semaphore(%arg14 : memref<!tpu.dma_semaphore, #tpu.memory_space<semaphore_mem>>) src(%dma_wait3A_221 : memref<1024xi32, #tpu.memory_space<hbm>>) dst(%arg6 : memref<1024xi32, #tpu.memory_space<vmem>>)
      %dma_wait3A_222 = arith.constant 0 : i32
      %dma_wait3A_223 = arith.constant 0 : i32
      %dma_wait3A_224 = tpu.memref_slice %arg4[%dma_wait3A_222, %dma_wait3A_223] : memref<200x4096xi32, #tpu.memory_space<hbm>> -> memref<1x1024xi32, #tpu.memory_space<hbm>>
      %dma_wait3A_225 = tpu.memref_squeeze %dma_wait3A_224 : memref<1x1024xi32, #tpu.memory_space<hbm>> -> memref<1024xi32, #tpu.memory_space<hbm>>
      %dma_wait3A_226 = arith.constant 0 : i32
      %dma_wait3A_227 = tpu.memref_slice %arg4[%dma_wait3A_222, %dma_wait3A_226] : memref<200x4096xi32, #tpu.memory_space<hbm>> -> memref<1x1024xi32, #tpu.memory_space<hbm>>
      %dma_wait3A_228 = tpu.memref_squeeze %dma_wait3A_227 : memref<1x1024xi32, #tpu.memory_space<hbm>> -> memref<1024xi32, #tpu.memory_space<hbm>>
      tpu.wait_dma2 semaphore(%arg14 : memref<!tpu.dma_semaphore, #tpu.memory_space<semaphore_mem>>) src(%dma_wait3A_228 : memref<1024xi32, #tpu.memory_space<hbm>>) dst(%arg8 : memref<1024xi32, #tpu.memory_space<vmem>>)
      %ge3A = arith.constant 2 : i32
      %ge3A_229 = arith.cmpi sge, %add3A_214, %ge3A : i32
      %convert_element_type3A = arith.extui %ge3A_229 : i1 to i32
      %cond3A = arith.constant 0 : i32
      %cond3A_230 = arith.cmpi ne, %convert_element_type3A, %cond3A : i32
      scf.if %cond3A_230 {
        %dma_wait3A_320 = arith.constant 0 : i32
        %dma_wait3A_321 = arith.constant 0 : i32
        %dma_wait3A_322 = tpu.memref_slice %arg5[%dma_wait3A_320, %dma_wait3A_321] : memref<204800x128xf32, #tpu.memory_space<hbm>> -> memref<256x128xf32, #tpu.memory_space<hbm>>
        %dma_wait3A_323 = arith.constant 0 : i32
        %dma_wait3A_324 = arith.constant 0 : i32
        %dma_wait3A_325 = tpu.memref_slice %arg5[%dma_wait3A_323, %dma_wait3A_324] : memref<204800x128xf32, #tpu.memory_space<hbm>> -> memref<256x128xf32, #tpu.memory_space<hbm>>
        tpu.wait_dma2 semaphore(%arg18 : memref<!tpu.dma_semaphore, #tpu.memory_space<semaphore_mem>>) src(%arg12 : memref<256x128xf32, #tpu.memory_space<vmem>>) dst(%dma_wait3A_325 : memref<256x128xf32, #tpu.memory_space<hbm>>)
      } else {
      }
      %scan3A_231 = arith.constant 0 : i32
      %scan3A_232 = arith.constant 16 : i32
      %scan3A_233 = arith.addi %scan3A_231, %scan3A_232 : i32
      %scan3A_234 = arith.constant 1 : i32
      scf.for %scan3A_320 = %scan3A_231 to %scan3A_233 step %scan3A_234  : i32 {
        %mul3A_321 = arith.constant 16 : i32
        %mul3A_322 = arith.muli %scan3A_320, %mul3A_321 : i32
        %add3A_323 = arith.constant 0 : i32
        %add3A_324 = arith.addi %add3A_323, %mul3A_322 : i32
        %get3A = arith.index_cast %add3A_324 : i32 to index
        %get3A_325 = tpu.vector_load %arg6[%get3A] {strides = array<i32>} : memref<1024xi32, #tpu.memory_space<vmem>>, vector<16xi32>,
        %mul3A_326 = arith.constant 3 : i32
        %mul3A_327 = vector.broadcast %mul3A_326 : i32 to vector<16xi32>
        %mul3A_328 = arith.muli %get3A_325, %mul3A_327 : vector<16xi32>
        %get3A_329 = arith.index_cast %add3A_324 : i32 to index
        %get3A_330 = tpu.vector_load %arg8[%get3A_329] {strides = array<i32>} : memref<1024xi32, #tpu.memory_space<vmem>>, vector<16xi32>,
        %add3A_331 = arith.addi %mul3A_328, %get3A_330 : vector<16xi32>
        %add3A_332 = arith.constant 256 : i32
        %add3A_333 = arith.addi %add3A_324, %add3A_332 : i32
        %mul3A_334 = arith.constant 16 : i32
        %mul3A_335 = vector.broadcast %mul3A_334 : i32 to vector<16xi32>
        %mul3A_336 = arith.muli %add3A_331, %mul3A_335 : vector<16xi32>
        %get3A_337 = arith.index_cast %add3A_333 : i32 to index
        %get3A_338 = tpu.vector_load %arg6[%get3A_337] {strides = array<i32>} : memref<1024xi32, #tpu.memory_space<vmem>>, vector<16xi32>,
        %mul3A_339 = arith.constant 3 : i32
        %mul3A_340 = vector.broadcast %mul3A_339 : i32 to vector<16xi32>
        %mul3A_341 = arith.muli %get3A_338, %mul3A_340 : vector<16xi32>
        %get3A_342 = arith.index_cast %add3A_333 : i32 to index
        %get3A_343 = tpu.vector_load %arg8[%get3A_342] {strides = array<i32>} : memref<1024xi32, #tpu.memory_space<vmem>>, vector<16xi32>,
        %add3A_344 = arith.addi %mul3A_341, %get3A_343 : vector<16xi32>
        %add3A_345 = arith.addi %mul3A_336, %add3A_344 : vector<16xi32>
        %add3A_346 = arith.constant 512 : i32
        %add3A_347 = arith.addi %add3A_324, %add3A_346 : i32
        %mul3A_348 = arith.constant 16 : i32
        %mul3A_349 = vector.broadcast %mul3A_348 : i32 to vector<16xi32>
        %mul3A_350 = arith.muli %add3A_345, %mul3A_349 : vector<16xi32>
        %get3A_351 = arith.index_cast %add3A_347 : i32 to index
        %get3A_352 = tpu.vector_load %arg6[%get3A_351] {strides = array<i32>} : memref<1024xi32, #tpu.memory_space<vmem>>, vector<16xi32>,
        %mul3A_353 = arith.constant 3 : i32
        %mul3A_354 = vector.broadcast %mul3A_353 : i32 to vector<16xi32>
        %mul3A_355 = arith.muli %get3A_352, %mul3A_354 : vector<16xi32>
        %get3A_356 = arith.index_cast %add3A_347 : i32 to index
        %get3A_357 = tpu.vector_load %arg8[%get3A_356] {strides = array<i32>} : memref<1024xi32, #tpu.memory_space<vmem>>, vector<16xi32>,
        %add3A_358 = arith.addi %mul3A_355, %get3A_357 : vector<16xi32>
        %add3A_359 = arith.addi %mul3A_350, %add3A_358 : vector<16xi32>
        %add3A_360 = arith.constant 768 : i32
        %add3A_361 = arith.addi %add3A_324, %add3A_360 : i32
        %mul3A_362 = arith.constant 16 : i32
        %mul3A_363 = vector.broadcast %mul3A_362 : i32 to vector<16xi32>
        %mul3A_364 = arith.muli %add3A_359, %mul3A_363 : vector<16xi32>
        %get3A_365 = arith.index_cast %add3A_361 : i32 to index
        %get3A_366 = tpu.vector_load %arg6[%get3A_365] {strides = array<i32>} : memref<1024xi32, #tpu.memory_space<vmem>>, vector<16xi32>,
        %mul3A_367 = arith.constant 3 : i32
        %mul3A_368 = vector.broadcast %mul3A_367 : i32 to vector<16xi32>
        %mul3A_369 = arith.muli %get3A_366, %mul3A_368 : vector<16xi32>
        %get3A_370 = arith.index_cast %add3A_361 : i32 to index
        %get3A_371 = tpu.vector_load %arg8[%get3A_370] {strides = array<i32>} : memref<1024xi32, #tpu.memory_space<vmem>>, vector<16xi32>,
        %add3A_372 = arith.addi %mul3A_369, %get3A_371 : vector<16xi32>
        %add3A_373 = arith.addi %mul3A_364, %add3A_372 : vector<16xi32>
        %swap3A = arith.index_cast %add3A_324 : i32 to index
        %swap3A_374 = tpu.vector_load %arg10[%swap3A] {strides = array<i32>} : memref<256xi32, #tpu.memory_space<vmem>>, vector<16xi32>,
        tpu.vector_store %arg10[%swap3A], %add3A_373 {strides = array<i32>} : memref<256xi32, #tpu.memory_space<vmem>>, vector<16xi32>,
      }
      %scan3A_235 = arith.constant 16 : i32
      %dma_start3A_236 = arith.constant 0 : i32
      %dma_start3A_237 = arith.constant 0 : i32
      %dma_start3A_238 = tpu.memref_slice %arg12[%dma_start3A_236, %dma_start3A_237] : memref<256x128xf32, #tpu.memory_space<vmem>> -> memref<128x128xf32, #tpu.memory_space<vmem>>
      %dma_start3A_239 = arith.constant 0 : i32
      %dma_start3A_240 = tpu.memref_slice %arg10[%dma_start3A_239] : memref<256xi32, #tpu.memory_space<vmem>> -> memref<128xi32, #tpu.memory_space<vmem>>
      %dma_start3A_241 = arith.constant 0 : i32
      %dma_start3A_242 = arith.constant 0 : i32
      %dma_start3A_243 = tpu.memref_slice %arg2[%dma_start3A_241, %dma_start3A_242] : memref<65536x128xf32, #tpu.memory_space<hbm>> -> memref<65536x128xf32, #tpu.memory_space<hbm>>
      tpu.enqueue_indirect_dma source(%dma_start3A_243 : memref<65536x128xf32, #tpu.memory_space<hbm>>) target(%dma_start3A_238 : memref<128x128xf32, #tpu.memory_space<vmem>>) offsets(%dma_start3A_240 : memref<128xi32, #tpu.memory_space<vmem>>) semaphore(%arg16 : memref<!tpu.dma_semaphore, #tpu.memory_space<semaphore_mem>>)
      %dma_start3A_244 = arith.constant 128 : i32
      %dma_start3A_245 = arith.constant 0 : i32
      %dma_start3A_246 = tpu.memref_slice %arg12[%dma_start3A_244, %dma_start3A_245] : memref<256x128xf32, #tpu.memory_space<vmem>> -> memref<128x128xf32, #tpu.memory_space<vmem>>
      %dma_start3A_247 = arith.constant 128 : i32
      %dma_start3A_248 = tpu.memref_slice %arg10[%dma_start3A_247] : memref<256xi32, #tpu.memory_space<vmem>> -> memref<128xi32, #tpu.memory_space<vmem>>
      %dma_start3A_249 = arith.constant 0 : i32
      %dma_start3A_250 = arith.constant 0 : i32
      %dma_start3A_251 = tpu.memref_slice %arg2[%dma_start3A_249, %dma_start3A_250] : memref<65536x128xf32, #tpu.memory_space<hbm>> -> memref<65536x128xf32, #tpu.memory_space<hbm>>
      tpu.enqueue_indirect_dma source(%dma_start3A_251 : memref<65536x128xf32, #tpu.memory_space<hbm>>) target(%dma_start3A_246 : memref<128x128xf32, #tpu.memory_space<vmem>>) offsets(%dma_start3A_248 : memref<128xi32, #tpu.memory_space<vmem>>) semaphore(%arg16 : memref<!tpu.dma_semaphore, #tpu.memory_space<semaphore_mem>>)
      %add3A_252 = arith.constant 2 : i32
      %add3A_253 = arith.addi %add3A_214, %add3A_252 : i32
      %lt3A_254 = arith.constant 25 : i32
      %lt3A_255 = arith.cmpi slt, %add3A_253, %lt3A_254 : i32
      %convert_element_type3A_256 = arith.extui %lt3A_255 : i1 to i32
      %cond3A_257 = arith.constant 0 : i32
      %cond3A_258 = arith.cmpi ne, %convert_element_type3A_256, %cond3A_257 : i32
      scf.if %cond3A_258 {
        %add3A_320 = arith.constant 2 : i32
        %add3A_321 = arith.addi %add3A_214, %add3A_320 : i32
        %mul3A_322 = arith.constant 25 : i32
        %mul3A_323 = arith.muli %add3A, %mul3A_322 : i32
        %add3A_324 = arith.constant 0 : i32
        %add3A_325 = arith.addi %add3A_324, %mul3A_323 : i32
        %add3A_326 = arith.addi %add3A_325, %add3A_321 : i32
        %jit3A_327 = arith.constant 4 : i32
        %div3A_328 = arith.divsi %add3A_326, %jit3A_327 : i32
        %sign3A_329 = arith.constant 0 : i32
        %sign3A_330 = arith.cmpi sgt, %add3A_326, %sign3A_329 : i32
        %sign3A_331 = arith.extui %sign3A_330 : i1 to i32
        %sign3A_332 = arith.constant 0 : i32
        %sign3A_333 = arith.cmpi slt, %add3A_326, %sign3A_332 : i32
        %sign3A_334 = arith.extui %sign3A_333 : i1 to i32
        %sign3A_335 = arith.subi %sign3A_331, %sign3A_334 : i32
        %sign3A_336 = arith.constant 0 : i32
        %sign3A_337 = arith.cmpi sgt, %jit3A_327, %sign3A_336 : i32
        %sign3A_338 = arith.extui %sign3A_337 : i1 to i32
        %sign3A_339 = arith.constant 0 : i32
        %sign3A_340 = arith.cmpi slt, %jit3A_327, %sign3A_339 : i32
        %sign3A_341 = arith.extui %sign3A_340 : i1 to i32
        %sign3A_342 = arith.subi %sign3A_338, %sign3A_341 : i32
        %ne3A_343 = arith.cmpi ne, %sign3A_335, %sign3A_342 : i32
        %rem3A_344 = arith.remsi %add3A_326, %jit3A_327 : i32
        %ne3A_345 = arith.constant 0 : i32
        %ne3A_346 = arith.cmpi ne, %rem3A_344, %ne3A_345 : i32
        %and3A_347 = arith.andi %ne3A_343, %ne3A_346 : i1
        %sub3A_348 = arith.constant 1 : i32
        %sub3A_349 = arith.subi %div3A_328, %sub3A_348 : i32
        %select_n3A_350 = arith.select %and3A_347, %sub3A_349, %div3A_328 : i32
        %jit3A_351 = arith.constant 4 : i32
        %eq3A_352 = arith.constant 0 : i32
        %eq3A_353 = arith.cmpi eq, %jit3A_351, %eq3A_352 : i32
        %jit3A_354 = arith.constant 1 : i32
        %select_n3A_355 = arith.select %eq3A_353, %jit3A_354, %jit3A_351 : i32
        %rem3A_356 = arith.remsi %add3A_326, %select_n3A_355 : i32
        %ne3A_357 = arith.constant 0 : i32
        %ne3A_358 = arith.cmpi ne, %rem3A_356, %ne3A_357 : i32
        %lt3A_359 = arith.constant 0 : i32
        %lt3A_360 = arith.cmpi slt, %rem3A_356, %lt3A_359 : i32
        %lt3A_361 = arith.constant 0 : i32
        %lt3A_362 = arith.cmpi slt, %select_n3A_355, %lt3A_361 : i32
        %ne3A_363 = arith.xori %lt3A_360, %lt3A_362 : i1
        %and3A_364 = arith.andi %ne3A_363, %ne3A_358 : i1
        %add3A_365 = arith.addi %rem3A_356, %select_n3A_355 : i32
        %select_n3A_366 = arith.select %and3A_364, %add3A_365, %rem3A_356 : i32
        %mul3A_367 = arith.constant 1024 : i32
        %mul3A_368 = arith.muli %select_n3A_366, %mul3A_367 : i32
        %dma_start3A_369 = tpu.memref_slice %arg3[%select_n3A_350, %mul3A_368] : memref<200x4096xi32, #tpu.memory_space<hbm>> -> memref<1x1024xi32, #tpu.memory_space<hbm>>
        %dma_start3A_370 = tpu.memref_squeeze %dma_start3A_369 : memref<1x1024xi32, #tpu.memory_space<hbm>> -> memref<1024xi32, #tpu.memory_space<hbm>>
        %dma_start3A_371 = tpu.memref_slice %arg3[%select_n3A_350, %mul3A_368] : memref<200x4096xi32, #tpu.memory_space<hbm>> -> memref<1x1024xi32, #tpu.memory_space<hbm>>
        %dma_start3A_372 = tpu.memref_squeeze %dma_start3A_371 : memref<1x1024xi32, #tpu.memory_space<hbm>> -> memref<1024xi32, #tpu.memory_space<hbm>>
        tpu.enqueue_dma source(%dma_start3A_372 : memref<1024xi32, #tpu.memory_space<hbm>>) target(%arg6 : memref<1024xi32, #tpu.memory_space<vmem>>) target_semaphore(%arg14 : memref<!tpu.dma_semaphore, #tpu.memory_space<semaphore_mem>>)
        %dma_start3A_373 = tpu.memref_slice %arg4[%select_n3A_350, %mul3A_368] : memref<200x4096xi32, #tpu.memory_space<hbm>> -> memref<1x1024xi32, #tpu.memory_space<hbm>>
        %dma_start3A_374 = tpu.memref_squeeze %dma_start3A_373 : memref<1x1024xi32, #tpu.memory_space<hbm>> -> memref<1024xi32, #tpu.memory_space<hbm>>
        %dma_start3A_375 = tpu.memref_slice %arg4[%select_n3A_350, %mul3A_368] : memref<200x4096xi32, #tpu.memory_space<hbm>> -> memref<1x1024xi32, #tpu.memory_space<hbm>>
        %dma_start3A_376 = tpu.memref_squeeze %dma_start3A_375 : memref<1x1024xi32, #tpu.memory_space<hbm>> -> memref<1024xi32, #tpu.memory_space<hbm>>
        tpu.enqueue_dma source(%dma_start3A_376 : memref<1024xi32, #tpu.memory_space<hbm>>) target(%arg8 : memref<1024xi32, #tpu.memory_space<vmem>>) target_semaphore(%arg14 : memref<!tpu.dma_semaphore, #tpu.memory_space<semaphore_mem>>)
      } else {
      }
      %ge3A_259 = arith.constant 1 : i32
      %ge3A_260 = arith.cmpi sge, %add3A_214, %ge3A_259 : i32
      %convert_element_type3A_261 = arith.extui %ge3A_260 : i1 to i32
      %cond3A_262 = arith.constant 0 : i32
      %cond3A_263 = arith.cmpi ne, %convert_element_type3A_261, %cond3A_262 : i32
      scf.if %cond3A_263 {
        %dma_wait3A_320 = arith.constant 0 : i32
        %dma_wait3A_321 = arith.constant 0 : i32
        %dma_wait3A_322 = tpu.memref_slice %arg13[%dma_wait3A_320, %dma_wait3A_321] : memref<256x128xf32, #tpu.memory_space<vmem>> -> memref<128x128xf32, #tpu.memory_space<vmem>>
        %dma_wait3A_323 = arith.constant 0 : i32
        %dma_wait3A_324 = tpu.memref_slice %arg11[%dma_wait3A_323] : memref<256xi32, #tpu.memory_space<vmem>> -> memref<128xi32, #tpu.memory_space<vmem>>
        %dma_wait3A_325 = arith.constant 0 : i32
        %dma_wait3A_326 = arith.constant 0 : i32
        %dma_wait3A_327 = tpu.memref_slice %arg2[%dma_wait3A_325, %dma_wait3A_326] : memref<65536x128xf32, #tpu.memory_space<hbm>> -> memref<65536x128xf32, #tpu.memory_space<hbm>>
        tpu.wait_indirect_dma semaphore(%arg17 : memref<!tpu.dma_semaphore, #tpu.memory_space<semaphore_mem>>) src(%dma_wait3A_327 : memref<65536x128xf32, #tpu.memory_space<hbm>>) dst(%dma_wait3A_322 : memref<128x128xf32, #tpu.memory_space<vmem>>)
        %dma_wait3A_328 = arith.constant 128 : i32
        %dma_wait3A_329 = arith.constant 0 : i32
        %dma_wait3A_330 = tpu.memref_slice %arg13[%dma_wait3A_328, %dma_wait3A_329] : memref<256x128xf32, #tpu.memory_space<vmem>> -> memref<128x128xf32, #tpu.memory_space<vmem>>
        %dma_wait3A_331 = arith.constant 128 : i32
        %dma_wait3A_332 = tpu.memref_slice %arg11[%dma_wait3A_331] : memref<256xi32, #tpu.memory_space<vmem>> -> memref<128xi32, #tpu.memory_space<vmem>>
        %dma_wait3A_333 = arith.constant 0 : i32
        %dma_wait3A_334 = arith.constant 0 : i32
        %dma_wait3A_335 = tpu.memref_slice %arg2[%dma_wait3A_333, %dma_wait3A_334] : memref<65536x128xf32, #tpu.memory_space<hbm>> -> memref<65536x128xf32, #tpu.memory_space<hbm>>
        tpu.wait_indirect_dma semaphore(%arg17 : memref<!tpu.dma_semaphore, #tpu.memory_space<semaphore_mem>>) src(%dma_wait3A_335 : memref<65536x128xf32, #tpu.memory_space<hbm>>) dst(%dma_wait3A_330 : memref<128x128xf32, #tpu.memory_space<vmem>>)
        %sub3A_336 = arith.constant 1 : i32
        %sub3A_337 = arith.subi %add3A_214, %sub3A_336 : i32
        %mul3A_338 = arith.constant 256 : i32
        %mul3A_339 = arith.muli %sub3A_337, %mul3A_338 : i32
        %add3A_340 = arith.addi %mul3A_4, %mul3A_339 : i32
        %dma_start3A_341 = arith.constant 0 : i32
        %dma_start3A_342 = tpu.memref_slice %arg5[%add3A_340, %dma_start3A_341] : memref<204800x128xf32, #tpu.memory_space<hbm>> -> memref<256x128xf32, #tpu.memory_space<hbm>>
        %dma_start3A_343 = arith.constant 0 : i32
        %dma_start3A_344 = tpu.memref_slice %arg5[%add3A_340, %dma_start3A_343] : memref<204800x128xf32, #tpu.memory_space<hbm>> -> memref<256x128xf32, #tpu.memory_space<hbm>>
        tpu.enqueue_dma source(%arg13 : memref<256x128xf32, #tpu.memory_space<vmem>>) target(%dma_start3A_344 : memref<256x128xf32, #tpu.memory_space<hbm>>) target_semaphore(%arg19 : memref<!tpu.dma_semaphore, #tpu.memory_space<semaphore_mem>>)
      } else {
      }
      %mul3A_264 = arith.constant 2 : i32
      %mul3A_265 = arith.muli %add3A_210, %mul3A_264 : i32
      %add3A_266 = arith.constant 1 : i32
      %add3A_267 = arith.addi %mul3A_265, %add3A_266 : i32
      %dma_wait3A_268 = arith.constant 0 : i32
      %dma_wait3A_269 = arith.constant 0 : i32
      %dma_wait3A_270 = tpu.memref_slice %arg3[%dma_wait3A_268, %dma_wait3A_269] : memref<200x4096xi32, #tpu.memory_space<hbm>> -> memref<1x1024xi32, #tpu.memory_space<hbm>>
      %dma_wait3A_271 = tpu.memref_squeeze %dma_wait3A_270 : memref<1x1024xi32, #tpu.memory_space<hbm>> -> memref<1024xi32, #tpu.memory_space<hbm>>
      %dma_wait3A_272 = arith.constant 0 : i32
      %dma_wait3A_273 = tpu.memref_slice %arg3[%dma_wait3A_268, %dma_wait3A_272] : memref<200x4096xi32, #tpu.memory_space<hbm>> -> memref<1x1024xi32, #tpu.memory_space<hbm>>
      %dma_wait3A_274 = tpu.memref_squeeze %dma_wait3A_273 : memref<1x1024xi32, #tpu.memory_space<hbm>> -> memref<1024xi32, #tpu.memory_space<hbm>>
      tpu.wait_dma2 semaphore(%arg15 : memref<!tpu.dma_semaphore, #tpu.memory_space<semaphore_mem>>) src(%dma_wait3A_274 : memref<1024xi32, #tpu.memory_space<hbm>>) dst(%arg7 : memref<1024xi32, #tpu.memory_space<vmem>>)
      %dma_wait3A_275 = arith.constant 0 : i32
      %dma_wait3A_276 = arith.constant 0 : i32
      %dma_wait3A_277 = tpu.memref_slice %arg4[%dma_wait3A_275, %dma_wait3A_276] : memref<200x4096xi32, #tpu.memory_space<hbm>> -> memref<1x1024xi32, #tpu.memory_space<hbm>>
      %dma_wait3A_278 = tpu.memref_squeeze %dma_wait3A_277 : memref<1x1024xi32, #tpu.memory_space<hbm>> -> memref<1024xi32, #tpu.memory_space<hbm>>
      %dma_wait3A_279 = arith.constant 0 : i32
      %dma_wait3A_280 = tpu.memref_slice %arg4[%dma_wait3A_275, %dma_wait3A_279] : memref<200x4096xi32, #tpu.memory_space<hbm>> -> memref<1x1024xi32, #tpu.memory_space<hbm>>
      %dma_wait3A_281 = tpu.memref_squeeze %dma_wait3A_280 : memref<1x1024xi32, #tpu.memory_space<hbm>> -> memref<1024xi32, #tpu.memory_space<hbm>>
      tpu.wait_dma2 semaphore(%arg15 : memref<!tpu.dma_semaphore, #tpu.memory_space<semaphore_mem>>) src(%dma_wait3A_281 : memref<1024xi32, #tpu.memory_space<hbm>>) dst(%arg9 : memref<1024xi32, #tpu.memory_space<vmem>>)
      %ge3A_282 = arith.constant 2 : i32
      %ge3A_283 = arith.cmpi sge, %add3A_267, %ge3A_282 : i32
      %convert_element_type3A_284 = arith.extui %ge3A_283 : i1 to i32
      %cond3A_285 = arith.constant 0 : i32
      %cond3A_286 = arith.cmpi ne, %convert_element_type3A_284, %cond3A_285 : i32
      scf.if %cond3A_286 {
        %dma_wait3A_320 = arith.constant 0 : i32
        %dma_wait3A_321 = arith.constant 0 : i32
        %dma_wait3A_322 = tpu.memref_slice %arg5[%dma_wait3A_320, %dma_wait3A_321] : memref<204800x128xf32, #tpu.memory_space<hbm>> -> memref<256x128xf32, #tpu.memory_space<hbm>>
        %dma_wait3A_323 = arith.constant 0 : i32
        %dma_wait3A_324 = arith.constant 0 : i32
        %dma_wait3A_325 = tpu.memref_slice %arg5[%dma_wait3A_323, %dma_wait3A_324] : memref<204800x128xf32, #tpu.memory_space<hbm>> -> memref<256x128xf32, #tpu.memory_space<hbm>>
        tpu.wait_dma2 semaphore(%arg19 : memref<!tpu.dma_semaphore, #tpu.memory_space<semaphore_mem>>) src(%arg13 : memref<256x128xf32, #tpu.memory_space<vmem>>) dst(%dma_wait3A_325 : memref<256x128xf32, #tpu.memory_space<hbm>>)
      } else {
      }
      %scan3A_287 = arith.constant 0 : i32
      %scan3A_288 = arith.constant 16 : i32
      %scan3A_289 = arith.addi %scan3A_287, %scan3A_288 : i32
      %scan3A_290 = arith.constant 1 : i32
      scf.for %scan3A_320 = %scan3A_287 to %scan3A_289 step %scan3A_290  : i32 {
        %mul3A_321 = arith.constant 16 : i32
        %mul3A_322 = arith.muli %scan3A_320, %mul3A_321 : i32
        %add3A_323 = arith.constant 0 : i32
        %add3A_324 = arith.addi %add3A_323, %mul3A_322 : i32
        %get3A = arith.index_cast %add3A_324 : i32 to index
        %get3A_325 = tpu.vector_load %arg7[%get3A] {strides = array<i32>} : memref<1024xi32, #tpu.memory_space<vmem>>, vector<16xi32>,
        %mul3A_326 = arith.constant 3 : i32
        %mul3A_327 = vector.broadcast %mul3A_326 : i32 to vector<16xi32>
        %mul3A_328 = arith.muli %get3A_325, %mul3A_327 : vector<16xi32>
        %get3A_329 = arith.index_cast %add3A_324 : i32 to index
        %get3A_330 = tpu.vector_load %arg9[%get3A_329] {strides = array<i32>} : memref<1024xi32, #tpu.memory_space<vmem>>, vector<16xi32>,
        %add3A_331 = arith.addi %mul3A_328, %get3A_330 : vector<16xi32>
        %add3A_332 = arith.constant 256 : i32
        %add3A_333 = arith.addi %add3A_324, %add3A_332 : i32
        %mul3A_334 = arith.constant 16 : i32
        %mul3A_335 = vector.broadcast %mul3A_334 : i32 to vector<16xi32>
        %mul3A_336 = arith.muli %add3A_331, %mul3A_335 : vector<16xi32>
        %get3A_337 = arith.index_cast %add3A_333 : i32 to index
        %get3A_338 = tpu.vector_load %arg7[%get3A_337] {strides = array<i32>} : memref<1024xi32, #tpu.memory_space<vmem>>, vector<16xi32>,
        %mul3A_339 = arith.constant 3 : i32
        %mul3A_340 = vector.broadcast %mul3A_339 : i32 to vector<16xi32>
        %mul3A_341 = arith.muli %get3A_338, %mul3A_340 : vector<16xi32>
        %get3A_342 = arith.index_cast %add3A_333 : i32 to index
        %get3A_343 = tpu.vector_load %arg9[%get3A_342] {strides = array<i32>} : memref<1024xi32, #tpu.memory_space<vmem>>, vector<16xi32>,
        %add3A_344 = arith.addi %mul3A_341, %get3A_343 : vector<16xi32>
        %add3A_345 = arith.addi %mul3A_336, %add3A_344 : vector<16xi32>
        %add3A_346 = arith.constant 512 : i32
        %add3A_347 = arith.addi %add3A_324, %add3A_346 : i32
        %mul3A_348 = arith.constant 16 : i32
        %mul3A_349 = vector.broadcast %mul3A_348 : i32 to vector<16xi32>
        %mul3A_350 = arith.muli %add3A_345, %mul3A_349 : vector<16xi32>
        %get3A_351 = arith.index_cast %add3A_347 : i32 to index
        %get3A_352 = tpu.vector_load %arg7[%get3A_351] {strides = array<i32>} : memref<1024xi32, #tpu.memory_space<vmem>>, vector<16xi32>,
        %mul3A_353 = arith.constant 3 : i32
        %mul3A_354 = vector.broadcast %mul3A_353 : i32 to vector<16xi32>
        %mul3A_355 = arith.muli %get3A_352, %mul3A_354 : vector<16xi32>
        %get3A_356 = arith.index_cast %add3A_347 : i32 to index
        %get3A_357 = tpu.vector_load %arg9[%get3A_356] {strides = array<i32>} : memref<1024xi32, #tpu.memory_space<vmem>>, vector<16xi32>,
        %add3A_358 = arith.addi %mul3A_355, %get3A_357 : vector<16xi32>
        %add3A_359 = arith.addi %mul3A_350, %add3A_358 : vector<16xi32>
        %add3A_360 = arith.constant 768 : i32
        %add3A_361 = arith.addi %add3A_324, %add3A_360 : i32
        %mul3A_362 = arith.constant 16 : i32
        %mul3A_363 = vector.broadcast %mul3A_362 : i32 to vector<16xi32>
        %mul3A_364 = arith.muli %add3A_359, %mul3A_363 : vector<16xi32>
        %get3A_365 = arith.index_cast %add3A_361 : i32 to index
        %get3A_366 = tpu.vector_load %arg7[%get3A_365] {strides = array<i32>} : memref<1024xi32, #tpu.memory_space<vmem>>, vector<16xi32>,
        %mul3A_367 = arith.constant 3 : i32
        %mul3A_368 = vector.broadcast %mul3A_367 : i32 to vector<16xi32>
        %mul3A_369 = arith.muli %get3A_366, %mul3A_368 : vector<16xi32>
        %get3A_370 = arith.index_cast %add3A_361 : i32 to index
        %get3A_371 = tpu.vector_load %arg9[%get3A_370] {strides = array<i32>} : memref<1024xi32, #tpu.memory_space<vmem>>, vector<16xi32>,
        %add3A_372 = arith.addi %mul3A_369, %get3A_371 : vector<16xi32>
        %add3A_373 = arith.addi %mul3A_364, %add3A_372 : vector<16xi32>
        %swap3A = arith.index_cast %add3A_324 : i32 to index
        %swap3A_374 = tpu.vector_load %arg11[%swap3A] {strides = array<i32>} : memref<256xi32, #tpu.memory_space<vmem>>, vector<16xi32>,
        tpu.vector_store %arg11[%swap3A], %add3A_373 {strides = array<i32>} : memref<256xi32, #tpu.memory_space<vmem>>, vector<16xi32>,
      }
      %scan3A_291 = arith.constant 16 : i32
      %dma_start3A_292 = arith.constant 0 : i32
      %dma_start3A_293 = arith.constant 0 : i32
      %dma_start3A_294 = tpu.memref_slice %arg13[%dma_start3A_292, %dma_start3A_293] : memref<256x128xf32, #tpu.memory_space<vmem>> -> memref<128x128xf32, #tpu.memory_space<vmem>>
      %dma_start3A_295 = arith.constant 0 : i32
      %dma_start3A_296 = tpu.memref_slice %arg11[%dma_start3A_295] : memref<256xi32, #tpu.memory_space<vmem>> -> memref<128xi32, #tpu.memory_space<vmem>>
      %dma_start3A_297 = arith.constant 0 : i32
      %dma_start3A_298 = arith.constant 0 : i32
      %dma_start3A_299 = tpu.memref_slice %arg2[%dma_start3A_297, %dma_start3A_298] : memref<65536x128xf32, #tpu.memory_space<hbm>> -> memref<65536x128xf32, #tpu.memory_space<hbm>>
      tpu.enqueue_indirect_dma source(%dma_start3A_299 : memref<65536x128xf32, #tpu.memory_space<hbm>>) target(%dma_start3A_294 : memref<128x128xf32, #tpu.memory_space<vmem>>) offsets(%dma_start3A_296 : memref<128xi32, #tpu.memory_space<vmem>>) semaphore(%arg17 : memref<!tpu.dma_semaphore, #tpu.memory_space<semaphore_mem>>)
      %dma_start3A_300 = arith.constant 128 : i32
      %dma_start3A_301 = arith.constant 0 : i32
      %dma_start3A_302 = tpu.memref_slice %arg13[%dma_start3A_300, %dma_start3A_301] : memref<256x128xf32, #tpu.memory_space<vmem>> -> memref<128x128xf32, #tpu.memory_space<vmem>>
      %dma_start3A_303 = arith.constant 128 : i32
      %dma_start3A_304 = tpu.memref_slice %arg11[%dma_start3A_303] : memref<256xi32, #tpu.memory_space<vmem>> -> memref<128xi32, #tpu.memory_space<vmem>>
      %dma_start3A_305 = arith.constant 0 : i32
      %dma_start3A_306 = arith.constant 0 : i32
      %dma_start3A_307 = tpu.memref_slice %arg2[%dma_start3A_305, %dma_start3A_306] : memref<65536x128xf32, #tpu.memory_space<hbm>> -> memref<65536x128xf32, #tpu.memory_space<hbm>>
      tpu.enqueue_indirect_dma source(%dma_start3A_307 : memref<65536x128xf32, #tpu.memory_space<hbm>>) target(%dma_start3A_302 : memref<128x128xf32, #tpu.memory_space<vmem>>) offsets(%dma_start3A_304 : memref<128xi32, #tpu.memory_space<vmem>>) semaphore(%arg17 : memref<!tpu.dma_semaphore, #tpu.memory_space<semaphore_mem>>)
      %add3A_308 = arith.constant 2 : i32
      %add3A_309 = arith.addi %add3A_267, %add3A_308 : i32
      %lt3A_310 = arith.constant 25 : i32
      %lt3A_311 = arith.cmpi slt, %add3A_309, %lt3A_310 : i32
      %convert_element_type3A_312 = arith.extui %lt3A_311 : i1 to i32
      %cond3A_313 = arith.constant 0 : i32
      %cond3A_314 = arith.cmpi ne, %convert_element_type3A_312, %cond3A_313 : i32
      scf.if %cond3A_314 {
        %add3A_320 = arith.constant 2 : i32
        %add3A_321 = arith.addi %add3A_267, %add3A_320 : i32
        %mul3A_322 = arith.constant 25 : i32
        %mul3A_323 = arith.muli %add3A, %mul3A_322 : i32
        %add3A_324 = arith.constant 0 : i32
        %add3A_325 = arith.addi %add3A_324, %mul3A_323 : i32
        %add3A_326 = arith.addi %add3A_325, %add3A_321 : i32
        %jit3A_327 = arith.constant 4 : i32
        %div3A_328 = arith.divsi %add3A_326, %jit3A_327 : i32
        %sign3A_329 = arith.constant 0 : i32
        %sign3A_330 = arith.cmpi sgt, %add3A_326, %sign3A_329 : i32
        %sign3A_331 = arith.extui %sign3A_330 : i1 to i32
        %sign3A_332 = arith.constant 0 : i32
        %sign3A_333 = arith.cmpi slt, %add3A_326, %sign3A_332 : i32
        %sign3A_334 = arith.extui %sign3A_333 : i1 to i32
        %sign3A_335 = arith.subi %sign3A_331, %sign3A_334 : i32
        %sign3A_336 = arith.constant 0 : i32
        %sign3A_337 = arith.cmpi sgt, %jit3A_327, %sign3A_336 : i32
        %sign3A_338 = arith.extui %sign3A_337 : i1 to i32
        %sign3A_339 = arith.constant 0 : i32
        %sign3A_340 = arith.cmpi slt, %jit3A_327, %sign3A_339 : i32
        %sign3A_341 = arith.extui %sign3A_340 : i1 to i32
        %sign3A_342 = arith.subi %sign3A_338, %sign3A_341 : i32
        %ne3A_343 = arith.cmpi ne, %sign3A_335, %sign3A_342 : i32
        %rem3A_344 = arith.remsi %add3A_326, %jit3A_327 : i32
        %ne3A_345 = arith.constant 0 : i32
        %ne3A_346 = arith.cmpi ne, %rem3A_344, %ne3A_345 : i32
        %and3A_347 = arith.andi %ne3A_343, %ne3A_346 : i1
        %sub3A_348 = arith.constant 1 : i32
        %sub3A_349 = arith.subi %div3A_328, %sub3A_348 : i32
        %select_n3A_350 = arith.select %and3A_347, %sub3A_349, %div3A_328 : i32
        %jit3A_351 = arith.constant 4 : i32
        %eq3A_352 = arith.constant 0 : i32
        %eq3A_353 = arith.cmpi eq, %jit3A_351, %eq3A_352 : i32
        %jit3A_354 = arith.constant 1 : i32
        %select_n3A_355 = arith.select %eq3A_353, %jit3A_354, %jit3A_351 : i32
        %rem3A_356 = arith.remsi %add3A_326, %select_n3A_355 : i32
        %ne3A_357 = arith.constant 0 : i32
        %ne3A_358 = arith.cmpi ne, %rem3A_356, %ne3A_357 : i32
        %lt3A_359 = arith.constant 0 : i32
        %lt3A_360 = arith.cmpi slt, %rem3A_356, %lt3A_359 : i32
        %lt3A_361 = arith.constant 0 : i32
        %lt3A_362 = arith.cmpi slt, %select_n3A_355, %lt3A_361 : i32
        %ne3A_363 = arith.xori %lt3A_360, %lt3A_362 : i1
        %and3A_364 = arith.andi %ne3A_363, %ne3A_358 : i1
        %add3A_365 = arith.addi %rem3A_356, %select_n3A_355 : i32
        %select_n3A_366 = arith.select %and3A_364, %add3A_365, %rem3A_356 : i32
        %mul3A_367 = arith.constant 1024 : i32
        %mul3A_368 = arith.muli %select_n3A_366, %mul3A_367 : i32
        %dma_start3A_369 = tpu.memref_slice %arg3[%select_n3A_350, %mul3A_368] : memref<200x4096xi32, #tpu.memory_space<hbm>> -> memref<1x1024xi32, #tpu.memory_space<hbm>>
        %dma_start3A_370 = tpu.memref_squeeze %dma_start3A_369 : memref<1x1024xi32, #tpu.memory_space<hbm>> -> memref<1024xi32, #tpu.memory_space<hbm>>
        %dma_start3A_371 = tpu.memref_slice %arg3[%select_n3A_350, %mul3A_368] : memref<200x4096xi32, #tpu.memory_space<hbm>> -> memref<1x1024xi32, #tpu.memory_space<hbm>>
        %dma_start3A_372 = tpu.memref_squeeze %dma_start3A_371 : memref<1x1024xi32, #tpu.memory_space<hbm>> -> memref<1024xi32, #tpu.memory_space<hbm>>
        tpu.enqueue_dma source(%dma_start3A_372 : memref<1024xi32, #tpu.memory_space<hbm>>) target(%arg7 : memref<1024xi32, #tpu.memory_space<vmem>>) target_semaphore(%arg15 : memref<!tpu.dma_semaphore, #tpu.memory_space<semaphore_mem>>)
        %dma_start3A_373 = tpu.memref_slice %arg4[%select_n3A_350, %mul3A_368] : memref<200x4096xi32, #tpu.memory_space<hbm>> -> memref<1x1024xi32, #tpu.memory_space<hbm>>
        %dma_start3A_374 = tpu.memref_squeeze %dma_start3A_373 : memref<1x1024xi32, #tpu.memory_space<hbm>> -> memref<1024xi32, #tpu.memory_space<hbm>>
        %dma_start3A_375 = tpu.memref_slice %arg4[%select_n3A_350, %mul3A_368] : memref<200x4096xi32, #tpu.memory_space<hbm>> -> memref<1x1024xi32, #tpu.memory_space<hbm>>
        %dma_start3A_376 = tpu.memref_squeeze %dma_start3A_375 : memref<1x1024xi32, #tpu.memory_space<hbm>> -> memref<1024xi32, #tpu.memory_space<hbm>>
        tpu.enqueue_dma source(%dma_start3A_376 : memref<1024xi32, #tpu.memory_space<hbm>>) target(%arg9 : memref<1024xi32, #tpu.memory_space<vmem>>) target_semaphore(%arg15 : memref<!tpu.dma_semaphore, #tpu.memory_space<semaphore_mem>>)
      } else {
      }
      %ge3A_315 = arith.constant 1 : i32
      %ge3A_316 = arith.cmpi sge, %add3A_267, %ge3A_315 : i32
      %convert_element_type3A_317 = arith.extui %ge3A_316 : i1 to i32
      %cond3A_318 = arith.constant 0 : i32
      %cond3A_319 = arith.cmpi ne, %convert_element_type3A_317, %cond3A_318 : i32
      scf.if %cond3A_319 {
        %dma_wait3A_320 = arith.constant 0 : i32
        %dma_wait3A_321 = arith.constant 0 : i32
        %dma_wait3A_322 = tpu.memref_slice %arg12[%dma_wait3A_320, %dma_wait3A_321] : memref<256x128xf32, #tpu.memory_space<vmem>> -> memref<128x128xf32, #tpu.memory_space<vmem>>
        %dma_wait3A_323 = arith.constant 0 : i32
        %dma_wait3A_324 = tpu.memref_slice %arg10[%dma_wait3A_323] : memref<256xi32, #tpu.memory_space<vmem>> -> memref<128xi32, #tpu.memory_space<vmem>>
        %dma_wait3A_325 = arith.constant 0 : i32
        %dma_wait3A_326 = arith.constant 0 : i32
        %dma_wait3A_327 = tpu.memref_slice %arg2[%dma_wait3A_325, %dma_wait3A_326] : memref<65536x128xf32, #tpu.memory_space<hbm>> -> memref<65536x128xf32, #tpu.memory_space<hbm>>
        tpu.wait_indirect_dma semaphore(%arg16 : memref<!tpu.dma_semaphore, #tpu.memory_space<semaphore_mem>>) src(%dma_wait3A_327 : memref<65536x128xf32, #tpu.memory_space<hbm>>) dst(%dma_wait3A_322 : memref<128x128xf32, #tpu.memory_space<vmem>>)
        %dma_wait3A_328 = arith.constant 128 : i32
        %dma_wait3A_329 = arith.constant 0 : i32
        %dma_wait3A_330 = tpu.memref_slice %arg12[%dma_wait3A_328, %dma_wait3A_329] : memref<256x128xf32, #tpu.memory_space<vmem>> -> memref<128x128xf32, #tpu.memory_space<vmem>>
        %dma_wait3A_331 = arith.constant 128 : i32
        %dma_wait3A_332 = tpu.memref_slice %arg10[%dma_wait3A_331] : memref<256xi32, #tpu.memory_space<vmem>> -> memref<128xi32, #tpu.memory_space<vmem>>
        %dma_wait3A_333 = arith.constant 0 : i32
        %dma_wait3A_334 = arith.constant 0 : i32
        %dma_wait3A_335 = tpu.memref_slice %arg2[%dma_wait3A_333, %dma_wait3A_334] : memref<65536x128xf32, #tpu.memory_space<hbm>> -> memref<65536x128xf32, #tpu.memory_space<hbm>>
        tpu.wait_indirect_dma semaphore(%arg16 : memref<!tpu.dma_semaphore, #tpu.memory_space<semaphore_mem>>) src(%dma_wait3A_335 : memref<65536x128xf32, #tpu.memory_space<hbm>>) dst(%dma_wait3A_330 : memref<128x128xf32, #tpu.memory_space<vmem>>)
        %sub3A_336 = arith.constant 1 : i32
        %sub3A_337 = arith.subi %add3A_267, %sub3A_336 : i32
        %mul3A_338 = arith.constant 256 : i32
        %mul3A_339 = arith.muli %sub3A_337, %mul3A_338 : i32
        %add3A_340 = arith.addi %mul3A_4, %mul3A_339 : i32
        %dma_start3A_341 = arith.constant 0 : i32
        %dma_start3A_342 = tpu.memref_slice %arg5[%add3A_340, %dma_start3A_341] : memref<204800x128xf32, #tpu.memory_space<hbm>> -> memref<256x128xf32, #tpu.memory_space<hbm>>
        %dma_start3A_343 = arith.constant 0 : i32
        %dma_start3A_344 = tpu.memref_slice %arg5[%add3A_340, %dma_start3A_343] : memref<204800x128xf32, #tpu.memory_space<hbm>> -> memref<256x128xf32, #tpu.memory_space<hbm>>
        tpu.enqueue_dma source(%arg12 : memref<256x128xf32, #tpu.memory_space<vmem>>) target(%dma_start3A_344 : memref<256x128xf32, #tpu.memory_space<hbm>>) target_semaphore(%arg18 : memref<!tpu.dma_semaphore, #tpu.memory_space<semaphore_mem>>)
      } else {
      }
    }
    %scan3A_109 = arith.constant 12 : i32
    %dma_wait3A = arith.constant 0 : i32
    %dma_wait3A_110 = arith.constant 0 : i32
    %dma_wait3A_111 = tpu.memref_slice %arg3[%dma_wait3A, %dma_wait3A_110] : memref<200x4096xi32, #tpu.memory_space<hbm>> -> memref<1x1024xi32, #tpu.memory_space<hbm>>
    %dma_wait3A_112 = tpu.memref_squeeze %dma_wait3A_111 : memref<1x1024xi32, #tpu.memory_space<hbm>> -> memref<1024xi32, #tpu.memory_space<hbm>>
    %dma_wait3A_113 = arith.constant 0 : i32
    %dma_wait3A_114 = tpu.memref_slice %arg3[%dma_wait3A, %dma_wait3A_113] : memref<200x4096xi32, #tpu.memory_space<hbm>> -> memref<1x1024xi32, #tpu.memory_space<hbm>>
    %dma_wait3A_115 = tpu.memref_squeeze %dma_wait3A_114 : memref<1x1024xi32, #tpu.memory_space<hbm>> -> memref<1024xi32, #tpu.memory_space<hbm>>
    tpu.wait_dma2 semaphore(%arg14 : memref<!tpu.dma_semaphore, #tpu.memory_space<semaphore_mem>>) src(%dma_wait3A_115 : memref<1024xi32, #tpu.memory_space<hbm>>) dst(%arg6 : memref<1024xi32, #tpu.memory_space<vmem>>)
    %dma_wait3A_116 = arith.constant 0 : i32
    %dma_wait3A_117 = arith.constant 0 : i32
    %dma_wait3A_118 = tpu.memref_slice %arg4[%dma_wait3A_116, %dma_wait3A_117] : memref<200x4096xi32, #tpu.memory_space<hbm>> -> memref<1x1024xi32, #tpu.memory_space<hbm>>
    %dma_wait3A_119 = tpu.memref_squeeze %dma_wait3A_118 : memref<1x1024xi32, #tpu.memory_space<hbm>> -> memref<1024xi32, #tpu.memory_space<hbm>>
    %dma_wait3A_120 = arith.constant 0 : i32
    %dma_wait3A_121 = tpu.memref_slice %arg4[%dma_wait3A_116, %dma_wait3A_120] : memref<200x4096xi32, #tpu.memory_space<hbm>> -> memref<1x1024xi32, #tpu.memory_space<hbm>>
    %dma_wait3A_122 = tpu.memref_squeeze %dma_wait3A_121 : memref<1x1024xi32, #tpu.memory_space<hbm>> -> memref<1024xi32, #tpu.memory_space<hbm>>
    tpu.wait_dma2 semaphore(%arg14 : memref<!tpu.dma_semaphore, #tpu.memory_space<semaphore_mem>>) src(%dma_wait3A_122 : memref<1024xi32, #tpu.memory_space<hbm>>) dst(%arg8 : memref<1024xi32, #tpu.memory_space<vmem>>)
    %dma_wait3A_123 = arith.constant 0 : i32
    %dma_wait3A_124 = arith.constant 0 : i32
    %dma_wait3A_125 = tpu.memref_slice %arg5[%dma_wait3A_123, %dma_wait3A_124] : memref<204800x128xf32, #tpu.memory_space<hbm>> -> memref<256x128xf32, #tpu.memory_space<hbm>>
    %dma_wait3A_126 = arith.constant 0 : i32
    %dma_wait3A_127 = arith.constant 0 : i32
    %dma_wait3A_128 = tpu.memref_slice %arg5[%dma_wait3A_126, %dma_wait3A_127] : memref<204800x128xf32, #tpu.memory_space<hbm>> -> memref<256x128xf32, #tpu.memory_space<hbm>>
    tpu.wait_dma2 semaphore(%arg18 : memref<!tpu.dma_semaphore, #tpu.memory_space<semaphore_mem>>) src(%arg12 : memref<256x128xf32, #tpu.memory_space<vmem>>) dst(%dma_wait3A_128 : memref<256x128xf32, #tpu.memory_space<hbm>>)
    %scan3A_129 = arith.constant 0 : i32
    %scan3A_130 = arith.constant 16 : i32
    %scan3A_131 = arith.addi %scan3A_129, %scan3A_130 : i32
    %scan3A_132 = arith.constant 1 : i32
    scf.for %scan3A_206 = %scan3A_129 to %scan3A_131 step %scan3A_132  : i32 {
      %mul3A_207 = arith.constant 16 : i32
      %mul3A_208 = arith.muli %scan3A_206, %mul3A_207 : i32
      %add3A_209 = arith.constant 0 : i32
      %add3A_210 = arith.addi %add3A_209, %mul3A_208 : i32
      %get3A = arith.index_cast %add3A_210 : i32 to index
      %get3A_211 = tpu.vector_load %arg6[%get3A] {strides = array<i32>} : memref<1024xi32, #tpu.memory_space<vmem>>, vector<16xi32>,
      %mul3A_212 = arith.constant 3 : i32
      %mul3A_213 = vector.broadcast %mul3A_212 : i32 to vector<16xi32>
      %mul3A_214 = arith.muli %get3A_211, %mul3A_213 : vector<16xi32>
      %get3A_215 = arith.index_cast %add3A_210 : i32 to index
      %get3A_216 = tpu.vector_load %arg8[%get3A_215] {strides = array<i32>} : memref<1024xi32, #tpu.memory_space<vmem>>, vector<16xi32>,
      %add3A_217 = arith.addi %mul3A_214, %get3A_216 : vector<16xi32>
      %add3A_218 = arith.constant 256 : i32
      %add3A_219 = arith.addi %add3A_210, %add3A_218 : i32
      %mul3A_220 = arith.constant 16 : i32
      %mul3A_221 = vector.broadcast %mul3A_220 : i32 to vector<16xi32>
      %mul3A_222 = arith.muli %add3A_217, %mul3A_221 : vector<16xi32>
      %get3A_223 = arith.index_cast %add3A_219 : i32 to index
      %get3A_224 = tpu.vector_load %arg6[%get3A_223] {strides = array<i32>} : memref<1024xi32, #tpu.memory_space<vmem>>, vector<16xi32>,
      %mul3A_225 = arith.constant 3 : i32
      %mul3A_226 = vector.broadcast %mul3A_225 : i32 to vector<16xi32>
      %mul3A_227 = arith.muli %get3A_224, %mul3A_226 : vector<16xi32>
      %get3A_228 = arith.index_cast %add3A_219 : i32 to index
      %get3A_229 = tpu.vector_load %arg8[%get3A_228] {strides = array<i32>} : memref<1024xi32, #tpu.memory_space<vmem>>, vector<16xi32>,
      %add3A_230 = arith.addi %mul3A_227, %get3A_229 : vector<16xi32>
      %add3A_231 = arith.addi %mul3A_222, %add3A_230 : vector<16xi32>
      %add3A_232 = arith.constant 512 : i32
      %add3A_233 = arith.addi %add3A_210, %add3A_232 : i32
      %mul3A_234 = arith.constant 16 : i32
      %mul3A_235 = vector.broadcast %mul3A_234 : i32 to vector<16xi32>
      %mul3A_236 = arith.muli %add3A_231, %mul3A_235 : vector<16xi32>
      %get3A_237 = arith.index_cast %add3A_233 : i32 to index
      %get3A_238 = tpu.vector_load %arg6[%get3A_237] {strides = array<i32>} : memref<1024xi32, #tpu.memory_space<vmem>>, vector<16xi32>,
      %mul3A_239 = arith.constant 3 : i32
      %mul3A_240 = vector.broadcast %mul3A_239 : i32 to vector<16xi32>
      %mul3A_241 = arith.muli %get3A_238, %mul3A_240 : vector<16xi32>
      %get3A_242 = arith.index_cast %add3A_233 : i32 to index
      %get3A_243 = tpu.vector_load %arg8[%get3A_242] {strides = array<i32>} : memref<1024xi32, #tpu.memory_space<vmem>>, vector<16xi32>,
      %add3A_244 = arith.addi %mul3A_241, %get3A_243 : vector<16xi32>
      %add3A_245 = arith.addi %mul3A_236, %add3A_244 : vector<16xi32>
      %add3A_246 = arith.constant 768 : i32
      %add3A_247 = arith.addi %add3A_210, %add3A_246 : i32
      %mul3A_248 = arith.constant 16 : i32
      %mul3A_249 = vector.broadcast %mul3A_248 : i32 to vector<16xi32>
      %mul3A_250 = arith.muli %add3A_245, %mul3A_249 : vector<16xi32>
      %get3A_251 = arith.index_cast %add3A_247 : i32 to index
      %get3A_252 = tpu.vector_load %arg6[%get3A_251] {strides = array<i32>} : memref<1024xi32, #tpu.memory_space<vmem>>, vector<16xi32>,
      %mul3A_253 = arith.constant 3 : i32
      %mul3A_254 = vector.broadcast %mul3A_253 : i32 to vector<16xi32>
      %mul3A_255 = arith.muli %get3A_252, %mul3A_254 : vector<16xi32>
      %get3A_256 = arith.index_cast %add3A_247 : i32 to index
      %get3A_257 = tpu.vector_load %arg8[%get3A_256] {strides = array<i32>} : memref<1024xi32, #tpu.memory_space<vmem>>, vector<16xi32>,
      %add3A_258 = arith.addi %mul3A_255, %get3A_257 : vector<16xi32>
      %add3A_259 = arith.addi %mul3A_250, %add3A_258 : vector<16xi32>
      %swap3A = arith.index_cast %add3A_210 : i32 to index
      %swap3A_260 = tpu.vector_load %arg10[%swap3A] {strides = array<i32>} : memref<256xi32, #tpu.memory_space<vmem>>, vector<16xi32>,
      tpu.vector_store %arg10[%swap3A], %add3A_259 {strides = array<i32>} : memref<256xi32, #tpu.memory_space<vmem>>, vector<16xi32>,
    }
    %scan3A_133 = arith.constant 16 : i32
    %dma_start3A_134 = arith.constant 0 : i32
    %dma_start3A_135 = arith.constant 0 : i32
    %dma_start3A_136 = tpu.memref_slice %arg12[%dma_start3A_134, %dma_start3A_135] : memref<256x128xf32, #tpu.memory_space<vmem>> -> memref<128x128xf32, #tpu.memory_space<vmem>>
    %dma_start3A_137 = arith.constant 0 : i32
    %dma_start3A_138 = tpu.memref_slice %arg10[%dma_start3A_137] : memref<256xi32, #tpu.memory_space<vmem>> -> memref<128xi32, #tpu.memory_space<vmem>>
    %dma_start3A_139 = arith.constant 0 : i32
    %dma_start3A_140 = arith.constant 0 : i32
    %dma_start3A_141 = tpu.memref_slice %arg2[%dma_start3A_139, %dma_start3A_140] : memref<65536x128xf32, #tpu.memory_space<hbm>> -> memref<65536x128xf32, #tpu.memory_space<hbm>>
    tpu.enqueue_indirect_dma source(%dma_start3A_141 : memref<65536x128xf32, #tpu.memory_space<hbm>>) target(%dma_start3A_136 : memref<128x128xf32, #tpu.memory_space<vmem>>) offsets(%dma_start3A_138 : memref<128xi32, #tpu.memory_space<vmem>>) semaphore(%arg16 : memref<!tpu.dma_semaphore, #tpu.memory_space<semaphore_mem>>)
    %dma_start3A_142 = arith.constant 128 : i32
    %dma_start3A_143 = arith.constant 0 : i32
    %dma_start3A_144 = tpu.memref_slice %arg12[%dma_start3A_142, %dma_start3A_143] : memref<256x128xf32, #tpu.memory_space<vmem>> -> memref<128x128xf32, #tpu.memory_space<vmem>>
    %dma_start3A_145 = arith.constant 128 : i32
    %dma_start3A_146 = tpu.memref_slice %arg10[%dma_start3A_145] : memref<256xi32, #tpu.memory_space<vmem>> -> memref<128xi32, #tpu.memory_space<vmem>>
    %dma_start3A_147 = arith.constant 0 : i32
    %dma_start3A_148 = arith.constant 0 : i32
    %dma_start3A_149 = tpu.memref_slice %arg2[%dma_start3A_147, %dma_start3A_148] : memref<65536x128xf32, #tpu.memory_space<hbm>> -> memref<65536x128xf32, #tpu.memory_space<hbm>>
    tpu.enqueue_indirect_dma source(%dma_start3A_149 : memref<65536x128xf32, #tpu.memory_space<hbm>>) target(%dma_start3A_144 : memref<128x128xf32, #tpu.memory_space<vmem>>) offsets(%dma_start3A_146 : memref<128xi32, #tpu.memory_space<vmem>>) semaphore(%arg16 : memref<!tpu.dma_semaphore, #tpu.memory_space<semaphore_mem>>)
    %dma_wait3A_150 = arith.constant 0 : i32
    %dma_wait3A_151 = arith.constant 0 : i32
    %dma_wait3A_152 = tpu.memref_slice %arg13[%dma_wait3A_150, %dma_wait3A_151] : memref<256x128xf32, #tpu.memory_space<vmem>> -> memref<128x128xf32, #tpu.memory_space<vmem>>
    %dma_wait3A_153 = arith.constant 0 : i32
    %dma_wait3A_154 = tpu.memref_slice %arg11[%dma_wait3A_153] : memref<256xi32, #tpu.memory_space<vmem>> -> memref<128xi32, #tpu.memory_space<vmem>>
    %dma_wait3A_155 = arith.constant 0 : i32
    %dma_wait3A_156 = arith.constant 0 : i32
    %dma_wait3A_157 = tpu.memref_slice %arg2[%dma_wait3A_155, %dma_wait3A_156] : memref<65536x128xf32, #tpu.memory_space<hbm>> -> memref<65536x128xf32, #tpu.memory_space<hbm>>
    tpu.wait_indirect_dma semaphore(%arg17 : memref<!tpu.dma_semaphore, #tpu.memory_space<semaphore_mem>>) src(%dma_wait3A_157 : memref<65536x128xf32, #tpu.memory_space<hbm>>) dst(%dma_wait3A_152 : memref<128x128xf32, #tpu.memory_space<vmem>>)
    %dma_wait3A_158 = arith.constant 128 : i32
    %dma_wait3A_159 = arith.constant 0 : i32
    %dma_wait3A_160 = tpu.memref_slice %arg13[%dma_wait3A_158, %dma_wait3A_159] : memref<256x128xf32, #tpu.memory_space<vmem>> -> memref<128x128xf32, #tpu.memory_space<vmem>>
    %dma_wait3A_161 = arith.constant 128 : i32
    %dma_wait3A_162 = tpu.memref_slice %arg11[%dma_wait3A_161] : memref<256xi32, #tpu.memory_space<vmem>> -> memref<128xi32, #tpu.memory_space<vmem>>
    %dma_wait3A_163 = arith.constant 0 : i32
    %dma_wait3A_164 = arith.constant 0 : i32
    %dma_wait3A_165 = tpu.memref_slice %arg2[%dma_wait3A_163, %dma_wait3A_164] : memref<65536x128xf32, #tpu.memory_space<hbm>> -> memref<65536x128xf32, #tpu.memory_space<hbm>>
    tpu.wait_indirect_dma semaphore(%arg17 : memref<!tpu.dma_semaphore, #tpu.memory_space<semaphore_mem>>) src(%dma_wait3A_165 : memref<65536x128xf32, #tpu.memory_space<hbm>>) dst(%dma_wait3A_160 : memref<128x128xf32, #tpu.memory_space<vmem>>)
    %add3A_166 = arith.constant 5888 : i32
    %add3A_167 = arith.addi %mul3A_4, %add3A_166 : i32
    %dma_start3A_168 = arith.constant 0 : i32
    %dma_start3A_169 = tpu.memref_slice %arg5[%add3A_167, %dma_start3A_168] : memref<204800x128xf32, #tpu.memory_space<hbm>> -> memref<256x128xf32, #tpu.memory_space<hbm>>
    %dma_start3A_170 = arith.constant 0 : i32
    %dma_start3A_171 = tpu.memref_slice %arg5[%add3A_167, %dma_start3A_170] : memref<204800x128xf32, #tpu.memory_space<hbm>> -> memref<256x128xf32, #tpu.memory_space<hbm>>
    tpu.enqueue_dma source(%arg13 : memref<256x128xf32, #tpu.memory_space<vmem>>) target(%dma_start3A_171 : memref<256x128xf32, #tpu.memory_space<hbm>>) target_semaphore(%arg19 : memref<!tpu.dma_semaphore, #tpu.memory_space<semaphore_mem>>)
    %dma_wait3A_172 = arith.constant 0 : i32
    %dma_wait3A_173 = arith.constant 0 : i32
    %dma_wait3A_174 = tpu.memref_slice %arg12[%dma_wait3A_172, %dma_wait3A_173] : memref<256x128xf32, #tpu.memory_space<vmem>> -> memref<128x128xf32, #tpu.memory_space<vmem>>
    %dma_wait3A_175 = arith.constant 0 : i32
    %dma_wait3A_176 = tpu.memref_slice %arg10[%dma_wait3A_175] : memref<256xi32, #tpu.memory_space<vmem>> -> memref<128xi32, #tpu.memory_space<vmem>>
    %dma_wait3A_177 = arith.constant 0 : i32
    %dma_wait3A_178 = arith.constant 0 : i32
    %dma_wait3A_179 = tpu.memref_slice %arg2[%dma_wait3A_177, %dma_wait3A_178] : memref<65536x128xf32, #tpu.memory_space<hbm>> -> memref<65536x128xf32, #tpu.memory_space<hbm>>
    tpu.wait_indirect_dma semaphore(%arg16 : memref<!tpu.dma_semaphore, #tpu.memory_space<semaphore_mem>>) src(%dma_wait3A_179 : memref<65536x128xf32, #tpu.memory_space<hbm>>) dst(%dma_wait3A_174 : memref<128x128xf32, #tpu.memory_space<vmem>>)
    %dma_wait3A_180 = arith.constant 128 : i32
    %dma_wait3A_181 = arith.constant 0 : i32
    %dma_wait3A_182 = tpu.memref_slice %arg12[%dma_wait3A_180, %dma_wait3A_181] : memref<256x128xf32, #tpu.memory_space<vmem>> -> memref<128x128xf32, #tpu.memory_space<vmem>>
    %dma_wait3A_183 = arith.constant 128 : i32
    %dma_wait3A_184 = tpu.memref_slice %arg10[%dma_wait3A_183] : memref<256xi32, #tpu.memory_space<vmem>> -> memref<128xi32, #tpu.memory_space<vmem>>
    %dma_wait3A_185 = arith.constant 0 : i32
    %dma_wait3A_186 = arith.constant 0 : i32
    %dma_wait3A_187 = tpu.memref_slice %arg2[%dma_wait3A_185, %dma_wait3A_186] : memref<65536x128xf32, #tpu.memory_space<hbm>> -> memref<65536x128xf32, #tpu.memory_space<hbm>>
    tpu.wait_indirect_dma semaphore(%arg16 : memref<!tpu.dma_semaphore, #tpu.memory_space<semaphore_mem>>) src(%dma_wait3A_187 : memref<65536x128xf32, #tpu.memory_space<hbm>>) dst(%dma_wait3A_182 : memref<128x128xf32, #tpu.memory_space<vmem>>)
    %add3A_188 = arith.constant 6144 : i32
    %add3A_189 = arith.addi %mul3A_4, %add3A_188 : i32
    %dma_start3A_190 = arith.constant 0 : i32
    %dma_start3A_191 = tpu.memref_slice %arg5[%add3A_189, %dma_start3A_190] : memref<204800x128xf32, #tpu.memory_space<hbm>> -> memref<256x128xf32, #tpu.memory_space<hbm>>
    %dma_start3A_192 = arith.constant 0 : i32
    %dma_start3A_193 = tpu.memref_slice %arg5[%add3A_189, %dma_start3A_192] : memref<204800x128xf32, #tpu.memory_space<hbm>> -> memref<256x128xf32, #tpu.memory_space<hbm>>
    tpu.enqueue_dma source(%arg12 : memref<256x128xf32, #tpu.memory_space<vmem>>) target(%dma_start3A_193 : memref<256x128xf32, #tpu.memory_space<hbm>>) target_semaphore(%arg18 : memref<!tpu.dma_semaphore, #tpu.memory_space<semaphore_mem>>)
    %dma_wait3A_194 = arith.constant 0 : i32
    %dma_wait3A_195 = arith.constant 0 : i32
    %dma_wait3A_196 = tpu.memref_slice %arg5[%dma_wait3A_194, %dma_wait3A_195] : memref<204800x128xf32, #tpu.memory_space<hbm>> -> memref<256x128xf32, #tpu.memory_space<hbm>>
    %dma_wait3A_197 = arith.constant 0 : i32
    %dma_wait3A_198 = arith.constant 0 : i32
    %dma_wait3A_199 = tpu.memref_slice %arg5[%dma_wait3A_197, %dma_wait3A_198] : memref<204800x128xf32, #tpu.memory_space<hbm>> -> memref<256x128xf32, #tpu.memory_space<hbm>>
    tpu.wait_dma2 semaphore(%arg18 : memref<!tpu.dma_semaphore, #tpu.memory_space<semaphore_mem>>) src(%arg12 : memref<256x128xf32, #tpu.memory_space<vmem>>) dst(%dma_wait3A_199 : memref<256x128xf32, #tpu.memory_space<hbm>>)
    %dma_wait3A_200 = arith.constant 0 : i32
    %dma_wait3A_201 = arith.constant 0 : i32
    %dma_wait3A_202 = tpu.memref_slice %arg5[%dma_wait3A_200, %dma_wait3A_201] : memref<204800x128xf32, #tpu.memory_space<hbm>> -> memref<256x128xf32, #tpu.memory_space<hbm>>
    %dma_wait3A_203 = arith.constant 0 : i32
    %dma_wait3A_204 = arith.constant 0 : i32
    %dma_wait3A_205 = tpu.memref_slice %arg5[%dma_wait3A_203, %dma_wait3A_204] : memref<204800x128xf32, #tpu.memory_space<hbm>> -> memref<256x128xf32, #tpu.memory_space<hbm>>
    tpu.wait_dma2 semaphore(%arg19 : memref<!tpu.dma_semaphore, #tpu.memory_space<semaphore_mem>>) src(%arg13 : memref<256x128xf32, #tpu.memory_space<vmem>>) dst(%dma_wait3A_205 : memref<256x128xf32, #tpu.memory_space<hbm>>)
    return
  }
}

module attributes {stable_mosaic.version = 14 : i64} {
  func.func @_xpose_body(%arg0: i32, %arg1: memref<8x1024x128xf32, #tpu.memory_space<vmem>>, %arg2: memref<8x32x4096xf32, #tpu.memory_space<vmem>>) attributes {dimension_semantics = [#tpu.dimension_semantics<arbitrary>], iteration_bounds = array<i64: 25>, scalar_prefetch = 0 : i64, scratch_operands = 0 : i64, tpu.core_type = #tpu.core_type<tc>, window_params = [{transform_indices = @transform_0, window_bounds = array<i64: 8, 1024, 128>}, {transform_indices = @transform_1, window_bounds = array<i64: 8, 32, 4096>}]} {
    %get3A = arith.constant 0 : index
    %get3A_0 = arith.constant 0 : index
    %get3A_1 = arith.constant 0 : index
    %get3A_2 = vector.load %arg1[%get3A, %get3A_0, %get3A_1] : memref<8x1024x128xf32, #tpu.memory_space<vmem>>, vector<1x1024x128xf32>
    %get3A_3 = vector.shape_cast %get3A_2 : vector<1x1024x128xf32> to vector<1024x128xf32>
    %transpose3A = tpu.transpose %get3A_3, [1, 0] : vector<1024x128xf32> -> vector<128x1024xf32>
    %slice3A = vector.extract_strided_slice %transpose3A {offsets = [0, 0], sizes = [32, 256], strides = [1, 1]} : vector<128x1024xf32> to vector<32x256xf32>
    %swap3A = arith.constant 0 : index
    %swap3A_4 = arith.constant 0 : index
    %swap3A_5 = arith.constant 0 : index
    %swap3A_6 = vector.load %arg2[%swap3A, %swap3A_4, %swap3A_5] : memref<8x32x4096xf32, #tpu.memory_space<vmem>>, vector<1x32x256xf32>
    %swap3A_7 = vector.shape_cast %swap3A_6 : vector<1x32x256xf32> to vector<32x256xf32>
    %swap3A_8 = vector.shape_cast %slice3A : vector<32x256xf32> to vector<1x32x256xf32>
    tpu.vector_store %arg2[%swap3A, %swap3A_4, %swap3A_5], %swap3A_8 {strides = array<i32>} : memref<8x32x4096xf32, #tpu.memory_space<vmem>>, vector<1x32x256xf32>,
    %slice3A_9 = vector.extract_strided_slice %transpose3A {offsets = [0, 256], sizes = [32, 256], strides = [1, 1]} : vector<128x1024xf32> to vector<32x256xf32>
    %swap3A_10 = arith.constant 0 : index
    %swap3A_11 = arith.constant 0 : index
    %swap3A_12 = arith.constant 1024 : index
    %swap3A_13 = vector.load %arg2[%swap3A_10, %swap3A_11, %swap3A_12] : memref<8x32x4096xf32, #tpu.memory_space<vmem>>, vector<1x32x256xf32>
    %swap3A_14 = vector.shape_cast %swap3A_13 : vector<1x32x256xf32> to vector<32x256xf32>
    %swap3A_15 = vector.shape_cast %slice3A_9 : vector<32x256xf32> to vector<1x32x256xf32>
    tpu.vector_store %arg2[%swap3A_10, %swap3A_11, %swap3A_12], %swap3A_15 {strides = array<i32>} : memref<8x32x4096xf32, #tpu.memory_space<vmem>>, vector<1x32x256xf32>,
    %slice3A_16 = vector.extract_strided_slice %transpose3A {offsets = [0, 512], sizes = [32, 256], strides = [1, 1]} : vector<128x1024xf32> to vector<32x256xf32>
    %swap3A_17 = arith.constant 0 : index
    %swap3A_18 = arith.constant 0 : index
    %swap3A_19 = arith.constant 2048 : index
    %swap3A_20 = vector.load %arg2[%swap3A_17, %swap3A_18, %swap3A_19] : memref<8x32x4096xf32, #tpu.memory_space<vmem>>, vector<1x32x256xf32>
    %swap3A_21 = vector.shape_cast %swap3A_20 : vector<1x32x256xf32> to vector<32x256xf32>
    %swap3A_22 = vector.shape_cast %slice3A_16 : vector<32x256xf32> to vector<1x32x256xf32>
    tpu.vector_store %arg2[%swap3A_17, %swap3A_18, %swap3A_19], %swap3A_22 {strides = array<i32>} : memref<8x32x4096xf32, #tpu.memory_space<vmem>>, vector<1x32x256xf32>,
    %slice3A_23 = vector.extract_strided_slice %transpose3A {offsets = [0, 768], sizes = [32, 256], strides = [1, 1]} : vector<128x1024xf32> to vector<32x256xf32>
    %swap3A_24 = arith.constant 0 : index
    %swap3A_25 = arith.constant 0 : index
    %swap3A_26 = arith.constant 3072 : index
    %swap3A_27 = vector.load %arg2[%swap3A_24, %swap3A_25, %swap3A_26] : memref<8x32x4096xf32, #tpu.memory_space<vmem>>, vector<1x32x256xf32>
    %swap3A_28 = vector.shape_cast %swap3A_27 : vector<1x32x256xf32> to vector<32x256xf32>
    %swap3A_29 = vector.shape_cast %slice3A_23 : vector<32x256xf32> to vector<1x32x256xf32>
    tpu.vector_store %arg2[%swap3A_24, %swap3A_25, %swap3A_26], %swap3A_29 {strides = array<i32>} : memref<8x32x4096xf32, #tpu.memory_space<vmem>>, vector<1x32x256xf32>,
    %slice3A_30 = vector.extract_strided_slice %transpose3A {offsets = [32, 0], sizes = [32, 256], strides = [1, 1]} : vector<128x1024xf32> to vector<32x256xf32>
    %swap3A_31 = arith.constant 0 : index
    %swap3A_32 = arith.constant 0 : index
    %swap3A_33 = arith.constant 256 : index
    %swap3A_34 = vector.load %arg2[%swap3A_31, %swap3A_32, %swap3A_33] : memref<8x32x4096xf32, #tpu.memory_space<vmem>>, vector<1x32x256xf32>
    %swap3A_35 = vector.shape_cast %swap3A_34 : vector<1x32x256xf32> to vector<32x256xf32>
    %swap3A_36 = vector.shape_cast %slice3A_30 : vector<32x256xf32> to vector<1x32x256xf32>
    tpu.vector_store %arg2[%swap3A_31, %swap3A_32, %swap3A_33], %swap3A_36 {strides = array<i32>} : memref<8x32x4096xf32, #tpu.memory_space<vmem>>, vector<1x32x256xf32>,
    %slice3A_37 = vector.extract_strided_slice %transpose3A {offsets = [32, 256], sizes = [32, 256], strides = [1, 1]} : vector<128x1024xf32> to vector<32x256xf32>
    %swap3A_38 = arith.constant 0 : index
    %swap3A_39 = arith.constant 0 : index
    %swap3A_40 = arith.constant 1280 : index
    %swap3A_41 = vector.load %arg2[%swap3A_38, %swap3A_39, %swap3A_40] : memref<8x32x4096xf32, #tpu.memory_space<vmem>>, vector<1x32x256xf32>
    %swap3A_42 = vector.shape_cast %swap3A_41 : vector<1x32x256xf32> to vector<32x256xf32>
    %swap3A_43 = vector.shape_cast %slice3A_37 : vector<32x256xf32> to vector<1x32x256xf32>
    tpu.vector_store %arg2[%swap3A_38, %swap3A_39, %swap3A_40], %swap3A_43 {strides = array<i32>} : memref<8x32x4096xf32, #tpu.memory_space<vmem>>, vector<1x32x256xf32>,
    %slice3A_44 = vector.extract_strided_slice %transpose3A {offsets = [32, 512], sizes = [32, 256], strides = [1, 1]} : vector<128x1024xf32> to vector<32x256xf32>
    %swap3A_45 = arith.constant 0 : index
    %swap3A_46 = arith.constant 0 : index
    %swap3A_47 = arith.constant 2304 : index
    %swap3A_48 = vector.load %arg2[%swap3A_45, %swap3A_46, %swap3A_47] : memref<8x32x4096xf32, #tpu.memory_space<vmem>>, vector<1x32x256xf32>
    %swap3A_49 = vector.shape_cast %swap3A_48 : vector<1x32x256xf32> to vector<32x256xf32>
    %swap3A_50 = vector.shape_cast %slice3A_44 : vector<32x256xf32> to vector<1x32x256xf32>
    tpu.vector_store %arg2[%swap3A_45, %swap3A_46, %swap3A_47], %swap3A_50 {strides = array<i32>} : memref<8x32x4096xf32, #tpu.memory_space<vmem>>, vector<1x32x256xf32>,
    %slice3A_51 = vector.extract_strided_slice %transpose3A {offsets = [32, 768], sizes = [32, 256], strides = [1, 1]} : vector<128x1024xf32> to vector<32x256xf32>
    %swap3A_52 = arith.constant 0 : index
    %swap3A_53 = arith.constant 0 : index
    %swap3A_54 = arith.constant 3328 : index
    %swap3A_55 = vector.load %arg2[%swap3A_52, %swap3A_53, %swap3A_54] : memref<8x32x4096xf32, #tpu.memory_space<vmem>>, vector<1x32x256xf32>
    %swap3A_56 = vector.shape_cast %swap3A_55 : vector<1x32x256xf32> to vector<32x256xf32>
    %swap3A_57 = vector.shape_cast %slice3A_51 : vector<32x256xf32> to vector<1x32x256xf32>
    tpu.vector_store %arg2[%swap3A_52, %swap3A_53, %swap3A_54], %swap3A_57 {strides = array<i32>} : memref<8x32x4096xf32, #tpu.memory_space<vmem>>, vector<1x32x256xf32>,
    %slice3A_58 = vector.extract_strided_slice %transpose3A {offsets = [64, 0], sizes = [32, 256], strides = [1, 1]} : vector<128x1024xf32> to vector<32x256xf32>
    %swap3A_59 = arith.constant 0 : index
    %swap3A_60 = arith.constant 0 : index
    %swap3A_61 = arith.constant 512 : index
    %swap3A_62 = vector.load %arg2[%swap3A_59, %swap3A_60, %swap3A_61] : memref<8x32x4096xf32, #tpu.memory_space<vmem>>, vector<1x32x256xf32>
    %swap3A_63 = vector.shape_cast %swap3A_62 : vector<1x32x256xf32> to vector<32x256xf32>
    %swap3A_64 = vector.shape_cast %slice3A_58 : vector<32x256xf32> to vector<1x32x256xf32>
    tpu.vector_store %arg2[%swap3A_59, %swap3A_60, %swap3A_61], %swap3A_64 {strides = array<i32>} : memref<8x32x4096xf32, #tpu.memory_space<vmem>>, vector<1x32x256xf32>,
    %slice3A_65 = vector.extract_strided_slice %transpose3A {offsets = [64, 256], sizes = [32, 256], strides = [1, 1]} : vector<128x1024xf32> to vector<32x256xf32>
    %swap3A_66 = arith.constant 0 : index
    %swap3A_67 = arith.constant 0 : index
    %swap3A_68 = arith.constant 1536 : index
    %swap3A_69 = vector.load %arg2[%swap3A_66, %swap3A_67, %swap3A_68] : memref<8x32x4096xf32, #tpu.memory_space<vmem>>, vector<1x32x256xf32>
    %swap3A_70 = vector.shape_cast %swap3A_69 : vector<1x32x256xf32> to vector<32x256xf32>
    %swap3A_71 = vector.shape_cast %slice3A_65 : vector<32x256xf32> to vector<1x32x256xf32>
    tpu.vector_store %arg2[%swap3A_66, %swap3A_67, %swap3A_68], %swap3A_71 {strides = array<i32>} : memref<8x32x4096xf32, #tpu.memory_space<vmem>>, vector<1x32x256xf32>,
    %slice3A_72 = vector.extract_strided_slice %transpose3A {offsets = [64, 512], sizes = [32, 256], strides = [1, 1]} : vector<128x1024xf32> to vector<32x256xf32>
    %swap3A_73 = arith.constant 0 : index
    %swap3A_74 = arith.constant 0 : index
    %swap3A_75 = arith.constant 2560 : index
    %swap3A_76 = vector.load %arg2[%swap3A_73, %swap3A_74, %swap3A_75] : memref<8x32x4096xf32, #tpu.memory_space<vmem>>, vector<1x32x256xf32>
    %swap3A_77 = vector.shape_cast %swap3A_76 : vector<1x32x256xf32> to vector<32x256xf32>
    %swap3A_78 = vector.shape_cast %slice3A_72 : vector<32x256xf32> to vector<1x32x256xf32>
    tpu.vector_store %arg2[%swap3A_73, %swap3A_74, %swap3A_75], %swap3A_78 {strides = array<i32>} : memref<8x32x4096xf32, #tpu.memory_space<vmem>>, vector<1x32x256xf32>,
    %slice3A_79 = vector.extract_strided_slice %transpose3A {offsets = [64, 768], sizes = [32, 256], strides = [1, 1]} : vector<128x1024xf32> to vector<32x256xf32>
    %swap3A_80 = arith.constant 0 : index
    %swap3A_81 = arith.constant 0 : index
    %swap3A_82 = arith.constant 3584 : index
    %swap3A_83 = vector.load %arg2[%swap3A_80, %swap3A_81, %swap3A_82] : memref<8x32x4096xf32, #tpu.memory_space<vmem>>, vector<1x32x256xf32>
    %swap3A_84 = vector.shape_cast %swap3A_83 : vector<1x32x256xf32> to vector<32x256xf32>
    %swap3A_85 = vector.shape_cast %slice3A_79 : vector<32x256xf32> to vector<1x32x256xf32>
    tpu.vector_store %arg2[%swap3A_80, %swap3A_81, %swap3A_82], %swap3A_85 {strides = array<i32>} : memref<8x32x4096xf32, #tpu.memory_space<vmem>>, vector<1x32x256xf32>,
    %slice3A_86 = vector.extract_strided_slice %transpose3A {offsets = [96, 0], sizes = [32, 256], strides = [1, 1]} : vector<128x1024xf32> to vector<32x256xf32>
    %swap3A_87 = arith.constant 0 : index
    %swap3A_88 = arith.constant 0 : index
    %swap3A_89 = arith.constant 768 : index
    %swap3A_90 = vector.load %arg2[%swap3A_87, %swap3A_88, %swap3A_89] : memref<8x32x4096xf32, #tpu.memory_space<vmem>>, vector<1x32x256xf32>
    %swap3A_91 = vector.shape_cast %swap3A_90 : vector<1x32x256xf32> to vector<32x256xf32>
    %swap3A_92 = vector.shape_cast %slice3A_86 : vector<32x256xf32> to vector<1x32x256xf32>
    tpu.vector_store %arg2[%swap3A_87, %swap3A_88, %swap3A_89], %swap3A_92 {strides = array<i32>} : memref<8x32x4096xf32, #tpu.memory_space<vmem>>, vector<1x32x256xf32>,
    %slice3A_93 = vector.extract_strided_slice %transpose3A {offsets = [96, 256], sizes = [32, 256], strides = [1, 1]} : vector<128x1024xf32> to vector<32x256xf32>
    %swap3A_94 = arith.constant 0 : index
    %swap3A_95 = arith.constant 0 : index
    %swap3A_96 = arith.constant 1792 : index
    %swap3A_97 = vector.load %arg2[%swap3A_94, %swap3A_95, %swap3A_96] : memref<8x32x4096xf32, #tpu.memory_space<vmem>>, vector<1x32x256xf32>
    %swap3A_98 = vector.shape_cast %swap3A_97 : vector<1x32x256xf32> to vector<32x256xf32>
    %swap3A_99 = vector.shape_cast %slice3A_93 : vector<32x256xf32> to vector<1x32x256xf32>
    tpu.vector_store %arg2[%swap3A_94, %swap3A_95, %swap3A_96], %swap3A_99 {strides = array<i32>} : memref<8x32x4096xf32, #tpu.memory_space<vmem>>, vector<1x32x256xf32>,
    %slice3A_100 = vector.extract_strided_slice %transpose3A {offsets = [96, 512], sizes = [32, 256], strides = [1, 1]} : vector<128x1024xf32> to vector<32x256xf32>
    %swap3A_101 = arith.constant 0 : index
    %swap3A_102 = arith.constant 0 : index
    %swap3A_103 = arith.constant 2816 : index
    %swap3A_104 = vector.load %arg2[%swap3A_101, %swap3A_102, %swap3A_103] : memref<8x32x4096xf32, #tpu.memory_space<vmem>>, vector<1x32x256xf32>
    %swap3A_105 = vector.shape_cast %swap3A_104 : vector<1x32x256xf32> to vector<32x256xf32>
    %swap3A_106 = vector.shape_cast %slice3A_100 : vector<32x256xf32> to vector<1x32x256xf32>
    tpu.vector_store %arg2[%swap3A_101, %swap3A_102, %swap3A_103], %swap3A_106 {strides = array<i32>} : memref<8x32x4096xf32, #tpu.memory_space<vmem>>, vector<1x32x256xf32>,
    %slice3A_107 = vector.extract_strided_slice %transpose3A {offsets = [96, 768], sizes = [32, 256], strides = [1, 1]} : vector<128x1024xf32> to vector<32x256xf32>
    %swap3A_108 = arith.constant 0 : index
    %swap3A_109 = arith.constant 0 : index
    %swap3A_110 = arith.constant 3840 : index
    %swap3A_111 = vector.load %arg2[%swap3A_108, %swap3A_109, %swap3A_110] : memref<8x32x4096xf32, #tpu.memory_space<vmem>>, vector<1x32x256xf32>
    %swap3A_112 = vector.shape_cast %swap3A_111 : vector<1x32x256xf32> to vector<32x256xf32>
    %swap3A_113 = vector.shape_cast %slice3A_107 : vector<32x256xf32> to vector<1x32x256xf32>
    tpu.vector_store %arg2[%swap3A_108, %swap3A_109, %swap3A_110], %swap3A_113 {strides = array<i32>} : memref<8x32x4096xf32, #tpu.memory_space<vmem>>, vector<1x32x256xf32>,
    %get3A_114 = arith.constant 1 : index
    %get3A_115 = arith.constant 0 : index
    %get3A_116 = arith.constant 0 : index
    %get3A_117 = vector.load %arg1[%get3A_114, %get3A_115, %get3A_116] : memref<8x1024x128xf32, #tpu.memory_space<vmem>>, vector<1x1024x128xf32>
    %get3A_118 = vector.shape_cast %get3A_117 : vector<1x1024x128xf32> to vector<1024x128xf32>
    %transpose3A_119 = tpu.transpose %get3A_118, [1, 0] : vector<1024x128xf32> -> vector<128x1024xf32>
    %slice3A_120 = vector.extract_strided_slice %transpose3A_119 {offsets = [0, 0], sizes = [32, 256], strides = [1, 1]} : vector<128x1024xf32> to vector<32x256xf32>
    %swap3A_121 = arith.constant 1 : index
    %swap3A_122 = arith.constant 0 : index
    %swap3A_123 = arith.constant 0 : index
    %swap3A_124 = vector.load %arg2[%swap3A_121, %swap3A_122, %swap3A_123] : memref<8x32x4096xf32, #tpu.memory_space<vmem>>, vector<1x32x256xf32>
    %swap3A_125 = vector.shape_cast %swap3A_124 : vector<1x32x256xf32> to vector<32x256xf32>
    %swap3A_126 = vector.shape_cast %slice3A_120 : vector<32x256xf32> to vector<1x32x256xf32>
    tpu.vector_store %arg2[%swap3A_121, %swap3A_122, %swap3A_123], %swap3A_126 {strides = array<i32>} : memref<8x32x4096xf32, #tpu.memory_space<vmem>>, vector<1x32x256xf32>,
    %slice3A_127 = vector.extract_strided_slice %transpose3A_119 {offsets = [0, 256], sizes = [32, 256], strides = [1, 1]} : vector<128x1024xf32> to vector<32x256xf32>
    %swap3A_128 = arith.constant 1 : index
    %swap3A_129 = arith.constant 0 : index
    %swap3A_130 = arith.constant 1024 : index
    %swap3A_131 = vector.load %arg2[%swap3A_128, %swap3A_129, %swap3A_130] : memref<8x32x4096xf32, #tpu.memory_space<vmem>>, vector<1x32x256xf32>
    %swap3A_132 = vector.shape_cast %swap3A_131 : vector<1x32x256xf32> to vector<32x256xf32>
    %swap3A_133 = vector.shape_cast %slice3A_127 : vector<32x256xf32> to vector<1x32x256xf32>
    tpu.vector_store %arg2[%swap3A_128, %swap3A_129, %swap3A_130], %swap3A_133 {strides = array<i32>} : memref<8x32x4096xf32, #tpu.memory_space<vmem>>, vector<1x32x256xf32>,
    %slice3A_134 = vector.extract_strided_slice %transpose3A_119 {offsets = [0, 512], sizes = [32, 256], strides = [1, 1]} : vector<128x1024xf32> to vector<32x256xf32>
    %swap3A_135 = arith.constant 1 : index
    %swap3A_136 = arith.constant 0 : index
    %swap3A_137 = arith.constant 2048 : index
    %swap3A_138 = vector.load %arg2[%swap3A_135, %swap3A_136, %swap3A_137] : memref<8x32x4096xf32, #tpu.memory_space<vmem>>, vector<1x32x256xf32>
    %swap3A_139 = vector.shape_cast %swap3A_138 : vector<1x32x256xf32> to vector<32x256xf32>
    %swap3A_140 = vector.shape_cast %slice3A_134 : vector<32x256xf32> to vector<1x32x256xf32>
    tpu.vector_store %arg2[%swap3A_135, %swap3A_136, %swap3A_137], %swap3A_140 {strides = array<i32>} : memref<8x32x4096xf32, #tpu.memory_space<vmem>>, vector<1x32x256xf32>,
    %slice3A_141 = vector.extract_strided_slice %transpose3A_119 {offsets = [0, 768], sizes = [32, 256], strides = [1, 1]} : vector<128x1024xf32> to vector<32x256xf32>
    %swap3A_142 = arith.constant 1 : index
    %swap3A_143 = arith.constant 0 : index
    %swap3A_144 = arith.constant 3072 : index
    %swap3A_145 = vector.load %arg2[%swap3A_142, %swap3A_143, %swap3A_144] : memref<8x32x4096xf32, #tpu.memory_space<vmem>>, vector<1x32x256xf32>
    %swap3A_146 = vector.shape_cast %swap3A_145 : vector<1x32x256xf32> to vector<32x256xf32>
    %swap3A_147 = vector.shape_cast %slice3A_141 : vector<32x256xf32> to vector<1x32x256xf32>
    tpu.vector_store %arg2[%swap3A_142, %swap3A_143, %swap3A_144], %swap3A_147 {strides = array<i32>} : memref<8x32x4096xf32, #tpu.memory_space<vmem>>, vector<1x32x256xf32>,
    %slice3A_148 = vector.extract_strided_slice %transpose3A_119 {offsets = [32, 0], sizes = [32, 256], strides = [1, 1]} : vector<128x1024xf32> to vector<32x256xf32>
    %swap3A_149 = arith.constant 1 : index
    %swap3A_150 = arith.constant 0 : index
    %swap3A_151 = arith.constant 256 : index
    %swap3A_152 = vector.load %arg2[%swap3A_149, %swap3A_150, %swap3A_151] : memref<8x32x4096xf32, #tpu.memory_space<vmem>>, vector<1x32x256xf32>
    %swap3A_153 = vector.shape_cast %swap3A_152 : vector<1x32x256xf32> to vector<32x256xf32>
    %swap3A_154 = vector.shape_cast %slice3A_148 : vector<32x256xf32> to vector<1x32x256xf32>
    tpu.vector_store %arg2[%swap3A_149, %swap3A_150, %swap3A_151], %swap3A_154 {strides = array<i32>} : memref<8x32x4096xf32, #tpu.memory_space<vmem>>, vector<1x32x256xf32>,
    %slice3A_155 = vector.extract_strided_slice %transpose3A_119 {offsets = [32, 256], sizes = [32, 256], strides = [1, 1]} : vector<128x1024xf32> to vector<32x256xf32>
    %swap3A_156 = arith.constant 1 : index
    %swap3A_157 = arith.constant 0 : index
    %swap3A_158 = arith.constant 1280 : index
    %swap3A_159 = vector.load %arg2[%swap3A_156, %swap3A_157, %swap3A_158] : memref<8x32x4096xf32, #tpu.memory_space<vmem>>, vector<1x32x256xf32>
    %swap3A_160 = vector.shape_cast %swap3A_159 : vector<1x32x256xf32> to vector<32x256xf32>
    %swap3A_161 = vector.shape_cast %slice3A_155 : vector<32x256xf32> to vector<1x32x256xf32>
    tpu.vector_store %arg2[%swap3A_156, %swap3A_157, %swap3A_158], %swap3A_161 {strides = array<i32>} : memref<8x32x4096xf32, #tpu.memory_space<vmem>>, vector<1x32x256xf32>,
    %slice3A_162 = vector.extract_strided_slice %transpose3A_119 {offsets = [32, 512], sizes = [32, 256], strides = [1, 1]} : vector<128x1024xf32> to vector<32x256xf32>
    %swap3A_163 = arith.constant 1 : index
    %swap3A_164 = arith.constant 0 : index
    %swap3A_165 = arith.constant 2304 : index
    %swap3A_166 = vector.load %arg2[%swap3A_163, %swap3A_164, %swap3A_165] : memref<8x32x4096xf32, #tpu.memory_space<vmem>>, vector<1x32x256xf32>
    %swap3A_167 = vector.shape_cast %swap3A_166 : vector<1x32x256xf32> to vector<32x256xf32>
    %swap3A_168 = vector.shape_cast %slice3A_162 : vector<32x256xf32> to vector<1x32x256xf32>
    tpu.vector_store %arg2[%swap3A_163, %swap3A_164, %swap3A_165], %swap3A_168 {strides = array<i32>} : memref<8x32x4096xf32, #tpu.memory_space<vmem>>, vector<1x32x256xf32>,
    %slice3A_169 = vector.extract_strided_slice %transpose3A_119 {offsets = [32, 768], sizes = [32, 256], strides = [1, 1]} : vector<128x1024xf32> to vector<32x256xf32>
    %swap3A_170 = arith.constant 1 : index
    %swap3A_171 = arith.constant 0 : index
    %swap3A_172 = arith.constant 3328 : index
    %swap3A_173 = vector.load %arg2[%swap3A_170, %swap3A_171, %swap3A_172] : memref<8x32x4096xf32, #tpu.memory_space<vmem>>, vector<1x32x256xf32>
    %swap3A_174 = vector.shape_cast %swap3A_173 : vector<1x32x256xf32> to vector<32x256xf32>
    %swap3A_175 = vector.shape_cast %slice3A_169 : vector<32x256xf32> to vector<1x32x256xf32>
    tpu.vector_store %arg2[%swap3A_170, %swap3A_171, %swap3A_172], %swap3A_175 {strides = array<i32>} : memref<8x32x4096xf32, #tpu.memory_space<vmem>>, vector<1x32x256xf32>,
    %slice3A_176 = vector.extract_strided_slice %transpose3A_119 {offsets = [64, 0], sizes = [32, 256], strides = [1, 1]} : vector<128x1024xf32> to vector<32x256xf32>
    %swap3A_177 = arith.constant 1 : index
    %swap3A_178 = arith.constant 0 : index
    %swap3A_179 = arith.constant 512 : index
    %swap3A_180 = vector.load %arg2[%swap3A_177, %swap3A_178, %swap3A_179] : memref<8x32x4096xf32, #tpu.memory_space<vmem>>, vector<1x32x256xf32>
    %swap3A_181 = vector.shape_cast %swap3A_180 : vector<1x32x256xf32> to vector<32x256xf32>
    %swap3A_182 = vector.shape_cast %slice3A_176 : vector<32x256xf32> to vector<1x32x256xf32>
    tpu.vector_store %arg2[%swap3A_177, %swap3A_178, %swap3A_179], %swap3A_182 {strides = array<i32>} : memref<8x32x4096xf32, #tpu.memory_space<vmem>>, vector<1x32x256xf32>,
    %slice3A_183 = vector.extract_strided_slice %transpose3A_119 {offsets = [64, 256], sizes = [32, 256], strides = [1, 1]} : vector<128x1024xf32> to vector<32x256xf32>
    %swap3A_184 = arith.constant 1 : index
    %swap3A_185 = arith.constant 0 : index
    %swap3A_186 = arith.constant 1536 : index
    %swap3A_187 = vector.load %arg2[%swap3A_184, %swap3A_185, %swap3A_186] : memref<8x32x4096xf32, #tpu.memory_space<vmem>>, vector<1x32x256xf32>
    %swap3A_188 = vector.shape_cast %swap3A_187 : vector<1x32x256xf32> to vector<32x256xf32>
    %swap3A_189 = vector.shape_cast %slice3A_183 : vector<32x256xf32> to vector<1x32x256xf32>
    tpu.vector_store %arg2[%swap3A_184, %swap3A_185, %swap3A_186], %swap3A_189 {strides = array<i32>} : memref<8x32x4096xf32, #tpu.memory_space<vmem>>, vector<1x32x256xf32>,
    %slice3A_190 = vector.extract_strided_slice %transpose3A_119 {offsets = [64, 512], sizes = [32, 256], strides = [1, 1]} : vector<128x1024xf32> to vector<32x256xf32>
    %swap3A_191 = arith.constant 1 : index
    %swap3A_192 = arith.constant 0 : index
    %swap3A_193 = arith.constant 2560 : index
    %swap3A_194 = vector.load %arg2[%swap3A_191, %swap3A_192, %swap3A_193] : memref<8x32x4096xf32, #tpu.memory_space<vmem>>, vector<1x32x256xf32>
    %swap3A_195 = vector.shape_cast %swap3A_194 : vector<1x32x256xf32> to vector<32x256xf32>
    %swap3A_196 = vector.shape_cast %slice3A_190 : vector<32x256xf32> to vector<1x32x256xf32>
    tpu.vector_store %arg2[%swap3A_191, %swap3A_192, %swap3A_193], %swap3A_196 {strides = array<i32>} : memref<8x32x4096xf32, #tpu.memory_space<vmem>>, vector<1x32x256xf32>,
    %slice3A_197 = vector.extract_strided_slice %transpose3A_119 {offsets = [64, 768], sizes = [32, 256], strides = [1, 1]} : vector<128x1024xf32> to vector<32x256xf32>
    %swap3A_198 = arith.constant 1 : index
    %swap3A_199 = arith.constant 0 : index
    %swap3A_200 = arith.constant 3584 : index
    %swap3A_201 = vector.load %arg2[%swap3A_198, %swap3A_199, %swap3A_200] : memref<8x32x4096xf32, #tpu.memory_space<vmem>>, vector<1x32x256xf32>
    %swap3A_202 = vector.shape_cast %swap3A_201 : vector<1x32x256xf32> to vector<32x256xf32>
    %swap3A_203 = vector.shape_cast %slice3A_197 : vector<32x256xf32> to vector<1x32x256xf32>
    tpu.vector_store %arg2[%swap3A_198, %swap3A_199, %swap3A_200], %swap3A_203 {strides = array<i32>} : memref<8x32x4096xf32, #tpu.memory_space<vmem>>, vector<1x32x256xf32>,
    %slice3A_204 = vector.extract_strided_slice %transpose3A_119 {offsets = [96, 0], sizes = [32, 256], strides = [1, 1]} : vector<128x1024xf32> to vector<32x256xf32>
    %swap3A_205 = arith.constant 1 : index
    %swap3A_206 = arith.constant 0 : index
    %swap3A_207 = arith.constant 768 : index
    %swap3A_208 = vector.load %arg2[%swap3A_205, %swap3A_206, %swap3A_207] : memref<8x32x4096xf32, #tpu.memory_space<vmem>>, vector<1x32x256xf32>
    %swap3A_209 = vector.shape_cast %swap3A_208 : vector<1x32x256xf32> to vector<32x256xf32>
    %swap3A_210 = vector.shape_cast %slice3A_204 : vector<32x256xf32> to vector<1x32x256xf32>
    tpu.vector_store %arg2[%swap3A_205, %swap3A_206, %swap3A_207], %swap3A_210 {strides = array<i32>} : memref<8x32x4096xf32, #tpu.memory_space<vmem>>, vector<1x32x256xf32>,
    %slice3A_211 = vector.extract_strided_slice %transpose3A_119 {offsets = [96, 256], sizes = [32, 256], strides = [1, 1]} : vector<128x1024xf32> to vector<32x256xf32>
    %swap3A_212 = arith.constant 1 : index
    %swap3A_213 = arith.constant 0 : index
    %swap3A_214 = arith.constant 1792 : index
    %swap3A_215 = vector.load %arg2[%swap3A_212, %swap3A_213, %swap3A_214] : memref<8x32x4096xf32, #tpu.memory_space<vmem>>, vector<1x32x256xf32>
    %swap3A_216 = vector.shape_cast %swap3A_215 : vector<1x32x256xf32> to vector<32x256xf32>
    %swap3A_217 = vector.shape_cast %slice3A_211 : vector<32x256xf32> to vector<1x32x256xf32>
    tpu.vector_store %arg2[%swap3A_212, %swap3A_213, %swap3A_214], %swap3A_217 {strides = array<i32>} : memref<8x32x4096xf32, #tpu.memory_space<vmem>>, vector<1x32x256xf32>,
    %slice3A_218 = vector.extract_strided_slice %transpose3A_119 {offsets = [96, 512], sizes = [32, 256], strides = [1, 1]} : vector<128x1024xf32> to vector<32x256xf32>
    %swap3A_219 = arith.constant 1 : index
    %swap3A_220 = arith.constant 0 : index
    %swap3A_221 = arith.constant 2816 : index
    %swap3A_222 = vector.load %arg2[%swap3A_219, %swap3A_220, %swap3A_221] : memref<8x32x4096xf32, #tpu.memory_space<vmem>>, vector<1x32x256xf32>
    %swap3A_223 = vector.shape_cast %swap3A_222 : vector<1x32x256xf32> to vector<32x256xf32>
    %swap3A_224 = vector.shape_cast %slice3A_218 : vector<32x256xf32> to vector<1x32x256xf32>
    tpu.vector_store %arg2[%swap3A_219, %swap3A_220, %swap3A_221], %swap3A_224 {strides = array<i32>} : memref<8x32x4096xf32, #tpu.memory_space<vmem>>, vector<1x32x256xf32>,
    %slice3A_225 = vector.extract_strided_slice %transpose3A_119 {offsets = [96, 768], sizes = [32, 256], strides = [1, 1]} : vector<128x1024xf32> to vector<32x256xf32>
    %swap3A_226 = arith.constant 1 : index
    %swap3A_227 = arith.constant 0 : index
    %swap3A_228 = arith.constant 3840 : index
    %swap3A_229 = vector.load %arg2[%swap3A_226, %swap3A_227, %swap3A_228] : memref<8x32x4096xf32, #tpu.memory_space<vmem>>, vector<1x32x256xf32>
    %swap3A_230 = vector.shape_cast %swap3A_229 : vector<1x32x256xf32> to vector<32x256xf32>
    %swap3A_231 = vector.shape_cast %slice3A_225 : vector<32x256xf32> to vector<1x32x256xf32>
    tpu.vector_store %arg2[%swap3A_226, %swap3A_227, %swap3A_228], %swap3A_231 {strides = array<i32>} : memref<8x32x4096xf32, #tpu.memory_space<vmem>>, vector<1x32x256xf32>,
    %get3A_232 = arith.constant 2 : index
    %get3A_233 = arith.constant 0 : index
    %get3A_234 = arith.constant 0 : index
    %get3A_235 = vector.load %arg1[%get3A_232, %get3A_233, %get3A_234] : memref<8x1024x128xf32, #tpu.memory_space<vmem>>, vector<1x1024x128xf32>
    %get3A_236 = vector.shape_cast %get3A_235 : vector<1x1024x128xf32> to vector<1024x128xf32>
    %transpose3A_237 = tpu.transpose %get3A_236, [1, 0] : vector<1024x128xf32> -> vector<128x1024xf32>
    %slice3A_238 = vector.extract_strided_slice %transpose3A_237 {offsets = [0, 0], sizes = [32, 256], strides = [1, 1]} : vector<128x1024xf32> to vector<32x256xf32>
    %swap3A_239 = arith.constant 2 : index
    %swap3A_240 = arith.constant 0 : index
    %swap3A_241 = arith.constant 0 : index
    %swap3A_242 = vector.load %arg2[%swap3A_239, %swap3A_240, %swap3A_241] : memref<8x32x4096xf32, #tpu.memory_space<vmem>>, vector<1x32x256xf32>
    %swap3A_243 = vector.shape_cast %swap3A_242 : vector<1x32x256xf32> to vector<32x256xf32>
    %swap3A_244 = vector.shape_cast %slice3A_238 : vector<32x256xf32> to vector<1x32x256xf32>
    tpu.vector_store %arg2[%swap3A_239, %swap3A_240, %swap3A_241], %swap3A_244 {strides = array<i32>} : memref<8x32x4096xf32, #tpu.memory_space<vmem>>, vector<1x32x256xf32>,
    %slice3A_245 = vector.extract_strided_slice %transpose3A_237 {offsets = [0, 256], sizes = [32, 256], strides = [1, 1]} : vector<128x1024xf32> to vector<32x256xf32>
    %swap3A_246 = arith.constant 2 : index
    %swap3A_247 = arith.constant 0 : index
    %swap3A_248 = arith.constant 1024 : index
    %swap3A_249 = vector.load %arg2[%swap3A_246, %swap3A_247, %swap3A_248] : memref<8x32x4096xf32, #tpu.memory_space<vmem>>, vector<1x32x256xf32>
    %swap3A_250 = vector.shape_cast %swap3A_249 : vector<1x32x256xf32> to vector<32x256xf32>
    %swap3A_251 = vector.shape_cast %slice3A_245 : vector<32x256xf32> to vector<1x32x256xf32>
    tpu.vector_store %arg2[%swap3A_246, %swap3A_247, %swap3A_248], %swap3A_251 {strides = array<i32>} : memref<8x32x4096xf32, #tpu.memory_space<vmem>>, vector<1x32x256xf32>,
    %slice3A_252 = vector.extract_strided_slice %transpose3A_237 {offsets = [0, 512], sizes = [32, 256], strides = [1, 1]} : vector<128x1024xf32> to vector<32x256xf32>
    %swap3A_253 = arith.constant 2 : index
    %swap3A_254 = arith.constant 0 : index
    %swap3A_255 = arith.constant 2048 : index
    %swap3A_256 = vector.load %arg2[%swap3A_253, %swap3A_254, %swap3A_255] : memref<8x32x4096xf32, #tpu.memory_space<vmem>>, vector<1x32x256xf32>
    %swap3A_257 = vector.shape_cast %swap3A_256 : vector<1x32x256xf32> to vector<32x256xf32>
    %swap3A_258 = vector.shape_cast %slice3A_252 : vector<32x256xf32> to vector<1x32x256xf32>
    tpu.vector_store %arg2[%swap3A_253, %swap3A_254, %swap3A_255], %swap3A_258 {strides = array<i32>} : memref<8x32x4096xf32, #tpu.memory_space<vmem>>, vector<1x32x256xf32>,
    %slice3A_259 = vector.extract_strided_slice %transpose3A_237 {offsets = [0, 768], sizes = [32, 256], strides = [1, 1]} : vector<128x1024xf32> to vector<32x256xf32>
    %swap3A_260 = arith.constant 2 : index
    %swap3A_261 = arith.constant 0 : index
    %swap3A_262 = arith.constant 3072 : index
    %swap3A_263 = vector.load %arg2[%swap3A_260, %swap3A_261, %swap3A_262] : memref<8x32x4096xf32, #tpu.memory_space<vmem>>, vector<1x32x256xf32>
    %swap3A_264 = vector.shape_cast %swap3A_263 : vector<1x32x256xf32> to vector<32x256xf32>
    %swap3A_265 = vector.shape_cast %slice3A_259 : vector<32x256xf32> to vector<1x32x256xf32>
    tpu.vector_store %arg2[%swap3A_260, %swap3A_261, %swap3A_262], %swap3A_265 {strides = array<i32>} : memref<8x32x4096xf32, #tpu.memory_space<vmem>>, vector<1x32x256xf32>,
    %slice3A_266 = vector.extract_strided_slice %transpose3A_237 {offsets = [32, 0], sizes = [32, 256], strides = [1, 1]} : vector<128x1024xf32> to vector<32x256xf32>
    %swap3A_267 = arith.constant 2 : index
    %swap3A_268 = arith.constant 0 : index
    %swap3A_269 = arith.constant 256 : index
    %swap3A_270 = vector.load %arg2[%swap3A_267, %swap3A_268, %swap3A_269] : memref<8x32x4096xf32, #tpu.memory_space<vmem>>, vector<1x32x256xf32>
    %swap3A_271 = vector.shape_cast %swap3A_270 : vector<1x32x256xf32> to vector<32x256xf32>
    %swap3A_272 = vector.shape_cast %slice3A_266 : vector<32x256xf32> to vector<1x32x256xf32>
    tpu.vector_store %arg2[%swap3A_267, %swap3A_268, %swap3A_269], %swap3A_272 {strides = array<i32>} : memref<8x32x4096xf32, #tpu.memory_space<vmem>>, vector<1x32x256xf32>,
    %slice3A_273 = vector.extract_strided_slice %transpose3A_237 {offsets = [32, 256], sizes = [32, 256], strides = [1, 1]} : vector<128x1024xf32> to vector<32x256xf32>
    %swap3A_274 = arith.constant 2 : index
    %swap3A_275 = arith.constant 0 : index
    %swap3A_276 = arith.constant 1280 : index
    %swap3A_277 = vector.load %arg2[%swap3A_274, %swap3A_275, %swap3A_276] : memref<8x32x4096xf32, #tpu.memory_space<vmem>>, vector<1x32x256xf32>
    %swap3A_278 = vector.shape_cast %swap3A_277 : vector<1x32x256xf32> to vector<32x256xf32>
    %swap3A_279 = vector.shape_cast %slice3A_273 : vector<32x256xf32> to vector<1x32x256xf32>
    tpu.vector_store %arg2[%swap3A_274, %swap3A_275, %swap3A_276], %swap3A_279 {strides = array<i32>} : memref<8x32x4096xf32, #tpu.memory_space<vmem>>, vector<1x32x256xf32>,
    %slice3A_280 = vector.extract_strided_slice %transpose3A_237 {offsets = [32, 512], sizes = [32, 256], strides = [1, 1]} : vector<128x1024xf32> to vector<32x256xf32>
    %swap3A_281 = arith.constant 2 : index
    %swap3A_282 = arith.constant 0 : index
    %swap3A_283 = arith.constant 2304 : index
    %swap3A_284 = vector.load %arg2[%swap3A_281, %swap3A_282, %swap3A_283] : memref<8x32x4096xf32, #tpu.memory_space<vmem>>, vector<1x32x256xf32>
    %swap3A_285 = vector.shape_cast %swap3A_284 : vector<1x32x256xf32> to vector<32x256xf32>
    %swap3A_286 = vector.shape_cast %slice3A_280 : vector<32x256xf32> to vector<1x32x256xf32>
    tpu.vector_store %arg2[%swap3A_281, %swap3A_282, %swap3A_283], %swap3A_286 {strides = array<i32>} : memref<8x32x4096xf32, #tpu.memory_space<vmem>>, vector<1x32x256xf32>,
    %slice3A_287 = vector.extract_strided_slice %transpose3A_237 {offsets = [32, 768], sizes = [32, 256], strides = [1, 1]} : vector<128x1024xf32> to vector<32x256xf32>
    %swap3A_288 = arith.constant 2 : index
    %swap3A_289 = arith.constant 0 : index
    %swap3A_290 = arith.constant 3328 : index
    %swap3A_291 = vector.load %arg2[%swap3A_288, %swap3A_289, %swap3A_290] : memref<8x32x4096xf32, #tpu.memory_space<vmem>>, vector<1x32x256xf32>
    %swap3A_292 = vector.shape_cast %swap3A_291 : vector<1x32x256xf32> to vector<32x256xf32>
    %swap3A_293 = vector.shape_cast %slice3A_287 : vector<32x256xf32> to vector<1x32x256xf32>
    tpu.vector_store %arg2[%swap3A_288, %swap3A_289, %swap3A_290], %swap3A_293 {strides = array<i32>} : memref<8x32x4096xf32, #tpu.memory_space<vmem>>, vector<1x32x256xf32>,
    %slice3A_294 = vector.extract_strided_slice %transpose3A_237 {offsets = [64, 0], sizes = [32, 256], strides = [1, 1]} : vector<128x1024xf32> to vector<32x256xf32>
    %swap3A_295 = arith.constant 2 : index
    %swap3A_296 = arith.constant 0 : index
    %swap3A_297 = arith.constant 512 : index
    %swap3A_298 = vector.load %arg2[%swap3A_295, %swap3A_296, %swap3A_297] : memref<8x32x4096xf32, #tpu.memory_space<vmem>>, vector<1x32x256xf32>
    %swap3A_299 = vector.shape_cast %swap3A_298 : vector<1x32x256xf32> to vector<32x256xf32>
    %swap3A_300 = vector.shape_cast %slice3A_294 : vector<32x256xf32> to vector<1x32x256xf32>
    tpu.vector_store %arg2[%swap3A_295, %swap3A_296, %swap3A_297], %swap3A_300 {strides = array<i32>} : memref<8x32x4096xf32, #tpu.memory_space<vmem>>, vector<1x32x256xf32>,
    %slice3A_301 = vector.extract_strided_slice %transpose3A_237 {offsets = [64, 256], sizes = [32, 256], strides = [1, 1]} : vector<128x1024xf32> to vector<32x256xf32>
    %swap3A_302 = arith.constant 2 : index
    %swap3A_303 = arith.constant 0 : index
    %swap3A_304 = arith.constant 1536 : index
    %swap3A_305 = vector.load %arg2[%swap3A_302, %swap3A_303, %swap3A_304] : memref<8x32x4096xf32, #tpu.memory_space<vmem>>, vector<1x32x256xf32>
    %swap3A_306 = vector.shape_cast %swap3A_305 : vector<1x32x256xf32> to vector<32x256xf32>
    %swap3A_307 = vector.shape_cast %slice3A_301 : vector<32x256xf32> to vector<1x32x256xf32>
    tpu.vector_store %arg2[%swap3A_302, %swap3A_303, %swap3A_304], %swap3A_307 {strides = array<i32>} : memref<8x32x4096xf32, #tpu.memory_space<vmem>>, vector<1x32x256xf32>,
    %slice3A_308 = vector.extract_strided_slice %transpose3A_237 {offsets = [64, 512], sizes = [32, 256], strides = [1, 1]} : vector<128x1024xf32> to vector<32x256xf32>
    %swap3A_309 = arith.constant 2 : index
    %swap3A_310 = arith.constant 0 : index
    %swap3A_311 = arith.constant 2560 : index
    %swap3A_312 = vector.load %arg2[%swap3A_309, %swap3A_310, %swap3A_311] : memref<8x32x4096xf32, #tpu.memory_space<vmem>>, vector<1x32x256xf32>
    %swap3A_313 = vector.shape_cast %swap3A_312 : vector<1x32x256xf32> to vector<32x256xf32>
    %swap3A_314 = vector.shape_cast %slice3A_308 : vector<32x256xf32> to vector<1x32x256xf32>
    tpu.vector_store %arg2[%swap3A_309, %swap3A_310, %swap3A_311], %swap3A_314 {strides = array<i32>} : memref<8x32x4096xf32, #tpu.memory_space<vmem>>, vector<1x32x256xf32>,
    %slice3A_315 = vector.extract_strided_slice %transpose3A_237 {offsets = [64, 768], sizes = [32, 256], strides = [1, 1]} : vector<128x1024xf32> to vector<32x256xf32>
    %swap3A_316 = arith.constant 2 : index
    %swap3A_317 = arith.constant 0 : index
    %swap3A_318 = arith.constant 3584 : index
    %swap3A_319 = vector.load %arg2[%swap3A_316, %swap3A_317, %swap3A_318] : memref<8x32x4096xf32, #tpu.memory_space<vmem>>, vector<1x32x256xf32>
    %swap3A_320 = vector.shape_cast %swap3A_319 : vector<1x32x256xf32> to vector<32x256xf32>
    %swap3A_321 = vector.shape_cast %slice3A_315 : vector<32x256xf32> to vector<1x32x256xf32>
    tpu.vector_store %arg2[%swap3A_316, %swap3A_317, %swap3A_318], %swap3A_321 {strides = array<i32>} : memref<8x32x4096xf32, #tpu.memory_space<vmem>>, vector<1x32x256xf32>,
    %slice3A_322 = vector.extract_strided_slice %transpose3A_237 {offsets = [96, 0], sizes = [32, 256], strides = [1, 1]} : vector<128x1024xf32> to vector<32x256xf32>
    %swap3A_323 = arith.constant 2 : index
    %swap3A_324 = arith.constant 0 : index
    %swap3A_325 = arith.constant 768 : index
    %swap3A_326 = vector.load %arg2[%swap3A_323, %swap3A_324, %swap3A_325] : memref<8x32x4096xf32, #tpu.memory_space<vmem>>, vector<1x32x256xf32>
    %swap3A_327 = vector.shape_cast %swap3A_326 : vector<1x32x256xf32> to vector<32x256xf32>
    %swap3A_328 = vector.shape_cast %slice3A_322 : vector<32x256xf32> to vector<1x32x256xf32>
    tpu.vector_store %arg2[%swap3A_323, %swap3A_324, %swap3A_325], %swap3A_328 {strides = array<i32>} : memref<8x32x4096xf32, #tpu.memory_space<vmem>>, vector<1x32x256xf32>,
    %slice3A_329 = vector.extract_strided_slice %transpose3A_237 {offsets = [96, 256], sizes = [32, 256], strides = [1, 1]} : vector<128x1024xf32> to vector<32x256xf32>
    %swap3A_330 = arith.constant 2 : index
    %swap3A_331 = arith.constant 0 : index
    %swap3A_332 = arith.constant 1792 : index
    %swap3A_333 = vector.load %arg2[%swap3A_330, %swap3A_331, %swap3A_332] : memref<8x32x4096xf32, #tpu.memory_space<vmem>>, vector<1x32x256xf32>
    %swap3A_334 = vector.shape_cast %swap3A_333 : vector<1x32x256xf32> to vector<32x256xf32>
    %swap3A_335 = vector.shape_cast %slice3A_329 : vector<32x256xf32> to vector<1x32x256xf32>
    tpu.vector_store %arg2[%swap3A_330, %swap3A_331, %swap3A_332], %swap3A_335 {strides = array<i32>} : memref<8x32x4096xf32, #tpu.memory_space<vmem>>, vector<1x32x256xf32>,
    %slice3A_336 = vector.extract_strided_slice %transpose3A_237 {offsets = [96, 512], sizes = [32, 256], strides = [1, 1]} : vector<128x1024xf32> to vector<32x256xf32>
    %swap3A_337 = arith.constant 2 : index
    %swap3A_338 = arith.constant 0 : index
    %swap3A_339 = arith.constant 2816 : index
    %swap3A_340 = vector.load %arg2[%swap3A_337, %swap3A_338, %swap3A_339] : memref<8x32x4096xf32, #tpu.memory_space<vmem>>, vector<1x32x256xf32>
    %swap3A_341 = vector.shape_cast %swap3A_340 : vector<1x32x256xf32> to vector<32x256xf32>
    %swap3A_342 = vector.shape_cast %slice3A_336 : vector<32x256xf32> to vector<1x32x256xf32>
    tpu.vector_store %arg2[%swap3A_337, %swap3A_338, %swap3A_339], %swap3A_342 {strides = array<i32>} : memref<8x32x4096xf32, #tpu.memory_space<vmem>>, vector<1x32x256xf32>,
    %slice3A_343 = vector.extract_strided_slice %transpose3A_237 {offsets = [96, 768], sizes = [32, 256], strides = [1, 1]} : vector<128x1024xf32> to vector<32x256xf32>
    %swap3A_344 = arith.constant 2 : index
    %swap3A_345 = arith.constant 0 : index
    %swap3A_346 = arith.constant 3840 : index
    %swap3A_347 = vector.load %arg2[%swap3A_344, %swap3A_345, %swap3A_346] : memref<8x32x4096xf32, #tpu.memory_space<vmem>>, vector<1x32x256xf32>
    %swap3A_348 = vector.shape_cast %swap3A_347 : vector<1x32x256xf32> to vector<32x256xf32>
    %swap3A_349 = vector.shape_cast %slice3A_343 : vector<32x256xf32> to vector<1x32x256xf32>
    tpu.vector_store %arg2[%swap3A_344, %swap3A_345, %swap3A_346], %swap3A_349 {strides = array<i32>} : memref<8x32x4096xf32, #tpu.memory_space<vmem>>, vector<1x32x256xf32>,
    %get3A_350 = arith.constant 3 : index
    %get3A_351 = arith.constant 0 : index
    %get3A_352 = arith.constant 0 : index
    %get3A_353 = vector.load %arg1[%get3A_350, %get3A_351, %get3A_352] : memref<8x1024x128xf32, #tpu.memory_space<vmem>>, vector<1x1024x128xf32>
    %get3A_354 = vector.shape_cast %get3A_353 : vector<1x1024x128xf32> to vector<1024x128xf32>
    %transpose3A_355 = tpu.transpose %get3A_354, [1, 0] : vector<1024x128xf32> -> vector<128x1024xf32>
    %slice3A_356 = vector.extract_strided_slice %transpose3A_355 {offsets = [0, 0], sizes = [32, 256], strides = [1, 1]} : vector<128x1024xf32> to vector<32x256xf32>
    %swap3A_357 = arith.constant 3 : index
    %swap3A_358 = arith.constant 0 : index
    %swap3A_359 = arith.constant 0 : index
    %swap3A_360 = vector.load %arg2[%swap3A_357, %swap3A_358, %swap3A_359] : memref<8x32x4096xf32, #tpu.memory_space<vmem>>, vector<1x32x256xf32>
    %swap3A_361 = vector.shape_cast %swap3A_360 : vector<1x32x256xf32> to vector<32x256xf32>
    %swap3A_362 = vector.shape_cast %slice3A_356 : vector<32x256xf32> to vector<1x32x256xf32>
    tpu.vector_store %arg2[%swap3A_357, %swap3A_358, %swap3A_359], %swap3A_362 {strides = array<i32>} : memref<8x32x4096xf32, #tpu.memory_space<vmem>>, vector<1x32x256xf32>,
    %slice3A_363 = vector.extract_strided_slice %transpose3A_355 {offsets = [0, 256], sizes = [32, 256], strides = [1, 1]} : vector<128x1024xf32> to vector<32x256xf32>
    %swap3A_364 = arith.constant 3 : index
    %swap3A_365 = arith.constant 0 : index
    %swap3A_366 = arith.constant 1024 : index
    %swap3A_367 = vector.load %arg2[%swap3A_364, %swap3A_365, %swap3A_366] : memref<8x32x4096xf32, #tpu.memory_space<vmem>>, vector<1x32x256xf32>
    %swap3A_368 = vector.shape_cast %swap3A_367 : vector<1x32x256xf32> to vector<32x256xf32>
    %swap3A_369 = vector.shape_cast %slice3A_363 : vector<32x256xf32> to vector<1x32x256xf32>
    tpu.vector_store %arg2[%swap3A_364, %swap3A_365, %swap3A_366], %swap3A_369 {strides = array<i32>} : memref<8x32x4096xf32, #tpu.memory_space<vmem>>, vector<1x32x256xf32>,
    %slice3A_370 = vector.extract_strided_slice %transpose3A_355 {offsets = [0, 512], sizes = [32, 256], strides = [1, 1]} : vector<128x1024xf32> to vector<32x256xf32>
    %swap3A_371 = arith.constant 3 : index
    %swap3A_372 = arith.constant 0 : index
    %swap3A_373 = arith.constant 2048 : index
    %swap3A_374 = vector.load %arg2[%swap3A_371, %swap3A_372, %swap3A_373] : memref<8x32x4096xf32, #tpu.memory_space<vmem>>, vector<1x32x256xf32>
    %swap3A_375 = vector.shape_cast %swap3A_374 : vector<1x32x256xf32> to vector<32x256xf32>
    %swap3A_376 = vector.shape_cast %slice3A_370 : vector<32x256xf32> to vector<1x32x256xf32>
    tpu.vector_store %arg2[%swap3A_371, %swap3A_372, %swap3A_373], %swap3A_376 {strides = array<i32>} : memref<8x32x4096xf32, #tpu.memory_space<vmem>>, vector<1x32x256xf32>,
    %slice3A_377 = vector.extract_strided_slice %transpose3A_355 {offsets = [0, 768], sizes = [32, 256], strides = [1, 1]} : vector<128x1024xf32> to vector<32x256xf32>
    %swap3A_378 = arith.constant 3 : index
    %swap3A_379 = arith.constant 0 : index
    %swap3A_380 = arith.constant 3072 : index
    %swap3A_381 = vector.load %arg2[%swap3A_378, %swap3A_379, %swap3A_380] : memref<8x32x4096xf32, #tpu.memory_space<vmem>>, vector<1x32x256xf32>
    %swap3A_382 = vector.shape_cast %swap3A_381 : vector<1x32x256xf32> to vector<32x256xf32>
    %swap3A_383 = vector.shape_cast %slice3A_377 : vector<32x256xf32> to vector<1x32x256xf32>
    tpu.vector_store %arg2[%swap3A_378, %swap3A_379, %swap3A_380], %swap3A_383 {strides = array<i32>} : memref<8x32x4096xf32, #tpu.memory_space<vmem>>, vector<1x32x256xf32>,
    %slice3A_384 = vector.extract_strided_slice %transpose3A_355 {offsets = [32, 0], sizes = [32, 256], strides = [1, 1]} : vector<128x1024xf32> to vector<32x256xf32>
    %swap3A_385 = arith.constant 3 : index
    %swap3A_386 = arith.constant 0 : index
    %swap3A_387 = arith.constant 256 : index
    %swap3A_388 = vector.load %arg2[%swap3A_385, %swap3A_386, %swap3A_387] : memref<8x32x4096xf32, #tpu.memory_space<vmem>>, vector<1x32x256xf32>
    %swap3A_389 = vector.shape_cast %swap3A_388 : vector<1x32x256xf32> to vector<32x256xf32>
    %swap3A_390 = vector.shape_cast %slice3A_384 : vector<32x256xf32> to vector<1x32x256xf32>
    tpu.vector_store %arg2[%swap3A_385, %swap3A_386, %swap3A_387], %swap3A_390 {strides = array<i32>} : memref<8x32x4096xf32, #tpu.memory_space<vmem>>, vector<1x32x256xf32>,
    %slice3A_391 = vector.extract_strided_slice %transpose3A_355 {offsets = [32, 256], sizes = [32, 256], strides = [1, 1]} : vector<128x1024xf32> to vector<32x256xf32>
    %swap3A_392 = arith.constant 3 : index
    %swap3A_393 = arith.constant 0 : index
    %swap3A_394 = arith.constant 1280 : index
    %swap3A_395 = vector.load %arg2[%swap3A_392, %swap3A_393, %swap3A_394] : memref<8x32x4096xf32, #tpu.memory_space<vmem>>, vector<1x32x256xf32>
    %swap3A_396 = vector.shape_cast %swap3A_395 : vector<1x32x256xf32> to vector<32x256xf32>
    %swap3A_397 = vector.shape_cast %slice3A_391 : vector<32x256xf32> to vector<1x32x256xf32>
    tpu.vector_store %arg2[%swap3A_392, %swap3A_393, %swap3A_394], %swap3A_397 {strides = array<i32>} : memref<8x32x4096xf32, #tpu.memory_space<vmem>>, vector<1x32x256xf32>,
    %slice3A_398 = vector.extract_strided_slice %transpose3A_355 {offsets = [32, 512], sizes = [32, 256], strides = [1, 1]} : vector<128x1024xf32> to vector<32x256xf32>
    %swap3A_399 = arith.constant 3 : index
    %swap3A_400 = arith.constant 0 : index
    %swap3A_401 = arith.constant 2304 : index
    %swap3A_402 = vector.load %arg2[%swap3A_399, %swap3A_400, %swap3A_401] : memref<8x32x4096xf32, #tpu.memory_space<vmem>>, vector<1x32x256xf32>
    %swap3A_403 = vector.shape_cast %swap3A_402 : vector<1x32x256xf32> to vector<32x256xf32>
    %swap3A_404 = vector.shape_cast %slice3A_398 : vector<32x256xf32> to vector<1x32x256xf32>
    tpu.vector_store %arg2[%swap3A_399, %swap3A_400, %swap3A_401], %swap3A_404 {strides = array<i32>} : memref<8x32x4096xf32, #tpu.memory_space<vmem>>, vector<1x32x256xf32>,
    %slice3A_405 = vector.extract_strided_slice %transpose3A_355 {offsets = [32, 768], sizes = [32, 256], strides = [1, 1]} : vector<128x1024xf32> to vector<32x256xf32>
    %swap3A_406 = arith.constant 3 : index
    %swap3A_407 = arith.constant 0 : index
    %swap3A_408 = arith.constant 3328 : index
    %swap3A_409 = vector.load %arg2[%swap3A_406, %swap3A_407, %swap3A_408] : memref<8x32x4096xf32, #tpu.memory_space<vmem>>, vector<1x32x256xf32>
    %swap3A_410 = vector.shape_cast %swap3A_409 : vector<1x32x256xf32> to vector<32x256xf32>
    %swap3A_411 = vector.shape_cast %slice3A_405 : vector<32x256xf32> to vector<1x32x256xf32>
    tpu.vector_store %arg2[%swap3A_406, %swap3A_407, %swap3A_408], %swap3A_411 {strides = array<i32>} : memref<8x32x4096xf32, #tpu.memory_space<vmem>>, vector<1x32x256xf32>,
    %slice3A_412 = vector.extract_strided_slice %transpose3A_355 {offsets = [64, 0], sizes = [32, 256], strides = [1, 1]} : vector<128x1024xf32> to vector<32x256xf32>
    %swap3A_413 = arith.constant 3 : index
    %swap3A_414 = arith.constant 0 : index
    %swap3A_415 = arith.constant 512 : index
    %swap3A_416 = vector.load %arg2[%swap3A_413, %swap3A_414, %swap3A_415] : memref<8x32x4096xf32, #tpu.memory_space<vmem>>, vector<1x32x256xf32>
    %swap3A_417 = vector.shape_cast %swap3A_416 : vector<1x32x256xf32> to vector<32x256xf32>
    %swap3A_418 = vector.shape_cast %slice3A_412 : vector<32x256xf32> to vector<1x32x256xf32>
    tpu.vector_store %arg2[%swap3A_413, %swap3A_414, %swap3A_415], %swap3A_418 {strides = array<i32>} : memref<8x32x4096xf32, #tpu.memory_space<vmem>>, vector<1x32x256xf32>,
    %slice3A_419 = vector.extract_strided_slice %transpose3A_355 {offsets = [64, 256], sizes = [32, 256], strides = [1, 1]} : vector<128x1024xf32> to vector<32x256xf32>
    %swap3A_420 = arith.constant 3 : index
    %swap3A_421 = arith.constant 0 : index
    %swap3A_422 = arith.constant 1536 : index
    %swap3A_423 = vector.load %arg2[%swap3A_420, %swap3A_421, %swap3A_422] : memref<8x32x4096xf32, #tpu.memory_space<vmem>>, vector<1x32x256xf32>
    %swap3A_424 = vector.shape_cast %swap3A_423 : vector<1x32x256xf32> to vector<32x256xf32>
    %swap3A_425 = vector.shape_cast %slice3A_419 : vector<32x256xf32> to vector<1x32x256xf32>
    tpu.vector_store %arg2[%swap3A_420, %swap3A_421, %swap3A_422], %swap3A_425 {strides = array<i32>} : memref<8x32x4096xf32, #tpu.memory_space<vmem>>, vector<1x32x256xf32>,
    %slice3A_426 = vector.extract_strided_slice %transpose3A_355 {offsets = [64, 512], sizes = [32, 256], strides = [1, 1]} : vector<128x1024xf32> to vector<32x256xf32>
    %swap3A_427 = arith.constant 3 : index
    %swap3A_428 = arith.constant 0 : index
    %swap3A_429 = arith.constant 2560 : index
    %swap3A_430 = vector.load %arg2[%swap3A_427, %swap3A_428, %swap3A_429] : memref<8x32x4096xf32, #tpu.memory_space<vmem>>, vector<1x32x256xf32>
    %swap3A_431 = vector.shape_cast %swap3A_430 : vector<1x32x256xf32> to vector<32x256xf32>
    %swap3A_432 = vector.shape_cast %slice3A_426 : vector<32x256xf32> to vector<1x32x256xf32>
    tpu.vector_store %arg2[%swap3A_427, %swap3A_428, %swap3A_429], %swap3A_432 {strides = array<i32>} : memref<8x32x4096xf32, #tpu.memory_space<vmem>>, vector<1x32x256xf32>,
    %slice3A_433 = vector.extract_strided_slice %transpose3A_355 {offsets = [64, 768], sizes = [32, 256], strides = [1, 1]} : vector<128x1024xf32> to vector<32x256xf32>
    %swap3A_434 = arith.constant 3 : index
    %swap3A_435 = arith.constant 0 : index
    %swap3A_436 = arith.constant 3584 : index
    %swap3A_437 = vector.load %arg2[%swap3A_434, %swap3A_435, %swap3A_436] : memref<8x32x4096xf32, #tpu.memory_space<vmem>>, vector<1x32x256xf32>
    %swap3A_438 = vector.shape_cast %swap3A_437 : vector<1x32x256xf32> to vector<32x256xf32>
    %swap3A_439 = vector.shape_cast %slice3A_433 : vector<32x256xf32> to vector<1x32x256xf32>
    tpu.vector_store %arg2[%swap3A_434, %swap3A_435, %swap3A_436], %swap3A_439 {strides = array<i32>} : memref<8x32x4096xf32, #tpu.memory_space<vmem>>, vector<1x32x256xf32>,
    %slice3A_440 = vector.extract_strided_slice %transpose3A_355 {offsets = [96, 0], sizes = [32, 256], strides = [1, 1]} : vector<128x1024xf32> to vector<32x256xf32>
    %swap3A_441 = arith.constant 3 : index
    %swap3A_442 = arith.constant 0 : index
    %swap3A_443 = arith.constant 768 : index
    %swap3A_444 = vector.load %arg2[%swap3A_441, %swap3A_442, %swap3A_443] : memref<8x32x4096xf32, #tpu.memory_space<vmem>>, vector<1x32x256xf32>
    %swap3A_445 = vector.shape_cast %swap3A_444 : vector<1x32x256xf32> to vector<32x256xf32>
    %swap3A_446 = vector.shape_cast %slice3A_440 : vector<32x256xf32> to vector<1x32x256xf32>
    tpu.vector_store %arg2[%swap3A_441, %swap3A_442, %swap3A_443], %swap3A_446 {strides = array<i32>} : memref<8x32x4096xf32, #tpu.memory_space<vmem>>, vector<1x32x256xf32>,
    %slice3A_447 = vector.extract_strided_slice %transpose3A_355 {offsets = [96, 256], sizes = [32, 256], strides = [1, 1]} : vector<128x1024xf32> to vector<32x256xf32>
    %swap3A_448 = arith.constant 3 : index
    %swap3A_449 = arith.constant 0 : index
    %swap3A_450 = arith.constant 1792 : index
    %swap3A_451 = vector.load %arg2[%swap3A_448, %swap3A_449, %swap3A_450] : memref<8x32x4096xf32, #tpu.memory_space<vmem>>, vector<1x32x256xf32>
    %swap3A_452 = vector.shape_cast %swap3A_451 : vector<1x32x256xf32> to vector<32x256xf32>
    %swap3A_453 = vector.shape_cast %slice3A_447 : vector<32x256xf32> to vector<1x32x256xf32>
    tpu.vector_store %arg2[%swap3A_448, %swap3A_449, %swap3A_450], %swap3A_453 {strides = array<i32>} : memref<8x32x4096xf32, #tpu.memory_space<vmem>>, vector<1x32x256xf32>,
    %slice3A_454 = vector.extract_strided_slice %transpose3A_355 {offsets = [96, 512], sizes = [32, 256], strides = [1, 1]} : vector<128x1024xf32> to vector<32x256xf32>
    %swap3A_455 = arith.constant 3 : index
    %swap3A_456 = arith.constant 0 : index
    %swap3A_457 = arith.constant 2816 : index
    %swap3A_458 = vector.load %arg2[%swap3A_455, %swap3A_456, %swap3A_457] : memref<8x32x4096xf32, #tpu.memory_space<vmem>>, vector<1x32x256xf32>
    %swap3A_459 = vector.shape_cast %swap3A_458 : vector<1x32x256xf32> to vector<32x256xf32>
    %swap3A_460 = vector.shape_cast %slice3A_454 : vector<32x256xf32> to vector<1x32x256xf32>
    tpu.vector_store %arg2[%swap3A_455, %swap3A_456, %swap3A_457], %swap3A_460 {strides = array<i32>} : memref<8x32x4096xf32, #tpu.memory_space<vmem>>, vector<1x32x256xf32>,
    %slice3A_461 = vector.extract_strided_slice %transpose3A_355 {offsets = [96, 768], sizes = [32, 256], strides = [1, 1]} : vector<128x1024xf32> to vector<32x256xf32>
    %swap3A_462 = arith.constant 3 : index
    %swap3A_463 = arith.constant 0 : index
    %swap3A_464 = arith.constant 3840 : index
    %swap3A_465 = vector.load %arg2[%swap3A_462, %swap3A_463, %swap3A_464] : memref<8x32x4096xf32, #tpu.memory_space<vmem>>, vector<1x32x256xf32>
    %swap3A_466 = vector.shape_cast %swap3A_465 : vector<1x32x256xf32> to vector<32x256xf32>
    %swap3A_467 = vector.shape_cast %slice3A_461 : vector<32x256xf32> to vector<1x32x256xf32>
    tpu.vector_store %arg2[%swap3A_462, %swap3A_463, %swap3A_464], %swap3A_467 {strides = array<i32>} : memref<8x32x4096xf32, #tpu.memory_space<vmem>>, vector<1x32x256xf32>,
    %get3A_468 = arith.constant 4 : index
    %get3A_469 = arith.constant 0 : index
    %get3A_470 = arith.constant 0 : index
    %get3A_471 = vector.load %arg1[%get3A_468, %get3A_469, %get3A_470] : memref<8x1024x128xf32, #tpu.memory_space<vmem>>, vector<1x1024x128xf32>
    %get3A_472 = vector.shape_cast %get3A_471 : vector<1x1024x128xf32> to vector<1024x128xf32>
    %transpose3A_473 = tpu.transpose %get3A_472, [1, 0] : vector<1024x128xf32> -> vector<128x1024xf32>
    %slice3A_474 = vector.extract_strided_slice %transpose3A_473 {offsets = [0, 0], sizes = [32, 256], strides = [1, 1]} : vector<128x1024xf32> to vector<32x256xf32>
    %swap3A_475 = arith.constant 4 : index
    %swap3A_476 = arith.constant 0 : index
    %swap3A_477 = arith.constant 0 : index
    %swap3A_478 = vector.load %arg2[%swap3A_475, %swap3A_476, %swap3A_477] : memref<8x32x4096xf32, #tpu.memory_space<vmem>>, vector<1x32x256xf32>
    %swap3A_479 = vector.shape_cast %swap3A_478 : vector<1x32x256xf32> to vector<32x256xf32>
    %swap3A_480 = vector.shape_cast %slice3A_474 : vector<32x256xf32> to vector<1x32x256xf32>
    tpu.vector_store %arg2[%swap3A_475, %swap3A_476, %swap3A_477], %swap3A_480 {strides = array<i32>} : memref<8x32x4096xf32, #tpu.memory_space<vmem>>, vector<1x32x256xf32>,
    %slice3A_481 = vector.extract_strided_slice %transpose3A_473 {offsets = [0, 256], sizes = [32, 256], strides = [1, 1]} : vector<128x1024xf32> to vector<32x256xf32>
    %swap3A_482 = arith.constant 4 : index
    %swap3A_483 = arith.constant 0 : index
    %swap3A_484 = arith.constant 1024 : index
    %swap3A_485 = vector.load %arg2[%swap3A_482, %swap3A_483, %swap3A_484] : memref<8x32x4096xf32, #tpu.memory_space<vmem>>, vector<1x32x256xf32>
    %swap3A_486 = vector.shape_cast %swap3A_485 : vector<1x32x256xf32> to vector<32x256xf32>
    %swap3A_487 = vector.shape_cast %slice3A_481 : vector<32x256xf32> to vector<1x32x256xf32>
    tpu.vector_store %arg2[%swap3A_482, %swap3A_483, %swap3A_484], %swap3A_487 {strides = array<i32>} : memref<8x32x4096xf32, #tpu.memory_space<vmem>>, vector<1x32x256xf32>,
    %slice3A_488 = vector.extract_strided_slice %transpose3A_473 {offsets = [0, 512], sizes = [32, 256], strides = [1, 1]} : vector<128x1024xf32> to vector<32x256xf32>
    %swap3A_489 = arith.constant 4 : index
    %swap3A_490 = arith.constant 0 : index
    %swap3A_491 = arith.constant 2048 : index
    %swap3A_492 = vector.load %arg2[%swap3A_489, %swap3A_490, %swap3A_491] : memref<8x32x4096xf32, #tpu.memory_space<vmem>>, vector<1x32x256xf32>
    %swap3A_493 = vector.shape_cast %swap3A_492 : vector<1x32x256xf32> to vector<32x256xf32>
    %swap3A_494 = vector.shape_cast %slice3A_488 : vector<32x256xf32> to vector<1x32x256xf32>
    tpu.vector_store %arg2[%swap3A_489, %swap3A_490, %swap3A_491], %swap3A_494 {strides = array<i32>} : memref<8x32x4096xf32, #tpu.memory_space<vmem>>, vector<1x32x256xf32>,
    %slice3A_495 = vector.extract_strided_slice %transpose3A_473 {offsets = [0, 768], sizes = [32, 256], strides = [1, 1]} : vector<128x1024xf32> to vector<32x256xf32>
    %swap3A_496 = arith.constant 4 : index
    %swap3A_497 = arith.constant 0 : index
    %swap3A_498 = arith.constant 3072 : index
    %swap3A_499 = vector.load %arg2[%swap3A_496, %swap3A_497, %swap3A_498] : memref<8x32x4096xf32, #tpu.memory_space<vmem>>, vector<1x32x256xf32>
    %swap3A_500 = vector.shape_cast %swap3A_499 : vector<1x32x256xf32> to vector<32x256xf32>
    %swap3A_501 = vector.shape_cast %slice3A_495 : vector<32x256xf32> to vector<1x32x256xf32>
    tpu.vector_store %arg2[%swap3A_496, %swap3A_497, %swap3A_498], %swap3A_501 {strides = array<i32>} : memref<8x32x4096xf32, #tpu.memory_space<vmem>>, vector<1x32x256xf32>,
    %slice3A_502 = vector.extract_strided_slice %transpose3A_473 {offsets = [32, 0], sizes = [32, 256], strides = [1, 1]} : vector<128x1024xf32> to vector<32x256xf32>
    %swap3A_503 = arith.constant 4 : index
    %swap3A_504 = arith.constant 0 : index
    %swap3A_505 = arith.constant 256 : index
    %swap3A_506 = vector.load %arg2[%swap3A_503, %swap3A_504, %swap3A_505] : memref<8x32x4096xf32, #tpu.memory_space<vmem>>, vector<1x32x256xf32>
    %swap3A_507 = vector.shape_cast %swap3A_506 : vector<1x32x256xf32> to vector<32x256xf32>
    %swap3A_508 = vector.shape_cast %slice3A_502 : vector<32x256xf32> to vector<1x32x256xf32>
    tpu.vector_store %arg2[%swap3A_503, %swap3A_504, %swap3A_505], %swap3A_508 {strides = array<i32>} : memref<8x32x4096xf32, #tpu.memory_space<vmem>>, vector<1x32x256xf32>,
    %slice3A_509 = vector.extract_strided_slice %transpose3A_473 {offsets = [32, 256], sizes = [32, 256], strides = [1, 1]} : vector<128x1024xf32> to vector<32x256xf32>
    %swap3A_510 = arith.constant 4 : index
    %swap3A_511 = arith.constant 0 : index
    %swap3A_512 = arith.constant 1280 : index
    %swap3A_513 = vector.load %arg2[%swap3A_510, %swap3A_511, %swap3A_512] : memref<8x32x4096xf32, #tpu.memory_space<vmem>>, vector<1x32x256xf32>
    %swap3A_514 = vector.shape_cast %swap3A_513 : vector<1x32x256xf32> to vector<32x256xf32>
    %swap3A_515 = vector.shape_cast %slice3A_509 : vector<32x256xf32> to vector<1x32x256xf32>
    tpu.vector_store %arg2[%swap3A_510, %swap3A_511, %swap3A_512], %swap3A_515 {strides = array<i32>} : memref<8x32x4096xf32, #tpu.memory_space<vmem>>, vector<1x32x256xf32>,
    %slice3A_516 = vector.extract_strided_slice %transpose3A_473 {offsets = [32, 512], sizes = [32, 256], strides = [1, 1]} : vector<128x1024xf32> to vector<32x256xf32>
    %swap3A_517 = arith.constant 4 : index
    %swap3A_518 = arith.constant 0 : index
    %swap3A_519 = arith.constant 2304 : index
    %swap3A_520 = vector.load %arg2[%swap3A_517, %swap3A_518, %swap3A_519] : memref<8x32x4096xf32, #tpu.memory_space<vmem>>, vector<1x32x256xf32>
    %swap3A_521 = vector.shape_cast %swap3A_520 : vector<1x32x256xf32> to vector<32x256xf32>
    %swap3A_522 = vector.shape_cast %slice3A_516 : vector<32x256xf32> to vector<1x32x256xf32>
    tpu.vector_store %arg2[%swap3A_517, %swap3A_518, %swap3A_519], %swap3A_522 {strides = array<i32>} : memref<8x32x4096xf32, #tpu.memory_space<vmem>>, vector<1x32x256xf32>,
    %slice3A_523 = vector.extract_strided_slice %transpose3A_473 {offsets = [32, 768], sizes = [32, 256], strides = [1, 1]} : vector<128x1024xf32> to vector<32x256xf32>
    %swap3A_524 = arith.constant 4 : index
    %swap3A_525 = arith.constant 0 : index
    %swap3A_526 = arith.constant 3328 : index
    %swap3A_527 = vector.load %arg2[%swap3A_524, %swap3A_525, %swap3A_526] : memref<8x32x4096xf32, #tpu.memory_space<vmem>>, vector<1x32x256xf32>
    %swap3A_528 = vector.shape_cast %swap3A_527 : vector<1x32x256xf32> to vector<32x256xf32>
    %swap3A_529 = vector.shape_cast %slice3A_523 : vector<32x256xf32> to vector<1x32x256xf32>
    tpu.vector_store %arg2[%swap3A_524, %swap3A_525, %swap3A_526], %swap3A_529 {strides = array<i32>} : memref<8x32x4096xf32, #tpu.memory_space<vmem>>, vector<1x32x256xf32>,
    %slice3A_530 = vector.extract_strided_slice %transpose3A_473 {offsets = [64, 0], sizes = [32, 256], strides = [1, 1]} : vector<128x1024xf32> to vector<32x256xf32>
    %swap3A_531 = arith.constant 4 : index
    %swap3A_532 = arith.constant 0 : index
    %swap3A_533 = arith.constant 512 : index
    %swap3A_534 = vector.load %arg2[%swap3A_531, %swap3A_532, %swap3A_533] : memref<8x32x4096xf32, #tpu.memory_space<vmem>>, vector<1x32x256xf32>
    %swap3A_535 = vector.shape_cast %swap3A_534 : vector<1x32x256xf32> to vector<32x256xf32>
    %swap3A_536 = vector.shape_cast %slice3A_530 : vector<32x256xf32> to vector<1x32x256xf32>
    tpu.vector_store %arg2[%swap3A_531, %swap3A_532, %swap3A_533], %swap3A_536 {strides = array<i32>} : memref<8x32x4096xf32, #tpu.memory_space<vmem>>, vector<1x32x256xf32>,
    %slice3A_537 = vector.extract_strided_slice %transpose3A_473 {offsets = [64, 256], sizes = [32, 256], strides = [1, 1]} : vector<128x1024xf32> to vector<32x256xf32>
    %swap3A_538 = arith.constant 4 : index
    %swap3A_539 = arith.constant 0 : index
    %swap3A_540 = arith.constant 1536 : index
    %swap3A_541 = vector.load %arg2[%swap3A_538, %swap3A_539, %swap3A_540] : memref<8x32x4096xf32, #tpu.memory_space<vmem>>, vector<1x32x256xf32>
    %swap3A_542 = vector.shape_cast %swap3A_541 : vector<1x32x256xf32> to vector<32x256xf32>
    %swap3A_543 = vector.shape_cast %slice3A_537 : vector<32x256xf32> to vector<1x32x256xf32>
    tpu.vector_store %arg2[%swap3A_538, %swap3A_539, %swap3A_540], %swap3A_543 {strides = array<i32>} : memref<8x32x4096xf32, #tpu.memory_space<vmem>>, vector<1x32x256xf32>,
    %slice3A_544 = vector.extract_strided_slice %transpose3A_473 {offsets = [64, 512], sizes = [32, 256], strides = [1, 1]} : vector<128x1024xf32> to vector<32x256xf32>
    %swap3A_545 = arith.constant 4 : index
    %swap3A_546 = arith.constant 0 : index
    %swap3A_547 = arith.constant 2560 : index
    %swap3A_548 = vector.load %arg2[%swap3A_545, %swap3A_546, %swap3A_547] : memref<8x32x4096xf32, #tpu.memory_space<vmem>>, vector<1x32x256xf32>
    %swap3A_549 = vector.shape_cast %swap3A_548 : vector<1x32x256xf32> to vector<32x256xf32>
    %swap3A_550 = vector.shape_cast %slice3A_544 : vector<32x256xf32> to vector<1x32x256xf32>
    tpu.vector_store %arg2[%swap3A_545, %swap3A_546, %swap3A_547], %swap3A_550 {strides = array<i32>} : memref<8x32x4096xf32, #tpu.memory_space<vmem>>, vector<1x32x256xf32>,
    %slice3A_551 = vector.extract_strided_slice %transpose3A_473 {offsets = [64, 768], sizes = [32, 256], strides = [1, 1]} : vector<128x1024xf32> to vector<32x256xf32>
    %swap3A_552 = arith.constant 4 : index
    %swap3A_553 = arith.constant 0 : index
    %swap3A_554 = arith.constant 3584 : index
    %swap3A_555 = vector.load %arg2[%swap3A_552, %swap3A_553, %swap3A_554] : memref<8x32x4096xf32, #tpu.memory_space<vmem>>, vector<1x32x256xf32>
    %swap3A_556 = vector.shape_cast %swap3A_555 : vector<1x32x256xf32> to vector<32x256xf32>
    %swap3A_557 = vector.shape_cast %slice3A_551 : vector<32x256xf32> to vector<1x32x256xf32>
    tpu.vector_store %arg2[%swap3A_552, %swap3A_553, %swap3A_554], %swap3A_557 {strides = array<i32>} : memref<8x32x4096xf32, #tpu.memory_space<vmem>>, vector<1x32x256xf32>,
    %slice3A_558 = vector.extract_strided_slice %transpose3A_473 {offsets = [96, 0], sizes = [32, 256], strides = [1, 1]} : vector<128x1024xf32> to vector<32x256xf32>
    %swap3A_559 = arith.constant 4 : index
    %swap3A_560 = arith.constant 0 : index
    %swap3A_561 = arith.constant 768 : index
    %swap3A_562 = vector.load %arg2[%swap3A_559, %swap3A_560, %swap3A_561] : memref<8x32x4096xf32, #tpu.memory_space<vmem>>, vector<1x32x256xf32>
    %swap3A_563 = vector.shape_cast %swap3A_562 : vector<1x32x256xf32> to vector<32x256xf32>
    %swap3A_564 = vector.shape_cast %slice3A_558 : vector<32x256xf32> to vector<1x32x256xf32>
    tpu.vector_store %arg2[%swap3A_559, %swap3A_560, %swap3A_561], %swap3A_564 {strides = array<i32>} : memref<8x32x4096xf32, #tpu.memory_space<vmem>>, vector<1x32x256xf32>,
    %slice3A_565 = vector.extract_strided_slice %transpose3A_473 {offsets = [96, 256], sizes = [32, 256], strides = [1, 1]} : vector<128x1024xf32> to vector<32x256xf32>
    %swap3A_566 = arith.constant 4 : index
    %swap3A_567 = arith.constant 0 : index
    %swap3A_568 = arith.constant 1792 : index
    %swap3A_569 = vector.load %arg2[%swap3A_566, %swap3A_567, %swap3A_568] : memref<8x32x4096xf32, #tpu.memory_space<vmem>>, vector<1x32x256xf32>
    %swap3A_570 = vector.shape_cast %swap3A_569 : vector<1x32x256xf32> to vector<32x256xf32>
    %swap3A_571 = vector.shape_cast %slice3A_565 : vector<32x256xf32> to vector<1x32x256xf32>
    tpu.vector_store %arg2[%swap3A_566, %swap3A_567, %swap3A_568], %swap3A_571 {strides = array<i32>} : memref<8x32x4096xf32, #tpu.memory_space<vmem>>, vector<1x32x256xf32>,
    %slice3A_572 = vector.extract_strided_slice %transpose3A_473 {offsets = [96, 512], sizes = [32, 256], strides = [1, 1]} : vector<128x1024xf32> to vector<32x256xf32>
    %swap3A_573 = arith.constant 4 : index
    %swap3A_574 = arith.constant 0 : index
    %swap3A_575 = arith.constant 2816 : index
    %swap3A_576 = vector.load %arg2[%swap3A_573, %swap3A_574, %swap3A_575] : memref<8x32x4096xf32, #tpu.memory_space<vmem>>, vector<1x32x256xf32>
    %swap3A_577 = vector.shape_cast %swap3A_576 : vector<1x32x256xf32> to vector<32x256xf32>
    %swap3A_578 = vector.shape_cast %slice3A_572 : vector<32x256xf32> to vector<1x32x256xf32>
    tpu.vector_store %arg2[%swap3A_573, %swap3A_574, %swap3A_575], %swap3A_578 {strides = array<i32>} : memref<8x32x4096xf32, #tpu.memory_space<vmem>>, vector<1x32x256xf32>,
    %slice3A_579 = vector.extract_strided_slice %transpose3A_473 {offsets = [96, 768], sizes = [32, 256], strides = [1, 1]} : vector<128x1024xf32> to vector<32x256xf32>
    %swap3A_580 = arith.constant 4 : index
    %swap3A_581 = arith.constant 0 : index
    %swap3A_582 = arith.constant 3840 : index
    %swap3A_583 = vector.load %arg2[%swap3A_580, %swap3A_581, %swap3A_582] : memref<8x32x4096xf32, #tpu.memory_space<vmem>>, vector<1x32x256xf32>
    %swap3A_584 = vector.shape_cast %swap3A_583 : vector<1x32x256xf32> to vector<32x256xf32>
    %swap3A_585 = vector.shape_cast %slice3A_579 : vector<32x256xf32> to vector<1x32x256xf32>
    tpu.vector_store %arg2[%swap3A_580, %swap3A_581, %swap3A_582], %swap3A_585 {strides = array<i32>} : memref<8x32x4096xf32, #tpu.memory_space<vmem>>, vector<1x32x256xf32>,
    %get3A_586 = arith.constant 5 : index
    %get3A_587 = arith.constant 0 : index
    %get3A_588 = arith.constant 0 : index
    %get3A_589 = vector.load %arg1[%get3A_586, %get3A_587, %get3A_588] : memref<8x1024x128xf32, #tpu.memory_space<vmem>>, vector<1x1024x128xf32>
    %get3A_590 = vector.shape_cast %get3A_589 : vector<1x1024x128xf32> to vector<1024x128xf32>
    %transpose3A_591 = tpu.transpose %get3A_590, [1, 0] : vector<1024x128xf32> -> vector<128x1024xf32>
    %slice3A_592 = vector.extract_strided_slice %transpose3A_591 {offsets = [0, 0], sizes = [32, 256], strides = [1, 1]} : vector<128x1024xf32> to vector<32x256xf32>
    %swap3A_593 = arith.constant 5 : index
    %swap3A_594 = arith.constant 0 : index
    %swap3A_595 = arith.constant 0 : index
    %swap3A_596 = vector.load %arg2[%swap3A_593, %swap3A_594, %swap3A_595] : memref<8x32x4096xf32, #tpu.memory_space<vmem>>, vector<1x32x256xf32>
    %swap3A_597 = vector.shape_cast %swap3A_596 : vector<1x32x256xf32> to vector<32x256xf32>
    %swap3A_598 = vector.shape_cast %slice3A_592 : vector<32x256xf32> to vector<1x32x256xf32>
    tpu.vector_store %arg2[%swap3A_593, %swap3A_594, %swap3A_595], %swap3A_598 {strides = array<i32>} : memref<8x32x4096xf32, #tpu.memory_space<vmem>>, vector<1x32x256xf32>,
    %slice3A_599 = vector.extract_strided_slice %transpose3A_591 {offsets = [0, 256], sizes = [32, 256], strides = [1, 1]} : vector<128x1024xf32> to vector<32x256xf32>
    %swap3A_600 = arith.constant 5 : index
    %swap3A_601 = arith.constant 0 : index
    %swap3A_602 = arith.constant 1024 : index
    %swap3A_603 = vector.load %arg2[%swap3A_600, %swap3A_601, %swap3A_602] : memref<8x32x4096xf32, #tpu.memory_space<vmem>>, vector<1x32x256xf32>
    %swap3A_604 = vector.shape_cast %swap3A_603 : vector<1x32x256xf32> to vector<32x256xf32>
    %swap3A_605 = vector.shape_cast %slice3A_599 : vector<32x256xf32> to vector<1x32x256xf32>
    tpu.vector_store %arg2[%swap3A_600, %swap3A_601, %swap3A_602], %swap3A_605 {strides = array<i32>} : memref<8x32x4096xf32, #tpu.memory_space<vmem>>, vector<1x32x256xf32>,
    %slice3A_606 = vector.extract_strided_slice %transpose3A_591 {offsets = [0, 512], sizes = [32, 256], strides = [1, 1]} : vector<128x1024xf32> to vector<32x256xf32>
    %swap3A_607 = arith.constant 5 : index
    %swap3A_608 = arith.constant 0 : index
    %swap3A_609 = arith.constant 2048 : index
    %swap3A_610 = vector.load %arg2[%swap3A_607, %swap3A_608, %swap3A_609] : memref<8x32x4096xf32, #tpu.memory_space<vmem>>, vector<1x32x256xf32>
    %swap3A_611 = vector.shape_cast %swap3A_610 : vector<1x32x256xf32> to vector<32x256xf32>
    %swap3A_612 = vector.shape_cast %slice3A_606 : vector<32x256xf32> to vector<1x32x256xf32>
    tpu.vector_store %arg2[%swap3A_607, %swap3A_608, %swap3A_609], %swap3A_612 {strides = array<i32>} : memref<8x32x4096xf32, #tpu.memory_space<vmem>>, vector<1x32x256xf32>,
    %slice3A_613 = vector.extract_strided_slice %transpose3A_591 {offsets = [0, 768], sizes = [32, 256], strides = [1, 1]} : vector<128x1024xf32> to vector<32x256xf32>
    %swap3A_614 = arith.constant 5 : index
    %swap3A_615 = arith.constant 0 : index
    %swap3A_616 = arith.constant 3072 : index
    %swap3A_617 = vector.load %arg2[%swap3A_614, %swap3A_615, %swap3A_616] : memref<8x32x4096xf32, #tpu.memory_space<vmem>>, vector<1x32x256xf32>
    %swap3A_618 = vector.shape_cast %swap3A_617 : vector<1x32x256xf32> to vector<32x256xf32>
    %swap3A_619 = vector.shape_cast %slice3A_613 : vector<32x256xf32> to vector<1x32x256xf32>
    tpu.vector_store %arg2[%swap3A_614, %swap3A_615, %swap3A_616], %swap3A_619 {strides = array<i32>} : memref<8x32x4096xf32, #tpu.memory_space<vmem>>, vector<1x32x256xf32>,
    %slice3A_620 = vector.extract_strided_slice %transpose3A_591 {offsets = [32, 0], sizes = [32, 256], strides = [1, 1]} : vector<128x1024xf32> to vector<32x256xf32>
    %swap3A_621 = arith.constant 5 : index
    %swap3A_622 = arith.constant 0 : index
    %swap3A_623 = arith.constant 256 : index
    %swap3A_624 = vector.load %arg2[%swap3A_621, %swap3A_622, %swap3A_623] : memref<8x32x4096xf32, #tpu.memory_space<vmem>>, vector<1x32x256xf32>
    %swap3A_625 = vector.shape_cast %swap3A_624 : vector<1x32x256xf32> to vector<32x256xf32>
    %swap3A_626 = vector.shape_cast %slice3A_620 : vector<32x256xf32> to vector<1x32x256xf32>
    tpu.vector_store %arg2[%swap3A_621, %swap3A_622, %swap3A_623], %swap3A_626 {strides = array<i32>} : memref<8x32x4096xf32, #tpu.memory_space<vmem>>, vector<1x32x256xf32>,
    %slice3A_627 = vector.extract_strided_slice %transpose3A_591 {offsets = [32, 256], sizes = [32, 256], strides = [1, 1]} : vector<128x1024xf32> to vector<32x256xf32>
    %swap3A_628 = arith.constant 5 : index
    %swap3A_629 = arith.constant 0 : index
    %swap3A_630 = arith.constant 1280 : index
    %swap3A_631 = vector.load %arg2[%swap3A_628, %swap3A_629, %swap3A_630] : memref<8x32x4096xf32, #tpu.memory_space<vmem>>, vector<1x32x256xf32>
    %swap3A_632 = vector.shape_cast %swap3A_631 : vector<1x32x256xf32> to vector<32x256xf32>
    %swap3A_633 = vector.shape_cast %slice3A_627 : vector<32x256xf32> to vector<1x32x256xf32>
    tpu.vector_store %arg2[%swap3A_628, %swap3A_629, %swap3A_630], %swap3A_633 {strides = array<i32>} : memref<8x32x4096xf32, #tpu.memory_space<vmem>>, vector<1x32x256xf32>,
    %slice3A_634 = vector.extract_strided_slice %transpose3A_591 {offsets = [32, 512], sizes = [32, 256], strides = [1, 1]} : vector<128x1024xf32> to vector<32x256xf32>
    %swap3A_635 = arith.constant 5 : index
    %swap3A_636 = arith.constant 0 : index
    %swap3A_637 = arith.constant 2304 : index
    %swap3A_638 = vector.load %arg2[%swap3A_635, %swap3A_636, %swap3A_637] : memref<8x32x4096xf32, #tpu.memory_space<vmem>>, vector<1x32x256xf32>
    %swap3A_639 = vector.shape_cast %swap3A_638 : vector<1x32x256xf32> to vector<32x256xf32>
    %swap3A_640 = vector.shape_cast %slice3A_634 : vector<32x256xf32> to vector<1x32x256xf32>
    tpu.vector_store %arg2[%swap3A_635, %swap3A_636, %swap3A_637], %swap3A_640 {strides = array<i32>} : memref<8x32x4096xf32, #tpu.memory_space<vmem>>, vector<1x32x256xf32>,
    %slice3A_641 = vector.extract_strided_slice %transpose3A_591 {offsets = [32, 768], sizes = [32, 256], strides = [1, 1]} : vector<128x1024xf32> to vector<32x256xf32>
    %swap3A_642 = arith.constant 5 : index
    %swap3A_643 = arith.constant 0 : index
    %swap3A_644 = arith.constant 3328 : index
    %swap3A_645 = vector.load %arg2[%swap3A_642, %swap3A_643, %swap3A_644] : memref<8x32x4096xf32, #tpu.memory_space<vmem>>, vector<1x32x256xf32>
    %swap3A_646 = vector.shape_cast %swap3A_645 : vector<1x32x256xf32> to vector<32x256xf32>
    %swap3A_647 = vector.shape_cast %slice3A_641 : vector<32x256xf32> to vector<1x32x256xf32>
    tpu.vector_store %arg2[%swap3A_642, %swap3A_643, %swap3A_644], %swap3A_647 {strides = array<i32>} : memref<8x32x4096xf32, #tpu.memory_space<vmem>>, vector<1x32x256xf32>,
    %slice3A_648 = vector.extract_strided_slice %transpose3A_591 {offsets = [64, 0], sizes = [32, 256], strides = [1, 1]} : vector<128x1024xf32> to vector<32x256xf32>
    %swap3A_649 = arith.constant 5 : index
    %swap3A_650 = arith.constant 0 : index
    %swap3A_651 = arith.constant 512 : index
    %swap3A_652 = vector.load %arg2[%swap3A_649, %swap3A_650, %swap3A_651] : memref<8x32x4096xf32, #tpu.memory_space<vmem>>, vector<1x32x256xf32>
    %swap3A_653 = vector.shape_cast %swap3A_652 : vector<1x32x256xf32> to vector<32x256xf32>
    %swap3A_654 = vector.shape_cast %slice3A_648 : vector<32x256xf32> to vector<1x32x256xf32>
    tpu.vector_store %arg2[%swap3A_649, %swap3A_650, %swap3A_651], %swap3A_654 {strides = array<i32>} : memref<8x32x4096xf32, #tpu.memory_space<vmem>>, vector<1x32x256xf32>,
    %slice3A_655 = vector.extract_strided_slice %transpose3A_591 {offsets = [64, 256], sizes = [32, 256], strides = [1, 1]} : vector<128x1024xf32> to vector<32x256xf32>
    %swap3A_656 = arith.constant 5 : index
    %swap3A_657 = arith.constant 0 : index
    %swap3A_658 = arith.constant 1536 : index
    %swap3A_659 = vector.load %arg2[%swap3A_656, %swap3A_657, %swap3A_658] : memref<8x32x4096xf32, #tpu.memory_space<vmem>>, vector<1x32x256xf32>
    %swap3A_660 = vector.shape_cast %swap3A_659 : vector<1x32x256xf32> to vector<32x256xf32>
    %swap3A_661 = vector.shape_cast %slice3A_655 : vector<32x256xf32> to vector<1x32x256xf32>
    tpu.vector_store %arg2[%swap3A_656, %swap3A_657, %swap3A_658], %swap3A_661 {strides = array<i32>} : memref<8x32x4096xf32, #tpu.memory_space<vmem>>, vector<1x32x256xf32>,
    %slice3A_662 = vector.extract_strided_slice %transpose3A_591 {offsets = [64, 512], sizes = [32, 256], strides = [1, 1]} : vector<128x1024xf32> to vector<32x256xf32>
    %swap3A_663 = arith.constant 5 : index
    %swap3A_664 = arith.constant 0 : index
    %swap3A_665 = arith.constant 2560 : index
    %swap3A_666 = vector.load %arg2[%swap3A_663, %swap3A_664, %swap3A_665] : memref<8x32x4096xf32, #tpu.memory_space<vmem>>, vector<1x32x256xf32>
    %swap3A_667 = vector.shape_cast %swap3A_666 : vector<1x32x256xf32> to vector<32x256xf32>
    %swap3A_668 = vector.shape_cast %slice3A_662 : vector<32x256xf32> to vector<1x32x256xf32>
    tpu.vector_store %arg2[%swap3A_663, %swap3A_664, %swap3A_665], %swap3A_668 {strides = array<i32>} : memref<8x32x4096xf32, #tpu.memory_space<vmem>>, vector<1x32x256xf32>,
    %slice3A_669 = vector.extract_strided_slice %transpose3A_591 {offsets = [64, 768], sizes = [32, 256], strides = [1, 1]} : vector<128x1024xf32> to vector<32x256xf32>
    %swap3A_670 = arith.constant 5 : index
    %swap3A_671 = arith.constant 0 : index
    %swap3A_672 = arith.constant 3584 : index
    %swap3A_673 = vector.load %arg2[%swap3A_670, %swap3A_671, %swap3A_672] : memref<8x32x4096xf32, #tpu.memory_space<vmem>>, vector<1x32x256xf32>
    %swap3A_674 = vector.shape_cast %swap3A_673 : vector<1x32x256xf32> to vector<32x256xf32>
    %swap3A_675 = vector.shape_cast %slice3A_669 : vector<32x256xf32> to vector<1x32x256xf32>
    tpu.vector_store %arg2[%swap3A_670, %swap3A_671, %swap3A_672], %swap3A_675 {strides = array<i32>} : memref<8x32x4096xf32, #tpu.memory_space<vmem>>, vector<1x32x256xf32>,
    %slice3A_676 = vector.extract_strided_slice %transpose3A_591 {offsets = [96, 0], sizes = [32, 256], strides = [1, 1]} : vector<128x1024xf32> to vector<32x256xf32>
    %swap3A_677 = arith.constant 5 : index
    %swap3A_678 = arith.constant 0 : index
    %swap3A_679 = arith.constant 768 : index
    %swap3A_680 = vector.load %arg2[%swap3A_677, %swap3A_678, %swap3A_679] : memref<8x32x4096xf32, #tpu.memory_space<vmem>>, vector<1x32x256xf32>
    %swap3A_681 = vector.shape_cast %swap3A_680 : vector<1x32x256xf32> to vector<32x256xf32>
    %swap3A_682 = vector.shape_cast %slice3A_676 : vector<32x256xf32> to vector<1x32x256xf32>
    tpu.vector_store %arg2[%swap3A_677, %swap3A_678, %swap3A_679], %swap3A_682 {strides = array<i32>} : memref<8x32x4096xf32, #tpu.memory_space<vmem>>, vector<1x32x256xf32>,
    %slice3A_683 = vector.extract_strided_slice %transpose3A_591 {offsets = [96, 256], sizes = [32, 256], strides = [1, 1]} : vector<128x1024xf32> to vector<32x256xf32>
    %swap3A_684 = arith.constant 5 : index
    %swap3A_685 = arith.constant 0 : index
    %swap3A_686 = arith.constant 1792 : index
    %swap3A_687 = vector.load %arg2[%swap3A_684, %swap3A_685, %swap3A_686] : memref<8x32x4096xf32, #tpu.memory_space<vmem>>, vector<1x32x256xf32>
    %swap3A_688 = vector.shape_cast %swap3A_687 : vector<1x32x256xf32> to vector<32x256xf32>
    %swap3A_689 = vector.shape_cast %slice3A_683 : vector<32x256xf32> to vector<1x32x256xf32>
    tpu.vector_store %arg2[%swap3A_684, %swap3A_685, %swap3A_686], %swap3A_689 {strides = array<i32>} : memref<8x32x4096xf32, #tpu.memory_space<vmem>>, vector<1x32x256xf32>,
    %slice3A_690 = vector.extract_strided_slice %transpose3A_591 {offsets = [96, 512], sizes = [32, 256], strides = [1, 1]} : vector<128x1024xf32> to vector<32x256xf32>
    %swap3A_691 = arith.constant 5 : index
    %swap3A_692 = arith.constant 0 : index
    %swap3A_693 = arith.constant 2816 : index
    %swap3A_694 = vector.load %arg2[%swap3A_691, %swap3A_692, %swap3A_693] : memref<8x32x4096xf32, #tpu.memory_space<vmem>>, vector<1x32x256xf32>
    %swap3A_695 = vector.shape_cast %swap3A_694 : vector<1x32x256xf32> to vector<32x256xf32>
    %swap3A_696 = vector.shape_cast %slice3A_690 : vector<32x256xf32> to vector<1x32x256xf32>
    tpu.vector_store %arg2[%swap3A_691, %swap3A_692, %swap3A_693], %swap3A_696 {strides = array<i32>} : memref<8x32x4096xf32, #tpu.memory_space<vmem>>, vector<1x32x256xf32>,
    %slice3A_697 = vector.extract_strided_slice %transpose3A_591 {offsets = [96, 768], sizes = [32, 256], strides = [1, 1]} : vector<128x1024xf32> to vector<32x256xf32>
    %swap3A_698 = arith.constant 5 : index
    %swap3A_699 = arith.constant 0 : index
    %swap3A_700 = arith.constant 3840 : index
    %swap3A_701 = vector.load %arg2[%swap3A_698, %swap3A_699, %swap3A_700] : memref<8x32x4096xf32, #tpu.memory_space<vmem>>, vector<1x32x256xf32>
    %swap3A_702 = vector.shape_cast %swap3A_701 : vector<1x32x256xf32> to vector<32x256xf32>
    %swap3A_703 = vector.shape_cast %slice3A_697 : vector<32x256xf32> to vector<1x32x256xf32>
    tpu.vector_store %arg2[%swap3A_698, %swap3A_699, %swap3A_700], %swap3A_703 {strides = array<i32>} : memref<8x32x4096xf32, #tpu.memory_space<vmem>>, vector<1x32x256xf32>,
    %get3A_704 = arith.constant 6 : index
    %get3A_705 = arith.constant 0 : index
    %get3A_706 = arith.constant 0 : index
    %get3A_707 = vector.load %arg1[%get3A_704, %get3A_705, %get3A_706] : memref<8x1024x128xf32, #tpu.memory_space<vmem>>, vector<1x1024x128xf32>
    %get3A_708 = vector.shape_cast %get3A_707 : vector<1x1024x128xf32> to vector<1024x128xf32>
    %transpose3A_709 = tpu.transpose %get3A_708, [1, 0] : vector<1024x128xf32> -> vector<128x1024xf32>
    %slice3A_710 = vector.extract_strided_slice %transpose3A_709 {offsets = [0, 0], sizes = [32, 256], strides = [1, 1]} : vector<128x1024xf32> to vector<32x256xf32>
    %swap3A_711 = arith.constant 6 : index
    %swap3A_712 = arith.constant 0 : index
    %swap3A_713 = arith.constant 0 : index
    %swap3A_714 = vector.load %arg2[%swap3A_711, %swap3A_712, %swap3A_713] : memref<8x32x4096xf32, #tpu.memory_space<vmem>>, vector<1x32x256xf32>
    %swap3A_715 = vector.shape_cast %swap3A_714 : vector<1x32x256xf32> to vector<32x256xf32>
    %swap3A_716 = vector.shape_cast %slice3A_710 : vector<32x256xf32> to vector<1x32x256xf32>
    tpu.vector_store %arg2[%swap3A_711, %swap3A_712, %swap3A_713], %swap3A_716 {strides = array<i32>} : memref<8x32x4096xf32, #tpu.memory_space<vmem>>, vector<1x32x256xf32>,
    %slice3A_717 = vector.extract_strided_slice %transpose3A_709 {offsets = [0, 256], sizes = [32, 256], strides = [1, 1]} : vector<128x1024xf32> to vector<32x256xf32>
    %swap3A_718 = arith.constant 6 : index
    %swap3A_719 = arith.constant 0 : index
    %swap3A_720 = arith.constant 1024 : index
    %swap3A_721 = vector.load %arg2[%swap3A_718, %swap3A_719, %swap3A_720] : memref<8x32x4096xf32, #tpu.memory_space<vmem>>, vector<1x32x256xf32>
    %swap3A_722 = vector.shape_cast %swap3A_721 : vector<1x32x256xf32> to vector<32x256xf32>
    %swap3A_723 = vector.shape_cast %slice3A_717 : vector<32x256xf32> to vector<1x32x256xf32>
    tpu.vector_store %arg2[%swap3A_718, %swap3A_719, %swap3A_720], %swap3A_723 {strides = array<i32>} : memref<8x32x4096xf32, #tpu.memory_space<vmem>>, vector<1x32x256xf32>,
    %slice3A_724 = vector.extract_strided_slice %transpose3A_709 {offsets = [0, 512], sizes = [32, 256], strides = [1, 1]} : vector<128x1024xf32> to vector<32x256xf32>
    %swap3A_725 = arith.constant 6 : index
    %swap3A_726 = arith.constant 0 : index
    %swap3A_727 = arith.constant 2048 : index
    %swap3A_728 = vector.load %arg2[%swap3A_725, %swap3A_726, %swap3A_727] : memref<8x32x4096xf32, #tpu.memory_space<vmem>>, vector<1x32x256xf32>
    %swap3A_729 = vector.shape_cast %swap3A_728 : vector<1x32x256xf32> to vector<32x256xf32>
    %swap3A_730 = vector.shape_cast %slice3A_724 : vector<32x256xf32> to vector<1x32x256xf32>
    tpu.vector_store %arg2[%swap3A_725, %swap3A_726, %swap3A_727], %swap3A_730 {strides = array<i32>} : memref<8x32x4096xf32, #tpu.memory_space<vmem>>, vector<1x32x256xf32>,
    %slice3A_731 = vector.extract_strided_slice %transpose3A_709 {offsets = [0, 768], sizes = [32, 256], strides = [1, 1]} : vector<128x1024xf32> to vector<32x256xf32>
    %swap3A_732 = arith.constant 6 : index
    %swap3A_733 = arith.constant 0 : index
    %swap3A_734 = arith.constant 3072 : index
    %swap3A_735 = vector.load %arg2[%swap3A_732, %swap3A_733, %swap3A_734] : memref<8x32x4096xf32, #tpu.memory_space<vmem>>, vector<1x32x256xf32>
    %swap3A_736 = vector.shape_cast %swap3A_735 : vector<1x32x256xf32> to vector<32x256xf32>
    %swap3A_737 = vector.shape_cast %slice3A_731 : vector<32x256xf32> to vector<1x32x256xf32>
    tpu.vector_store %arg2[%swap3A_732, %swap3A_733, %swap3A_734], %swap3A_737 {strides = array<i32>} : memref<8x32x4096xf32, #tpu.memory_space<vmem>>, vector<1x32x256xf32>,
    %slice3A_738 = vector.extract_strided_slice %transpose3A_709 {offsets = [32, 0], sizes = [32, 256], strides = [1, 1]} : vector<128x1024xf32> to vector<32x256xf32>
    %swap3A_739 = arith.constant 6 : index
    %swap3A_740 = arith.constant 0 : index
    %swap3A_741 = arith.constant 256 : index
    %swap3A_742 = vector.load %arg2[%swap3A_739, %swap3A_740, %swap3A_741] : memref<8x32x4096xf32, #tpu.memory_space<vmem>>, vector<1x32x256xf32>
    %swap3A_743 = vector.shape_cast %swap3A_742 : vector<1x32x256xf32> to vector<32x256xf32>
    %swap3A_744 = vector.shape_cast %slice3A_738 : vector<32x256xf32> to vector<1x32x256xf32>
    tpu.vector_store %arg2[%swap3A_739, %swap3A_740, %swap3A_741], %swap3A_744 {strides = array<i32>} : memref<8x32x4096xf32, #tpu.memory_space<vmem>>, vector<1x32x256xf32>,
    %slice3A_745 = vector.extract_strided_slice %transpose3A_709 {offsets = [32, 256], sizes = [32, 256], strides = [1, 1]} : vector<128x1024xf32> to vector<32x256xf32>
    %swap3A_746 = arith.constant 6 : index
    %swap3A_747 = arith.constant 0 : index
    %swap3A_748 = arith.constant 1280 : index
    %swap3A_749 = vector.load %arg2[%swap3A_746, %swap3A_747, %swap3A_748] : memref<8x32x4096xf32, #tpu.memory_space<vmem>>, vector<1x32x256xf32>
    %swap3A_750 = vector.shape_cast %swap3A_749 : vector<1x32x256xf32> to vector<32x256xf32>
    %swap3A_751 = vector.shape_cast %slice3A_745 : vector<32x256xf32> to vector<1x32x256xf32>
    tpu.vector_store %arg2[%swap3A_746, %swap3A_747, %swap3A_748], %swap3A_751 {strides = array<i32>} : memref<8x32x4096xf32, #tpu.memory_space<vmem>>, vector<1x32x256xf32>,
    %slice3A_752 = vector.extract_strided_slice %transpose3A_709 {offsets = [32, 512], sizes = [32, 256], strides = [1, 1]} : vector<128x1024xf32> to vector<32x256xf32>
    %swap3A_753 = arith.constant 6 : index
    %swap3A_754 = arith.constant 0 : index
    %swap3A_755 = arith.constant 2304 : index
    %swap3A_756 = vector.load %arg2[%swap3A_753, %swap3A_754, %swap3A_755] : memref<8x32x4096xf32, #tpu.memory_space<vmem>>, vector<1x32x256xf32>
    %swap3A_757 = vector.shape_cast %swap3A_756 : vector<1x32x256xf32> to vector<32x256xf32>
    %swap3A_758 = vector.shape_cast %slice3A_752 : vector<32x256xf32> to vector<1x32x256xf32>
    tpu.vector_store %arg2[%swap3A_753, %swap3A_754, %swap3A_755], %swap3A_758 {strides = array<i32>} : memref<8x32x4096xf32, #tpu.memory_space<vmem>>, vector<1x32x256xf32>,
    %slice3A_759 = vector.extract_strided_slice %transpose3A_709 {offsets = [32, 768], sizes = [32, 256], strides = [1, 1]} : vector<128x1024xf32> to vector<32x256xf32>
    %swap3A_760 = arith.constant 6 : index
    %swap3A_761 = arith.constant 0 : index
    %swap3A_762 = arith.constant 3328 : index
    %swap3A_763 = vector.load %arg2[%swap3A_760, %swap3A_761, %swap3A_762] : memref<8x32x4096xf32, #tpu.memory_space<vmem>>, vector<1x32x256xf32>
    %swap3A_764 = vector.shape_cast %swap3A_763 : vector<1x32x256xf32> to vector<32x256xf32>
    %swap3A_765 = vector.shape_cast %slice3A_759 : vector<32x256xf32> to vector<1x32x256xf32>
    tpu.vector_store %arg2[%swap3A_760, %swap3A_761, %swap3A_762], %swap3A_765 {strides = array<i32>} : memref<8x32x4096xf32, #tpu.memory_space<vmem>>, vector<1x32x256xf32>,
    %slice3A_766 = vector.extract_strided_slice %transpose3A_709 {offsets = [64, 0], sizes = [32, 256], strides = [1, 1]} : vector<128x1024xf32> to vector<32x256xf32>
    %swap3A_767 = arith.constant 6 : index
    %swap3A_768 = arith.constant 0 : index
    %swap3A_769 = arith.constant 512 : index
    %swap3A_770 = vector.load %arg2[%swap3A_767, %swap3A_768, %swap3A_769] : memref<8x32x4096xf32, #tpu.memory_space<vmem>>, vector<1x32x256xf32>
    %swap3A_771 = vector.shape_cast %swap3A_770 : vector<1x32x256xf32> to vector<32x256xf32>
    %swap3A_772 = vector.shape_cast %slice3A_766 : vector<32x256xf32> to vector<1x32x256xf32>
    tpu.vector_store %arg2[%swap3A_767, %swap3A_768, %swap3A_769], %swap3A_772 {strides = array<i32>} : memref<8x32x4096xf32, #tpu.memory_space<vmem>>, vector<1x32x256xf32>,
    %slice3A_773 = vector.extract_strided_slice %transpose3A_709 {offsets = [64, 256], sizes = [32, 256], strides = [1, 1]} : vector<128x1024xf32> to vector<32x256xf32>
    %swap3A_774 = arith.constant 6 : index
    %swap3A_775 = arith.constant 0 : index
    %swap3A_776 = arith.constant 1536 : index
    %swap3A_777 = vector.load %arg2[%swap3A_774, %swap3A_775, %swap3A_776] : memref<8x32x4096xf32, #tpu.memory_space<vmem>>, vector<1x32x256xf32>
    %swap3A_778 = vector.shape_cast %swap3A_777 : vector<1x32x256xf32> to vector<32x256xf32>
    %swap3A_779 = vector.shape_cast %slice3A_773 : vector<32x256xf32> to vector<1x32x256xf32>
    tpu.vector_store %arg2[%swap3A_774, %swap3A_775, %swap3A_776], %swap3A_779 {strides = array<i32>} : memref<8x32x4096xf32, #tpu.memory_space<vmem>>, vector<1x32x256xf32>,
    %slice3A_780 = vector.extract_strided_slice %transpose3A_709 {offsets = [64, 512], sizes = [32, 256], strides = [1, 1]} : vector<128x1024xf32> to vector<32x256xf32>
    %swap3A_781 = arith.constant 6 : index
    %swap3A_782 = arith.constant 0 : index
    %swap3A_783 = arith.constant 2560 : index
    %swap3A_784 = vector.load %arg2[%swap3A_781, %swap3A_782, %swap3A_783] : memref<8x32x4096xf32, #tpu.memory_space<vmem>>, vector<1x32x256xf32>
    %swap3A_785 = vector.shape_cast %swap3A_784 : vector<1x32x256xf32> to vector<32x256xf32>
    %swap3A_786 = vector.shape_cast %slice3A_780 : vector<32x256xf32> to vector<1x32x256xf32>
    tpu.vector_store %arg2[%swap3A_781, %swap3A_782, %swap3A_783], %swap3A_786 {strides = array<i32>} : memref<8x32x4096xf32, #tpu.memory_space<vmem>>, vector<1x32x256xf32>,
    %slice3A_787 = vector.extract_strided_slice %transpose3A_709 {offsets = [64, 768], sizes = [32, 256], strides = [1, 1]} : vector<128x1024xf32> to vector<32x256xf32>
    %swap3A_788 = arith.constant 6 : index
    %swap3A_789 = arith.constant 0 : index
    %swap3A_790 = arith.constant 3584 : index
    %swap3A_791 = vector.load %arg2[%swap3A_788, %swap3A_789, %swap3A_790] : memref<8x32x4096xf32, #tpu.memory_space<vmem>>, vector<1x32x256xf32>
    %swap3A_792 = vector.shape_cast %swap3A_791 : vector<1x32x256xf32> to vector<32x256xf32>
    %swap3A_793 = vector.shape_cast %slice3A_787 : vector<32x256xf32> to vector<1x32x256xf32>
    tpu.vector_store %arg2[%swap3A_788, %swap3A_789, %swap3A_790], %swap3A_793 {strides = array<i32>} : memref<8x32x4096xf32, #tpu.memory_space<vmem>>, vector<1x32x256xf32>,
    %slice3A_794 = vector.extract_strided_slice %transpose3A_709 {offsets = [96, 0], sizes = [32, 256], strides = [1, 1]} : vector<128x1024xf32> to vector<32x256xf32>
    %swap3A_795 = arith.constant 6 : index
    %swap3A_796 = arith.constant 0 : index
    %swap3A_797 = arith.constant 768 : index
    %swap3A_798 = vector.load %arg2[%swap3A_795, %swap3A_796, %swap3A_797] : memref<8x32x4096xf32, #tpu.memory_space<vmem>>, vector<1x32x256xf32>
    %swap3A_799 = vector.shape_cast %swap3A_798 : vector<1x32x256xf32> to vector<32x256xf32>
    %swap3A_800 = vector.shape_cast %slice3A_794 : vector<32x256xf32> to vector<1x32x256xf32>
    tpu.vector_store %arg2[%swap3A_795, %swap3A_796, %swap3A_797], %swap3A_800 {strides = array<i32>} : memref<8x32x4096xf32, #tpu.memory_space<vmem>>, vector<1x32x256xf32>,
    %slice3A_801 = vector.extract_strided_slice %transpose3A_709 {offsets = [96, 256], sizes = [32, 256], strides = [1, 1]} : vector<128x1024xf32> to vector<32x256xf32>
    %swap3A_802 = arith.constant 6 : index
    %swap3A_803 = arith.constant 0 : index
    %swap3A_804 = arith.constant 1792 : index
    %swap3A_805 = vector.load %arg2[%swap3A_802, %swap3A_803, %swap3A_804] : memref<8x32x4096xf32, #tpu.memory_space<vmem>>, vector<1x32x256xf32>
    %swap3A_806 = vector.shape_cast %swap3A_805 : vector<1x32x256xf32> to vector<32x256xf32>
    %swap3A_807 = vector.shape_cast %slice3A_801 : vector<32x256xf32> to vector<1x32x256xf32>
    tpu.vector_store %arg2[%swap3A_802, %swap3A_803, %swap3A_804], %swap3A_807 {strides = array<i32>} : memref<8x32x4096xf32, #tpu.memory_space<vmem>>, vector<1x32x256xf32>,
    %slice3A_808 = vector.extract_strided_slice %transpose3A_709 {offsets = [96, 512], sizes = [32, 256], strides = [1, 1]} : vector<128x1024xf32> to vector<32x256xf32>
    %swap3A_809 = arith.constant 6 : index
    %swap3A_810 = arith.constant 0 : index
    %swap3A_811 = arith.constant 2816 : index
    %swap3A_812 = vector.load %arg2[%swap3A_809, %swap3A_810, %swap3A_811] : memref<8x32x4096xf32, #tpu.memory_space<vmem>>, vector<1x32x256xf32>
    %swap3A_813 = vector.shape_cast %swap3A_812 : vector<1x32x256xf32> to vector<32x256xf32>
    %swap3A_814 = vector.shape_cast %slice3A_808 : vector<32x256xf32> to vector<1x32x256xf32>
    tpu.vector_store %arg2[%swap3A_809, %swap3A_810, %swap3A_811], %swap3A_814 {strides = array<i32>} : memref<8x32x4096xf32, #tpu.memory_space<vmem>>, vector<1x32x256xf32>,
    %slice3A_815 = vector.extract_strided_slice %transpose3A_709 {offsets = [96, 768], sizes = [32, 256], strides = [1, 1]} : vector<128x1024xf32> to vector<32x256xf32>
    %swap3A_816 = arith.constant 6 : index
    %swap3A_817 = arith.constant 0 : index
    %swap3A_818 = arith.constant 3840 : index
    %swap3A_819 = vector.load %arg2[%swap3A_816, %swap3A_817, %swap3A_818] : memref<8x32x4096xf32, #tpu.memory_space<vmem>>, vector<1x32x256xf32>
    %swap3A_820 = vector.shape_cast %swap3A_819 : vector<1x32x256xf32> to vector<32x256xf32>
    %swap3A_821 = vector.shape_cast %slice3A_815 : vector<32x256xf32> to vector<1x32x256xf32>
    tpu.vector_store %arg2[%swap3A_816, %swap3A_817, %swap3A_818], %swap3A_821 {strides = array<i32>} : memref<8x32x4096xf32, #tpu.memory_space<vmem>>, vector<1x32x256xf32>,
    %get3A_822 = arith.constant 7 : index
    %get3A_823 = arith.constant 0 : index
    %get3A_824 = arith.constant 0 : index
    %get3A_825 = vector.load %arg1[%get3A_822, %get3A_823, %get3A_824] : memref<8x1024x128xf32, #tpu.memory_space<vmem>>, vector<1x1024x128xf32>
    %get3A_826 = vector.shape_cast %get3A_825 : vector<1x1024x128xf32> to vector<1024x128xf32>
    %transpose3A_827 = tpu.transpose %get3A_826, [1, 0] : vector<1024x128xf32> -> vector<128x1024xf32>
    %slice3A_828 = vector.extract_strided_slice %transpose3A_827 {offsets = [0, 0], sizes = [32, 256], strides = [1, 1]} : vector<128x1024xf32> to vector<32x256xf32>
    %swap3A_829 = arith.constant 7 : index
    %swap3A_830 = arith.constant 0 : index
    %swap3A_831 = arith.constant 0 : index
    %swap3A_832 = vector.load %arg2[%swap3A_829, %swap3A_830, %swap3A_831] : memref<8x32x4096xf32, #tpu.memory_space<vmem>>, vector<1x32x256xf32>
    %swap3A_833 = vector.shape_cast %swap3A_832 : vector<1x32x256xf32> to vector<32x256xf32>
    %swap3A_834 = vector.shape_cast %slice3A_828 : vector<32x256xf32> to vector<1x32x256xf32>
    tpu.vector_store %arg2[%swap3A_829, %swap3A_830, %swap3A_831], %swap3A_834 {strides = array<i32>} : memref<8x32x4096xf32, #tpu.memory_space<vmem>>, vector<1x32x256xf32>,
    %slice3A_835 = vector.extract_strided_slice %transpose3A_827 {offsets = [0, 256], sizes = [32, 256], strides = [1, 1]} : vector<128x1024xf32> to vector<32x256xf32>
    %swap3A_836 = arith.constant 7 : index
    %swap3A_837 = arith.constant 0 : index
    %swap3A_838 = arith.constant 1024 : index
    %swap3A_839 = vector.load %arg2[%swap3A_836, %swap3A_837, %swap3A_838] : memref<8x32x4096xf32, #tpu.memory_space<vmem>>, vector<1x32x256xf32>
    %swap3A_840 = vector.shape_cast %swap3A_839 : vector<1x32x256xf32> to vector<32x256xf32>
    %swap3A_841 = vector.shape_cast %slice3A_835 : vector<32x256xf32> to vector<1x32x256xf32>
    tpu.vector_store %arg2[%swap3A_836, %swap3A_837, %swap3A_838], %swap3A_841 {strides = array<i32>} : memref<8x32x4096xf32, #tpu.memory_space<vmem>>, vector<1x32x256xf32>,
    %slice3A_842 = vector.extract_strided_slice %transpose3A_827 {offsets = [0, 512], sizes = [32, 256], strides = [1, 1]} : vector<128x1024xf32> to vector<32x256xf32>
    %swap3A_843 = arith.constant 7 : index
    %swap3A_844 = arith.constant 0 : index
    %swap3A_845 = arith.constant 2048 : index
    %swap3A_846 = vector.load %arg2[%swap3A_843, %swap3A_844, %swap3A_845] : memref<8x32x4096xf32, #tpu.memory_space<vmem>>, vector<1x32x256xf32>
    %swap3A_847 = vector.shape_cast %swap3A_846 : vector<1x32x256xf32> to vector<32x256xf32>
    %swap3A_848 = vector.shape_cast %slice3A_842 : vector<32x256xf32> to vector<1x32x256xf32>
    tpu.vector_store %arg2[%swap3A_843, %swap3A_844, %swap3A_845], %swap3A_848 {strides = array<i32>} : memref<8x32x4096xf32, #tpu.memory_space<vmem>>, vector<1x32x256xf32>,
    %slice3A_849 = vector.extract_strided_slice %transpose3A_827 {offsets = [0, 768], sizes = [32, 256], strides = [1, 1]} : vector<128x1024xf32> to vector<32x256xf32>
    %swap3A_850 = arith.constant 7 : index
    %swap3A_851 = arith.constant 0 : index
    %swap3A_852 = arith.constant 3072 : index
    %swap3A_853 = vector.load %arg2[%swap3A_850, %swap3A_851, %swap3A_852] : memref<8x32x4096xf32, #tpu.memory_space<vmem>>, vector<1x32x256xf32>
    %swap3A_854 = vector.shape_cast %swap3A_853 : vector<1x32x256xf32> to vector<32x256xf32>
    %swap3A_855 = vector.shape_cast %slice3A_849 : vector<32x256xf32> to vector<1x32x256xf32>
    tpu.vector_store %arg2[%swap3A_850, %swap3A_851, %swap3A_852], %swap3A_855 {strides = array<i32>} : memref<8x32x4096xf32, #tpu.memory_space<vmem>>, vector<1x32x256xf32>,
    %slice3A_856 = vector.extract_strided_slice %transpose3A_827 {offsets = [32, 0], sizes = [32, 256], strides = [1, 1]} : vector<128x1024xf32> to vector<32x256xf32>
    %swap3A_857 = arith.constant 7 : index
    %swap3A_858 = arith.constant 0 : index
    %swap3A_859 = arith.constant 256 : index
    %swap3A_860 = vector.load %arg2[%swap3A_857, %swap3A_858, %swap3A_859] : memref<8x32x4096xf32, #tpu.memory_space<vmem>>, vector<1x32x256xf32>
    %swap3A_861 = vector.shape_cast %swap3A_860 : vector<1x32x256xf32> to vector<32x256xf32>
    %swap3A_862 = vector.shape_cast %slice3A_856 : vector<32x256xf32> to vector<1x32x256xf32>
    tpu.vector_store %arg2[%swap3A_857, %swap3A_858, %swap3A_859], %swap3A_862 {strides = array<i32>} : memref<8x32x4096xf32, #tpu.memory_space<vmem>>, vector<1x32x256xf32>,
    %slice3A_863 = vector.extract_strided_slice %transpose3A_827 {offsets = [32, 256], sizes = [32, 256], strides = [1, 1]} : vector<128x1024xf32> to vector<32x256xf32>
    %swap3A_864 = arith.constant 7 : index
    %swap3A_865 = arith.constant 0 : index
    %swap3A_866 = arith.constant 1280 : index
    %swap3A_867 = vector.load %arg2[%swap3A_864, %swap3A_865, %swap3A_866] : memref<8x32x4096xf32, #tpu.memory_space<vmem>>, vector<1x32x256xf32>
    %swap3A_868 = vector.shape_cast %swap3A_867 : vector<1x32x256xf32> to vector<32x256xf32>
    %swap3A_869 = vector.shape_cast %slice3A_863 : vector<32x256xf32> to vector<1x32x256xf32>
    tpu.vector_store %arg2[%swap3A_864, %swap3A_865, %swap3A_866], %swap3A_869 {strides = array<i32>} : memref<8x32x4096xf32, #tpu.memory_space<vmem>>, vector<1x32x256xf32>,
    %slice3A_870 = vector.extract_strided_slice %transpose3A_827 {offsets = [32, 512], sizes = [32, 256], strides = [1, 1]} : vector<128x1024xf32> to vector<32x256xf32>
    %swap3A_871 = arith.constant 7 : index
    %swap3A_872 = arith.constant 0 : index
    %swap3A_873 = arith.constant 2304 : index
    %swap3A_874 = vector.load %arg2[%swap3A_871, %swap3A_872, %swap3A_873] : memref<8x32x4096xf32, #tpu.memory_space<vmem>>, vector<1x32x256xf32>
    %swap3A_875 = vector.shape_cast %swap3A_874 : vector<1x32x256xf32> to vector<32x256xf32>
    %swap3A_876 = vector.shape_cast %slice3A_870 : vector<32x256xf32> to vector<1x32x256xf32>
    tpu.vector_store %arg2[%swap3A_871, %swap3A_872, %swap3A_873], %swap3A_876 {strides = array<i32>} : memref<8x32x4096xf32, #tpu.memory_space<vmem>>, vector<1x32x256xf32>,
    %slice3A_877 = vector.extract_strided_slice %transpose3A_827 {offsets = [32, 768], sizes = [32, 256], strides = [1, 1]} : vector<128x1024xf32> to vector<32x256xf32>
    %swap3A_878 = arith.constant 7 : index
    %swap3A_879 = arith.constant 0 : index
    %swap3A_880 = arith.constant 3328 : index
    %swap3A_881 = vector.load %arg2[%swap3A_878, %swap3A_879, %swap3A_880] : memref<8x32x4096xf32, #tpu.memory_space<vmem>>, vector<1x32x256xf32>
    %swap3A_882 = vector.shape_cast %swap3A_881 : vector<1x32x256xf32> to vector<32x256xf32>
    %swap3A_883 = vector.shape_cast %slice3A_877 : vector<32x256xf32> to vector<1x32x256xf32>
    tpu.vector_store %arg2[%swap3A_878, %swap3A_879, %swap3A_880], %swap3A_883 {strides = array<i32>} : memref<8x32x4096xf32, #tpu.memory_space<vmem>>, vector<1x32x256xf32>,
    %slice3A_884 = vector.extract_strided_slice %transpose3A_827 {offsets = [64, 0], sizes = [32, 256], strides = [1, 1]} : vector<128x1024xf32> to vector<32x256xf32>
    %swap3A_885 = arith.constant 7 : index
    %swap3A_886 = arith.constant 0 : index
    %swap3A_887 = arith.constant 512 : index
    %swap3A_888 = vector.load %arg2[%swap3A_885, %swap3A_886, %swap3A_887] : memref<8x32x4096xf32, #tpu.memory_space<vmem>>, vector<1x32x256xf32>
    %swap3A_889 = vector.shape_cast %swap3A_888 : vector<1x32x256xf32> to vector<32x256xf32>
    %swap3A_890 = vector.shape_cast %slice3A_884 : vector<32x256xf32> to vector<1x32x256xf32>
    tpu.vector_store %arg2[%swap3A_885, %swap3A_886, %swap3A_887], %swap3A_890 {strides = array<i32>} : memref<8x32x4096xf32, #tpu.memory_space<vmem>>, vector<1x32x256xf32>,
    %slice3A_891 = vector.extract_strided_slice %transpose3A_827 {offsets = [64, 256], sizes = [32, 256], strides = [1, 1]} : vector<128x1024xf32> to vector<32x256xf32>
    %swap3A_892 = arith.constant 7 : index
    %swap3A_893 = arith.constant 0 : index
    %swap3A_894 = arith.constant 1536 : index
    %swap3A_895 = vector.load %arg2[%swap3A_892, %swap3A_893, %swap3A_894] : memref<8x32x4096xf32, #tpu.memory_space<vmem>>, vector<1x32x256xf32>
    %swap3A_896 = vector.shape_cast %swap3A_895 : vector<1x32x256xf32> to vector<32x256xf32>
    %swap3A_897 = vector.shape_cast %slice3A_891 : vector<32x256xf32> to vector<1x32x256xf32>
    tpu.vector_store %arg2[%swap3A_892, %swap3A_893, %swap3A_894], %swap3A_897 {strides = array<i32>} : memref<8x32x4096xf32, #tpu.memory_space<vmem>>, vector<1x32x256xf32>,
    %slice3A_898 = vector.extract_strided_slice %transpose3A_827 {offsets = [64, 512], sizes = [32, 256], strides = [1, 1]} : vector<128x1024xf32> to vector<32x256xf32>
    %swap3A_899 = arith.constant 7 : index
    %swap3A_900 = arith.constant 0 : index
    %swap3A_901 = arith.constant 2560 : index
    %swap3A_902 = vector.load %arg2[%swap3A_899, %swap3A_900, %swap3A_901] : memref<8x32x4096xf32, #tpu.memory_space<vmem>>, vector<1x32x256xf32>
    %swap3A_903 = vector.shape_cast %swap3A_902 : vector<1x32x256xf32> to vector<32x256xf32>
    %swap3A_904 = vector.shape_cast %slice3A_898 : vector<32x256xf32> to vector<1x32x256xf32>
    tpu.vector_store %arg2[%swap3A_899, %swap3A_900, %swap3A_901], %swap3A_904 {strides = array<i32>} : memref<8x32x4096xf32, #tpu.memory_space<vmem>>, vector<1x32x256xf32>,
    %slice3A_905 = vector.extract_strided_slice %transpose3A_827 {offsets = [64, 768], sizes = [32, 256], strides = [1, 1]} : vector<128x1024xf32> to vector<32x256xf32>
    %swap3A_906 = arith.constant 7 : index
    %swap3A_907 = arith.constant 0 : index
    %swap3A_908 = arith.constant 3584 : index
    %swap3A_909 = vector.load %arg2[%swap3A_906, %swap3A_907, %swap3A_908] : memref<8x32x4096xf32, #tpu.memory_space<vmem>>, vector<1x32x256xf32>
    %swap3A_910 = vector.shape_cast %swap3A_909 : vector<1x32x256xf32> to vector<32x256xf32>
    %swap3A_911 = vector.shape_cast %slice3A_905 : vector<32x256xf32> to vector<1x32x256xf32>
    tpu.vector_store %arg2[%swap3A_906, %swap3A_907, %swap3A_908], %swap3A_911 {strides = array<i32>} : memref<8x32x4096xf32, #tpu.memory_space<vmem>>, vector<1x32x256xf32>,
    %slice3A_912 = vector.extract_strided_slice %transpose3A_827 {offsets = [96, 0], sizes = [32, 256], strides = [1, 1]} : vector<128x1024xf32> to vector<32x256xf32>
    %swap3A_913 = arith.constant 7 : index
    %swap3A_914 = arith.constant 0 : index
    %swap3A_915 = arith.constant 768 : index
    %swap3A_916 = vector.load %arg2[%swap3A_913, %swap3A_914, %swap3A_915] : memref<8x32x4096xf32, #tpu.memory_space<vmem>>, vector<1x32x256xf32>
    %swap3A_917 = vector.shape_cast %swap3A_916 : vector<1x32x256xf32> to vector<32x256xf32>
    %swap3A_918 = vector.shape_cast %slice3A_912 : vector<32x256xf32> to vector<1x32x256xf32>
    tpu.vector_store %arg2[%swap3A_913, %swap3A_914, %swap3A_915], %swap3A_918 {strides = array<i32>} : memref<8x32x4096xf32, #tpu.memory_space<vmem>>, vector<1x32x256xf32>,
    %slice3A_919 = vector.extract_strided_slice %transpose3A_827 {offsets = [96, 256], sizes = [32, 256], strides = [1, 1]} : vector<128x1024xf32> to vector<32x256xf32>
    %swap3A_920 = arith.constant 7 : index
    %swap3A_921 = arith.constant 0 : index
    %swap3A_922 = arith.constant 1792 : index
    %swap3A_923 = vector.load %arg2[%swap3A_920, %swap3A_921, %swap3A_922] : memref<8x32x4096xf32, #tpu.memory_space<vmem>>, vector<1x32x256xf32>
    %swap3A_924 = vector.shape_cast %swap3A_923 : vector<1x32x256xf32> to vector<32x256xf32>
    %swap3A_925 = vector.shape_cast %slice3A_919 : vector<32x256xf32> to vector<1x32x256xf32>
    tpu.vector_store %arg2[%swap3A_920, %swap3A_921, %swap3A_922], %swap3A_925 {strides = array<i32>} : memref<8x32x4096xf32, #tpu.memory_space<vmem>>, vector<1x32x256xf32>,
    %slice3A_926 = vector.extract_strided_slice %transpose3A_827 {offsets = [96, 512], sizes = [32, 256], strides = [1, 1]} : vector<128x1024xf32> to vector<32x256xf32>
    %swap3A_927 = arith.constant 7 : index
    %swap3A_928 = arith.constant 0 : index
    %swap3A_929 = arith.constant 2816 : index
    %swap3A_930 = vector.load %arg2[%swap3A_927, %swap3A_928, %swap3A_929] : memref<8x32x4096xf32, #tpu.memory_space<vmem>>, vector<1x32x256xf32>
    %swap3A_931 = vector.shape_cast %swap3A_930 : vector<1x32x256xf32> to vector<32x256xf32>
    %swap3A_932 = vector.shape_cast %slice3A_926 : vector<32x256xf32> to vector<1x32x256xf32>
    tpu.vector_store %arg2[%swap3A_927, %swap3A_928, %swap3A_929], %swap3A_932 {strides = array<i32>} : memref<8x32x4096xf32, #tpu.memory_space<vmem>>, vector<1x32x256xf32>,
    %slice3A_933 = vector.extract_strided_slice %transpose3A_827 {offsets = [96, 768], sizes = [32, 256], strides = [1, 1]} : vector<128x1024xf32> to vector<32x256xf32>
    %swap3A_934 = arith.constant 7 : index
    %swap3A_935 = arith.constant 0 : index
    %swap3A_936 = arith.constant 3840 : index
    %swap3A_937 = vector.load %arg2[%swap3A_934, %swap3A_935, %swap3A_936] : memref<8x32x4096xf32, #tpu.memory_space<vmem>>, vector<1x32x256xf32>
    %swap3A_938 = vector.shape_cast %swap3A_937 : vector<1x32x256xf32> to vector<32x256xf32>
    %swap3A_939 = vector.shape_cast %slice3A_933 : vector<32x256xf32> to vector<1x32x256xf32>
    tpu.vector_store %arg2[%swap3A_934, %swap3A_935, %swap3A_936], %swap3A_939 {strides = array<i32>} : memref<8x32x4096xf32, #tpu.memory_space<vmem>>, vector<1x32x256xf32>,
    return
  }
  func.func @transform_0(%arg0: i32) -> (i32, i32, i32) {
    %c0_i32 = arith.constant 0 : i32
    %c0_i32_0 = arith.constant 0 : i32
    %c0_i32_1 = arith.constant 0 : i32
    return %arg0, %c0_i32, %c0_i32_0 : i32, i32, i32
  }
  func.func @transform_1(%arg0: i32) -> (i32, i32, i32) {
    %c0_i32 = arith.constant 0 : i32
    %c0_i32_0 = arith.constant 0 : i32
    %c0_i32_1 = arith.constant 0 : i32
    return %arg0, %c0_i32, %c0_i32_0 : i32, i32, i32
  }
}

module attributes {stable_mosaic.version = 14 : i64} {
  func.func @_quad_body(%arg0: i32, %arg1: memref<5x32xf32, #tpu.memory_space<vmem>>, %arg2: memref<3x32xf32, #tpu.memory_space<vmem>>, %arg3: memref<32x64xf32, #tpu.memory_space<vmem>>, %arg4: memref<1x32xf32, #tpu.memory_space<vmem>>, %arg5: memref<8192x128xf32, #tpu.memory_space<vmem>>) attributes {dimension_semantics = [#tpu.dimension_semantics<arbitrary>], iteration_bounds = array<i64: 8>, scalar_prefetch = 0 : i64, scratch_operands = 0 : i64, tpu.core_type = #tpu.core_type<tc>, window_params = [{pipeline_mode = #tpu.pipeline_mode<synchronous>, transform_indices = @transform_0, window_bounds = array<i64: 5, 32>}, {pipeline_mode = #tpu.pipeline_mode<synchronous>, transform_indices = @transform_1, window_bounds = array<i64: 3, 32>}, {pipeline_mode = #tpu.pipeline_mode<synchronous>, transform_indices = @transform_2, window_bounds = array<i64: 32, 64>}, {pipeline_mode = #tpu.pipeline_mode<synchronous>, transform_indices = @transform_3, window_bounds = array<i64: 1, 32>}, {transform_indices = @transform_4, window_bounds = array<i64: 8192, 128>}]} {
    %iota3A = tpu.iota {dimensions = array<i32: 0>} : vector<16x1xi32>
    %jit3A = arith.constant 3 : i32
    %div3A = vector.broadcast %jit3A : i32 to vector<16x1xi32>
    %div3A_0 = arith.divsi %iota3A, %div3A : vector<16x1xi32>
    %sign3A = arith.constant 0 : i32
    %sign3A_1 = vector.broadcast %sign3A : i32 to vector<16x1xi32>
    %sign3A_2 = arith.cmpi sgt, %iota3A, %sign3A_1 : vector<16x1xi32>
    %sign3A_3 = arith.extui %sign3A_2 : vector<16x1xi1> to vector<16x1xi32>
    %sign3A_4 = arith.constant 0 : i32
    %sign3A_5 = vector.broadcast %sign3A_4 : i32 to vector<16x1xi32>
    %sign3A_6 = arith.cmpi slt, %iota3A, %sign3A_5 : vector<16x1xi32>
    %sign3A_7 = arith.extui %sign3A_6 : vector<16x1xi1> to vector<16x1xi32>
    %sign3A_8 = arith.subi %sign3A_3, %sign3A_7 : vector<16x1xi32>
    %sign3A_9 = arith.constant 0 : i32
    %sign3A_10 = arith.cmpi sgt, %jit3A, %sign3A_9 : i32
    %sign3A_11 = arith.extui %sign3A_10 : i1 to i32
    %sign3A_12 = arith.constant 0 : i32
    %sign3A_13 = arith.cmpi slt, %jit3A, %sign3A_12 : i32
    %sign3A_14 = arith.extui %sign3A_13 : i1 to i32
    %sign3A_15 = arith.subi %sign3A_11, %sign3A_14 : i32
    %ne3A = vector.broadcast %sign3A_15 : i32 to vector<16x1xi32>
    %ne3A_16 = arith.cmpi ne, %sign3A_8, %ne3A : vector<16x1xi32>
    %rem3A = vector.broadcast %jit3A : i32 to vector<16x1xi32>
    %rem3A_17 = arith.remsi %iota3A, %rem3A : vector<16x1xi32>
    %ne3A_18 = arith.constant 0 : i32
    %ne3A_19 = vector.broadcast %ne3A_18 : i32 to vector<16x1xi32>
    %ne3A_20 = arith.cmpi ne, %rem3A_17, %ne3A_19 : vector<16x1xi32>
    %and3A = arith.andi %ne3A_16, %ne3A_20 : vector<16x1xi1>
    %sub3A = arith.constant 1 : i32
    %sub3A_21 = vector.broadcast %sub3A : i32 to vector<16x1xi32>
    %sub3A_22 = arith.subi %div3A_0, %sub3A_21 : vector<16x1xi32>
    %select_n3A = arith.select %and3A, %sub3A_22, %div3A_0 : vector<16x1xi1>, vector<16x1xi32>
    %min3A = arith.constant 4 : i32
    %min3A_23 = vector.broadcast %min3A : i32 to vector<16x1xi32>
    %min3A_24 = arith.minsi %select_n3A, %min3A_23 : vector<16x1xi32>
    %jit3A_25 = arith.constant 3 : i32
    %div3A_26 = vector.broadcast %jit3A_25 : i32 to vector<16x1xi32>
    %div3A_27 = arith.divsi %iota3A, %div3A_26 : vector<16x1xi32>
    %sign3A_28 = arith.constant 0 : i32
    %sign3A_29 = vector.broadcast %sign3A_28 : i32 to vector<16x1xi32>
    %sign3A_30 = arith.cmpi sgt, %iota3A, %sign3A_29 : vector<16x1xi32>
    %sign3A_31 = arith.extui %sign3A_30 : vector<16x1xi1> to vector<16x1xi32>
    %sign3A_32 = arith.constant 0 : i32
    %sign3A_33 = vector.broadcast %sign3A_32 : i32 to vector<16x1xi32>
    %sign3A_34 = arith.cmpi slt, %iota3A, %sign3A_33 : vector<16x1xi32>
    %sign3A_35 = arith.extui %sign3A_34 : vector<16x1xi1> to vector<16x1xi32>
    %sign3A_36 = arith.subi %sign3A_31, %sign3A_35 : vector<16x1xi32>
    %sign3A_37 = arith.constant 0 : i32
    %sign3A_38 = arith.cmpi sgt, %jit3A_25, %sign3A_37 : i32
    %sign3A_39 = arith.extui %sign3A_38 : i1 to i32
    %sign3A_40 = arith.constant 0 : i32
    %sign3A_41 = arith.cmpi slt, %jit3A_25, %sign3A_40 : i32
    %sign3A_42 = arith.extui %sign3A_41 : i1 to i32
    %sign3A_43 = arith.subi %sign3A_39, %sign3A_42 : i32
    %ne3A_44 = vector.broadcast %sign3A_43 : i32 to vector<16x1xi32>
    %ne3A_45 = arith.cmpi ne, %sign3A_36, %ne3A_44 : vector<16x1xi32>
    %rem3A_46 = vector.broadcast %jit3A_25 : i32 to vector<16x1xi32>
    %rem3A_47 = arith.remsi %iota3A, %rem3A_46 : vector<16x1xi32>
    %ne3A_48 = arith.constant 0 : i32
    %ne3A_49 = vector.broadcast %ne3A_48 : i32 to vector<16x1xi32>
    %ne3A_50 = arith.cmpi ne, %rem3A_47, %ne3A_49 : vector<16x1xi32>
    %and3A_51 = arith.andi %ne3A_45, %ne3A_50 : vector<16x1xi1>
    %sub3A_52 = arith.constant 1 : i32
    %sub3A_53 = vector.broadcast %sub3A_52 : i32 to vector<16x1xi32>
    %sub3A_54 = arith.subi %div3A_27, %sub3A_53 : vector<16x1xi32>
    %select_n3A_55 = arith.select %and3A_51, %sub3A_54, %div3A_27 : vector<16x1xi1>, vector<16x1xi32>
    %mul3A = arith.constant 3 : i32
    %mul3A_56 = vector.broadcast %mul3A : i32 to vector<16x1xi32>
    %mul3A_57 = arith.muli %select_n3A_55, %mul3A_56 : vector<16x1xi32>
    %sub3A_58 = arith.subi %iota3A, %mul3A_57 : vector<16x1xi32>
    %broadcast_in_dim3A = arith.constant 0.000000e+00 : f32
    %broadcast_in_dim3A_59 = vector.broadcast %broadcast_in_dim3A : f32 to vector<16x32xf32>
    %eq3A = arith.constant 0 : i32
    %eq3A_60 = vector.broadcast %eq3A : i32 to vector<16x1xi32>
    %eq3A_61 = arith.cmpi eq, %min3A_24, %eq3A_60 : vector<16x1xi32>
    %jit3A_62 = arith.constant 1.000000e+00 : f32
    %jit3A_63 = arith.constant 0.000000e+00 : f32
    %broadcast_in_dim3A_64 = vector.broadcast %jit3A_62 : f32 to vector<16x1xf32>
    %broadcast_in_dim3A_65 = vector.broadcast %jit3A_63 : f32 to vector<16x1xf32>
    %select_n3A_66 = arith.select %eq3A_61, %broadcast_in_dim3A_64, %broadcast_in_dim3A_65 : vector<16x1xi1>, vector<16x1xf32>
    %get3A = arith.constant 0 : index
    %get3A_67 = arith.constant 0 : index
    %get3A_68 = vector.load %arg1[%get3A, %get3A_67] : memref<5x32xf32, #tpu.memory_space<vmem>>, vector<1x32xf32>
    %mul3A_69 = vector.broadcast %select_n3A_66 : vector<16x1xf32> to vector<16x32xf32>
    %mul3A_70 = vector.broadcast %get3A_68 : vector<1x32xf32> to vector<16x32xf32>
    %mul3A_71 = arith.mulf %mul3A_69, %mul3A_70 : vector<16x32xf32>
    %add3A = arith.addf %broadcast_in_dim3A_59, %mul3A_71 : vector<16x32xf32>
    %eq3A_72 = arith.constant 1 : i32
    %eq3A_73 = vector.broadcast %eq3A_72 : i32 to vector<16x1xi32>
    %eq3A_74 = arith.cmpi eq, %min3A_24, %eq3A_73 : vector<16x1xi32>
    %jit3A_75 = arith.constant 1.000000e+00 : f32
    %jit3A_76 = arith.constant 0.000000e+00 : f32
    %broadcast_in_dim3A_77 = vector.broadcast %jit3A_75 : f32 to vector<16x1xf32>
    %broadcast_in_dim3A_78 = vector.broadcast %jit3A_76 : f32 to vector<16x1xf32>
    %select_n3A_79 = arith.select %eq3A_74, %broadcast_in_dim3A_77, %broadcast_in_dim3A_78 : vector<16x1xi1>, vector<16x1xf32>
    %get3A_80 = arith.constant 1 : index
    %get3A_81 = arith.constant 0 : index
    %get3A_82 = vector.load %arg1[%get3A_80, %get3A_81] : memref<5x32xf32, #tpu.memory_space<vmem>>, vector<1x32xf32>
    %mul3A_83 = vector.broadcast %select_n3A_79 : vector<16x1xf32> to vector<16x32xf32>
    %mul3A_84 = vector.broadcast %get3A_82 : vector<1x32xf32> to vector<16x32xf32>
    %mul3A_85 = arith.mulf %mul3A_83, %mul3A_84 : vector<16x32xf32>
    %add3A_86 = arith.addf %add3A, %mul3A_85 : vector<16x32xf32>
    %eq3A_87 = arith.constant 2 : i32
    %eq3A_88 = vector.broadcast %eq3A_87 : i32 to vector<16x1xi32>
    %eq3A_89 = arith.cmpi eq, %min3A_24, %eq3A_88 : vector<16x1xi32>
    %jit3A_90 = arith.constant 1.000000e+00 : f32
    %jit3A_91 = arith.constant 0.000000e+00 : f32
    %broadcast_in_dim3A_92 = vector.broadcast %jit3A_90 : f32 to vector<16x1xf32>
    %broadcast_in_dim3A_93 = vector.broadcast %jit3A_91 : f32 to vector<16x1xf32>
    %select_n3A_94 = arith.select %eq3A_89, %broadcast_in_dim3A_92, %broadcast_in_dim3A_93 : vector<16x1xi1>, vector<16x1xf32>
    %get3A_95 = arith.constant 2 : index
    %get3A_96 = arith.constant 0 : index
    %get3A_97 = vector.load %arg1[%get3A_95, %get3A_96] : memref<5x32xf32, #tpu.memory_space<vmem>>, vector<1x32xf32>
    %mul3A_98 = vector.broadcast %select_n3A_94 : vector<16x1xf32> to vector<16x32xf32>
    %mul3A_99 = vector.broadcast %get3A_97 : vector<1x32xf32> to vector<16x32xf32>
    %mul3A_100 = arith.mulf %mul3A_98, %mul3A_99 : vector<16x32xf32>
    %add3A_101 = arith.addf %add3A_86, %mul3A_100 : vector<16x32xf32>
    %eq3A_102 = arith.constant 3 : i32
    %eq3A_103 = vector.broadcast %eq3A_102 : i32 to vector<16x1xi32>
    %eq3A_104 = arith.cmpi eq, %min3A_24, %eq3A_103 : vector<16x1xi32>
    %jit3A_105 = arith.constant 1.000000e+00 : f32
    %jit3A_106 = arith.constant 0.000000e+00 : f32
    %broadcast_in_dim3A_107 = vector.broadcast %jit3A_105 : f32 to vector<16x1xf32>
    %broadcast_in_dim3A_108 = vector.broadcast %jit3A_106 : f32 to vector<16x1xf32>
    %select_n3A_109 = arith.select %eq3A_104, %broadcast_in_dim3A_107, %broadcast_in_dim3A_108 : vector<16x1xi1>, vector<16x1xf32>
    %get3A_110 = arith.constant 3 : index
    %get3A_111 = arith.constant 0 : index
    %get3A_112 = vector.load %arg1[%get3A_110, %get3A_111] : memref<5x32xf32, #tpu.memory_space<vmem>>, vector<1x32xf32>
    %mul3A_113 = vector.broadcast %select_n3A_109 : vector<16x1xf32> to vector<16x32xf32>
    %mul3A_114 = vector.broadcast %get3A_112 : vector<1x32xf32> to vector<16x32xf32>
    %mul3A_115 = arith.mulf %mul3A_113, %mul3A_114 : vector<16x32xf32>
    %add3A_116 = arith.addf %add3A_101, %mul3A_115 : vector<16x32xf32>
    %eq3A_117 = arith.constant 4 : i32
    %eq3A_118 = vector.broadcast %eq3A_117 : i32 to vector<16x1xi32>
    %eq3A_119 = arith.cmpi eq, %min3A_24, %eq3A_118 : vector<16x1xi32>
    %jit3A_120 = arith.constant 1.000000e+00 : f32
    %jit3A_121 = arith.constant 0.000000e+00 : f32
    %broadcast_in_dim3A_122 = vector.broadcast %jit3A_120 : f32 to vector<16x1xf32>
    %broadcast_in_dim3A_123 = vector.broadcast %jit3A_121 : f32 to vector<16x1xf32>
    %select_n3A_124 = arith.select %eq3A_119, %broadcast_in_dim3A_122, %broadcast_in_dim3A_123 : vector<16x1xi1>, vector<16x1xf32>
    %get3A_125 = arith.constant 4 : index
    %get3A_126 = arith.constant 0 : index
    %get3A_127 = vector.load %arg1[%get3A_125, %get3A_126] : memref<5x32xf32, #tpu.memory_space<vmem>>, vector<1x32xf32>
    %mul3A_128 = vector.broadcast %select_n3A_124 : vector<16x1xf32> to vector<16x32xf32>
    %mul3A_129 = vector.broadcast %get3A_127 : vector<1x32xf32> to vector<16x32xf32>
    %mul3A_130 = arith.mulf %mul3A_128, %mul3A_129 : vector<16x32xf32>
    %add3A_131 = arith.addf %add3A_116, %mul3A_130 : vector<16x32xf32>
    %broadcast_in_dim3A_132 = arith.constant 0.000000e+00 : f32
    %broadcast_in_dim3A_133 = vector.broadcast %broadcast_in_dim3A_132 : f32 to vector<16x32xf32>
    %eq3A_134 = arith.constant 0 : i32
    %eq3A_135 = vector.broadcast %eq3A_134 : i32 to vector<16x1xi32>
    %eq3A_136 = arith.cmpi eq, %sub3A_58, %eq3A_135 : vector<16x1xi32>
    %jit3A_137 = arith.constant 1.000000e+00 : f32
    %jit3A_138 = arith.constant 0.000000e+00 : f32
    %broadcast_in_dim3A_139 = vector.broadcast %jit3A_137 : f32 to vector<16x1xf32>
    %broadcast_in_dim3A_140 = vector.broadcast %jit3A_138 : f32 to vector<16x1xf32>
    %select_n3A_141 = arith.select %eq3A_136, %broadcast_in_dim3A_139, %broadcast_in_dim3A_140 : vector<16x1xi1>, vector<16x1xf32>
    %get3A_142 = arith.constant 0 : index
    %get3A_143 = arith.constant 0 : index
    %get3A_144 = vector.load %arg2[%get3A_142, %get3A_143] : memref<3x32xf32, #tpu.memory_space<vmem>>, vector<1x32xf32>
    %mul3A_145 = vector.broadcast %select_n3A_141 : vector<16x1xf32> to vector<16x32xf32>
    %mul3A_146 = vector.broadcast %get3A_144 : vector<1x32xf32> to vector<16x32xf32>
    %mul3A_147 = arith.mulf %mul3A_145, %mul3A_146 : vector<16x32xf32>
    %add3A_148 = arith.addf %broadcast_in_dim3A_133, %mul3A_147 : vector<16x32xf32>
    %eq3A_149 = arith.constant 1 : i32
    %eq3A_150 = vector.broadcast %eq3A_149 : i32 to vector<16x1xi32>
    %eq3A_151 = arith.cmpi eq, %sub3A_58, %eq3A_150 : vector<16x1xi32>
    %jit3A_152 = arith.constant 1.000000e+00 : f32
    %jit3A_153 = arith.constant 0.000000e+00 : f32
    %broadcast_in_dim3A_154 = vector.broadcast %jit3A_152 : f32 to vector<16x1xf32>
    %broadcast_in_dim3A_155 = vector.broadcast %jit3A_153 : f32 to vector<16x1xf32>
    %select_n3A_156 = arith.select %eq3A_151, %broadcast_in_dim3A_154, %broadcast_in_dim3A_155 : vector<16x1xi1>, vector<16x1xf32>
    %get3A_157 = arith.constant 1 : index
    %get3A_158 = arith.constant 0 : index
    %get3A_159 = vector.load %arg2[%get3A_157, %get3A_158] : memref<3x32xf32, #tpu.memory_space<vmem>>, vector<1x32xf32>
    %mul3A_160 = vector.broadcast %select_n3A_156 : vector<16x1xf32> to vector<16x32xf32>
    %mul3A_161 = vector.broadcast %get3A_159 : vector<1x32xf32> to vector<16x32xf32>
    %mul3A_162 = arith.mulf %mul3A_160, %mul3A_161 : vector<16x32xf32>
    %add3A_163 = arith.addf %add3A_148, %mul3A_162 : vector<16x32xf32>
    %eq3A_164 = arith.constant 2 : i32
    %eq3A_165 = vector.broadcast %eq3A_164 : i32 to vector<16x1xi32>
    %eq3A_166 = arith.cmpi eq, %sub3A_58, %eq3A_165 : vector<16x1xi32>
    %jit3A_167 = arith.constant 1.000000e+00 : f32
    %jit3A_168 = arith.constant 0.000000e+00 : f32
    %broadcast_in_dim3A_169 = vector.broadcast %jit3A_167 : f32 to vector<16x1xf32>
    %broadcast_in_dim3A_170 = vector.broadcast %jit3A_168 : f32 to vector<16x1xf32>
    %select_n3A_171 = arith.select %eq3A_166, %broadcast_in_dim3A_169, %broadcast_in_dim3A_170 : vector<16x1xi1>, vector<16x1xf32>
    %get3A_172 = arith.constant 2 : index
    %get3A_173 = arith.constant 0 : index
    %get3A_174 = vector.load %arg2[%get3A_172, %get3A_173] : memref<3x32xf32, #tpu.memory_space<vmem>>, vector<1x32xf32>
    %mul3A_175 = vector.broadcast %select_n3A_171 : vector<16x1xf32> to vector<16x32xf32>
    %mul3A_176 = vector.broadcast %get3A_174 : vector<1x32xf32> to vector<16x32xf32>
    %mul3A_177 = arith.mulf %mul3A_175, %mul3A_176 : vector<16x32xf32>
    %add3A_178 = arith.addf %add3A_163, %mul3A_177 : vector<16x32xf32>
    %concatenate3A = tpu.concatenate %add3A_131, %add3A_178 in 1 : vector<16x32xf32>, vector<16x32xf32> -> vector<16x64xf32>
    %get3A_179 = arith.constant 0 : index
    %get3A_180 = arith.constant 0 : index
    %get3A_181 = vector.load %arg3[%get3A_179, %get3A_180] : memref<32x64xf32, #tpu.memory_space<vmem>>, vector<32x64xf32>
    %dot_general3A = arith.constant dense<0.000000e+00> : vector<16x32xf32>
    %dot_general3A_182 = tpu.matmul %concatenate3A, %get3A_181, %dot_general3A {dimension_numbers = #tpu.dot_dimension_numbers<[1], [1], [0], [0], [0, 0, 1, 0], [], []>, transpose_lhs_hint = false} : vector<16x64xf32>, vector<32x64xf32>, vector<16x32xf32> -> vector<16x32xf32>
    %get3A_183 = arith.constant 0 : index
    %get3A_184 = arith.constant 0 : index
    %get3A_185 = vector.load %arg4[%get3A_183, %get3A_184] : memref<1x32xf32, #tpu.memory_space<vmem>>, vector<1x32xf32>
    %add3A_186 = vector.broadcast %get3A_185 : vector<1x32xf32> to vector<16x32xf32>
    %add3A_187 = arith.addf %dot_general3A_182, %add3A_186 : vector<16x32xf32>
    %mul3A_188 = arith.constant 8192 : i32
    %mul3A_189 = arith.muli %arg0, %mul3A_188 : i32
    %iota3A_190 = tpu.iota {dimensions = array<i32: 0>} : vector<8192x1xi32>
    %add3A_191 = vector.broadcast %mul3A_189 : i32 to vector<8192x1xi32>
    %add3A_192 = arith.addi %add3A_191, %iota3A_190 : vector<8192x1xi32>
    %iota3A_193 = tpu.iota {dimensions = array<i32: 1>} : vector<1x16xi32>
    %broadcast_in_dim3A_194 = arith.constant 0.000000e+00 : f32
    %broadcast_in_dim3A_195 = vector.broadcast %broadcast_in_dim3A_194 : f32 to vector<16x32xf32>
    %shift_right_arithmetic3A = arith.constant 12 : i32
    %shift_right_arithmetic3A_196 = vector.broadcast %shift_right_arithmetic3A : i32 to vector<8192x1xi32>
    %shift_right_arithmetic3A_197 = arith.shrsi %add3A_192, %shift_right_arithmetic3A_196 : vector<8192x1xi32>
    %and3A_198 = arith.constant 15 : i32
    %and3A_199 = vector.broadcast %and3A_198 : i32 to vector<8192x1xi32>
    %and3A_200 = arith.andi %shift_right_arithmetic3A_197, %and3A_199 : vector<8192x1xi32>
    %eq3A_201 = vector.broadcast %and3A_200 : vector<8192x1xi32> to vector<8192x16xi32>
    %eq3A_202 = vector.broadcast %iota3A_193 : vector<1x16xi32> to vector<8192x16xi32>
    %eq3A_203 = arith.cmpi eq, %eq3A_201, %eq3A_202 : vector<8192x16xi32>
    %jit3A_204 = arith.constant 1.000000e+00 : f32
    %jit3A_205 = arith.constant 0.000000e+00 : f32
    %broadcast_in_dim3A_206 = vector.broadcast %jit3A_204 : f32 to vector<8192x16xf32>
    %broadcast_in_dim3A_207 = vector.broadcast %jit3A_205 : f32 to vector<8192x16xf32>
    %select_n3A_208 = arith.select %eq3A_203, %broadcast_in_dim3A_206, %broadcast_in_dim3A_207 : vector<8192x16xi1>, vector<8192x16xf32>
    %concatenate3A_209 = tpu.concatenate %add3A_187, %broadcast_in_dim3A_195, %broadcast_in_dim3A_195, %broadcast_in_dim3A_195 in 1 : vector<16x32xf32>, vector<16x32xf32>, vector<16x32xf32>, vector<16x32xf32> -> vector<16x128xf32>
    %shift_right_arithmetic3A_210 = arith.constant 8 : i32
    %shift_right_arithmetic3A_211 = vector.broadcast %shift_right_arithmetic3A_210 : i32 to vector<8192x1xi32>
    %shift_right_arithmetic3A_212 = arith.shrsi %add3A_192, %shift_right_arithmetic3A_211 : vector<8192x1xi32>
    %and3A_213 = arith.constant 15 : i32
    %and3A_214 = vector.broadcast %and3A_213 : i32 to vector<8192x1xi32>
    %and3A_215 = arith.andi %shift_right_arithmetic3A_212, %and3A_214 : vector<8192x1xi32>
    %eq3A_216 = vector.broadcast %and3A_215 : vector<8192x1xi32> to vector<8192x16xi32>
    %eq3A_217 = vector.broadcast %iota3A_193 : vector<1x16xi32> to vector<8192x16xi32>
    %eq3A_218 = arith.cmpi eq, %eq3A_216, %eq3A_217 : vector<8192x16xi32>
    %jit3A_219 = arith.constant 1.000000e+00 : f32
    %jit3A_220 = arith.constant 0.000000e+00 : f32
    %broadcast_in_dim3A_221 = vector.broadcast %jit3A_219 : f32 to vector<8192x16xf32>
    %broadcast_in_dim3A_222 = vector.broadcast %jit3A_220 : f32 to vector<8192x16xf32>
    %select_n3A_223 = arith.select %eq3A_218, %broadcast_in_dim3A_221, %broadcast_in_dim3A_222 : vector<8192x16xi1>, vector<8192x16xf32>
    %concatenate3A_224 = tpu.concatenate %broadcast_in_dim3A_195, %add3A_187, %broadcast_in_dim3A_195, %broadcast_in_dim3A_195 in 1 : vector<16x32xf32>, vector<16x32xf32>, vector<16x32xf32>, vector<16x32xf32> -> vector<16x128xf32>
    %shift_right_arithmetic3A_225 = arith.constant 4 : i32
    %shift_right_arithmetic3A_226 = vector.broadcast %shift_right_arithmetic3A_225 : i32 to vector<8192x1xi32>
    %shift_right_arithmetic3A_227 = arith.shrsi %add3A_192, %shift_right_arithmetic3A_226 : vector<8192x1xi32>
    %and3A_228 = arith.constant 15 : i32
    %and3A_229 = vector.broadcast %and3A_228 : i32 to vector<8192x1xi32>
    %and3A_230 = arith.andi %shift_right_arithmetic3A_227, %and3A_229 : vector<8192x1xi32>
    %eq3A_231 = vector.broadcast %and3A_230 : vector<8192x1xi32> to vector<8192x16xi32>
    %eq3A_232 = vector.broadcast %iota3A_193 : vector<1x16xi32> to vector<8192x16xi32>
    %eq3A_233 = arith.cmpi eq, %eq3A_231, %eq3A_232 : vector<8192x16xi32>
    %jit3A_234 = arith.constant 1.000000e+00 : f32
    %jit3A_235 = arith.constant 0.000000e+00 : f32
    %broadcast_in_dim3A_236 = vector.broadcast %jit3A_234 : f32 to vector<8192x16xf32>
    %broadcast_in_dim3A_237 = vector.broadcast %jit3A_235 : f32 to vector<8192x16xf32>
    %select_n3A_238 = arith.select %eq3A_233, %broadcast_in_dim3A_236, %broadcast_in_dim3A_237 : vector<8192x16xi1>, vector<8192x16xf32>
    %concatenate3A_239 = tpu.concatenate %broadcast_in_dim3A_195, %broadcast_in_dim3A_195, %add3A_187, %broadcast_in_dim3A_195 in 1 : vector<16x32xf32>, vector<16x32xf32>, vector<16x32xf32>, vector<16x32xf32> -> vector<16x128xf32>
    %shift_right_arithmetic3A_240 = arith.constant 0 : i32
    %shift_right_arithmetic3A_241 = vector.broadcast %shift_right_arithmetic3A_240 : i32 to vector<8192x1xi32>
    %shift_right_arithmetic3A_242 = arith.shrsi %add3A_192, %shift_right_arithmetic3A_241 : vector<8192x1xi32>
    %and3A_243 = arith.constant 15 : i32
    %and3A_244 = vector.broadcast %and3A_243 : i32 to vector<8192x1xi32>
    %and3A_245 = arith.andi %shift_right_arithmetic3A_242, %and3A_244 : vector<8192x1xi32>
    %eq3A_246 = vector.broadcast %and3A_245 : vector<8192x1xi32> to vector<8192x16xi32>
    %eq3A_247 = vector.broadcast %iota3A_193 : vector<1x16xi32> to vector<8192x16xi32>
    %eq3A_248 = arith.cmpi eq, %eq3A_246, %eq3A_247 : vector<8192x16xi32>
    %jit3A_249 = arith.constant 1.000000e+00 : f32
    %jit3A_250 = arith.constant 0.000000e+00 : f32
    %broadcast_in_dim3A_251 = vector.broadcast %jit3A_249 : f32 to vector<8192x16xf32>
    %broadcast_in_dim3A_252 = vector.broadcast %jit3A_250 : f32 to vector<8192x16xf32>
    %select_n3A_253 = arith.select %eq3A_248, %broadcast_in_dim3A_251, %broadcast_in_dim3A_252 : vector<8192x16xi1>, vector<8192x16xf32>
    %concatenate3A_254 = tpu.concatenate %broadcast_in_dim3A_195, %broadcast_in_dim3A_195, %broadcast_in_dim3A_195, %add3A_187 in 1 : vector<16x32xf32>, vector<16x32xf32>, vector<16x32xf32>, vector<16x32xf32> -> vector<16x128xf32>
    %concatenate3A_255 = tpu.concatenate %select_n3A_208, %select_n3A_223, %select_n3A_238, %select_n3A_253 in 1 : vector<8192x16xf32>, vector<8192x16xf32>, vector<8192x16xf32>, vector<8192x16xf32> -> vector<8192x64xf32>
    %concatenate3A_256 = tpu.concatenate %concatenate3A_209, %concatenate3A_224, %concatenate3A_239, %concatenate3A_254 in 0 : vector<16x128xf32>, vector<16x128xf32>, vector<16x128xf32>, vector<16x128xf32> -> vector<64x128xf32>
    %dot_general3A_257 = arith.constant dense<0.000000e+00> : vector<8192x128xf32>
    %dot_general3A_258 = tpu.matmul %concatenate3A_255, %concatenate3A_256, %dot_general3A_257 {dimension_numbers = #tpu.dot_dimension_numbers<[1], [0], [0], [1], [0, 0, 1, 1], [], []>, transpose_lhs_hint = false} : vector<8192x64xf32>, vector<64x128xf32>, vector<8192x128xf32> -> vector<8192x128xf32>
    %swap3A = arith.constant 0 : index
    %swap3A_259 = arith.constant 0 : index
    %swap3A_260 = vector.load %arg5[%swap3A, %swap3A_259] : memref<8192x128xf32, #tpu.memory_space<vmem>>, vector<8192x128xf32>
    tpu.vector_store %arg5[%swap3A, %swap3A_259], %dot_general3A_258 {strides = array<i32>} : memref<8192x128xf32, #tpu.memory_space<vmem>>, vector<8192x128xf32>,
    return
  }
  func.func @transform_0(%arg0: i32) -> (i32, i32) {
    %c0_i32 = arith.constant 0 : i32
    %c0_i32_0 = arith.constant 0 : i32
    %c0_i32_1 = arith.constant 0 : i32
    return %c0_i32, %c0_i32_0 : i32, i32
  }
  func.func @transform_1(%arg0: i32) -> (i32, i32) {
    %c0_i32 = arith.constant 0 : i32
    %c0_i32_0 = arith.constant 0 : i32
    %c0_i32_1 = arith.constant 0 : i32
    return %c0_i32, %c0_i32_0 : i32, i32
  }
  func.func @transform_2(%arg0: i32) -> (i32, i32) {
    %c0_i32 = arith.constant 0 : i32
    %c0_i32_0 = arith.constant 0 : i32
    %c0_i32_1 = arith.constant 0 : i32
    return %c0_i32, %c0_i32_0 : i32, i32
  }
  func.func @transform_3(%arg0: i32) -> (i32, i32) {
    %c0_i32 = arith.constant 0 : i32
    %c0_i32_0 = arith.constant 0 : i32
    %c0_i32_1 = arith.constant 0 : i32
    return %c0_i32, %c0_i32_0 : i32, i32
  }
  func.func @transform_4(%arg0: i32) -> (i32, i32) {
    %c0_i32 = arith.constant 0 : i32
    %c0_i32_0 = arith.constant 0 : i32
    return %arg0, %c0_i32 : i32, i32
  }
}

</mosaic_0001>

<sc_bundles>
// kernel: kernel.5.cloned.1.call-start
scs
__scs_entry_jumppad:
0x0: {  	(pc) =	sbr.rel $0x88, $3  }
0x1: {  	(tag) =	ssettag $0x0;
	lr =	simm.s32 $0x1  }
0x2: {  	[smem:$0x3F9B] =	sst lr;
	_ =	strace $0xD0000000  }
0x3: {  	_ = 	snop  }
0x4: {  	_ = 	snop  }
0x5: {  	_ = 	snop  }
0x6: {  	_ = 	snop  }
0x7: {  	_ = 	snop  }
__scs_overlays_trampoline_lowered:
0x8: {  	[smem:$0x3FAA] =	sst s0  }
0x9: {  	[smem:$0x3FAB] =	sst s1  }
0xa: {  	[smem:$0x3FAC] =	sst s2  }
0xb: {  	[smem:$0x3FAD] =	sst s3  }
0xc: {  	[smem:$0x3FAE] =	sst s4  }
0xd: {  	[smem:$0x3FAF] =	sst s5  }
0xe: {  	[smem:$0x3FB0] =	sst s6  }
0xf: {  	[smem:$0x3FB1] =	sst s7  }
0x10: {  	[smem:$0x3FB2] =	sst s8  }
0x11: {  	[smem:$0x3FB3] =	sst s9;
	s0 =	simm.s32 @!p0 $0x0  }
0x12: {  	s1 =	sld [smem:$0x3F99];
	s0 =	simm.s32 @p0 $0x1  }
0x13: {  	[smem:$0x3FB4] =	sst s0;
	s0 =	simm.s32 @!p1 $0x0  }
0x14: {  	s2 =	sld [smem:$0x3F98];
	s0 =	simm.s32 @p1 $0x1  }
0x15: {  	[smem:$0x3FB5] =	sst s0;
	s0 =	simm.s32 @!p2 $0x0  }
0x16: {  	s3 =	sld [smem:$0x3FDB];
	s0 =	simm.s32 @p2 $0x1  }
0x17: {  	s4 =	simm.s32 $0x1BF5;
	[smem:$0x3FB7] =	sst s0  }
0x18: {  	s0 =	sld [smem:$0x3F9A];
	_ =	swait.ge [sflag:s4], $0x0  }
0x19: {  	s7 =	sld [smem:$0x3F9B]  }
0x1a: {  	s8 =	sadd.s32 $0xFFFFE003, lr  }
0x1b: {  	s9 =	sadd.s32 $0xFFFFFEF7, lr;
	s5 =	simm.s32 $0xFFFFFFFF;
	p2 =	slt.u32 s8, $0xFFFFF086  }
0x1c: {  	p1 =	slt.u32 s9, $0xF7A;
	s5 =	simm.s32 @!p2 $0x0  }
0x1d: {  	s5 =	simm.s32 @p1 $0x1;
	p0 =	seq.s32 s7, s2  }
0x1e: {  	s7 =	smul.u32 @!p0 $0xF7A, s2;
	p2 =	seq.s32 @!p0 s5, $0x0  }
0x1f: {  	s9 =	smul.u32 $0xF7A, s1;
	s8 =	simm.s32 @!p0 $0x1BF5;
	p2 =	por !p2, p0  }
0x20: {  	[sflag:s8] =	ssyncset.s32 @!p0 $0xFFFFF086;
	s6 =	sadd.s32 @!p0 s3, s7;
	s7 =	simm.s32 @!p0 $0x108  }
0x21: {  	s3 =	sadd.s32 s3, s9;
	s6 =	sadd.s32 @!p0 $0x88, s6;
	s7 =	simm.s32 @p2 $0x1082  }
0x22: {  	[simem:s7], [sflag:s8] =	dma.local @!p0 [hbm:s6], $0xF7A  }
0x23: {  	s9 =	sor.u32 $0xD0000000, s2;
	s6 =	simm.s32 $0x108;
	_ =	swait.ge @!p0 [sflag:s8], $0x0  }
0x24: {  	s3 =	sadd.s32 $0x88, s3;
	s6 =	simm.s32 @!p1 $0x1082;
	[sflag:s4] =	ssyncset.s32 $0xFFFFF086  }
0x25: {  	[simem:s6], [sflag:s4] =	dma.local [hbm:s3], $0xF7A  }
0x26: {  	[smem:$0x3F9B] =	sst s1;
	(tag) =	ssettag s2;
	_ =	strace s9  }
0x27: {  	s1 =	sld [smem:$0x3FAB]  }
0x28: {  	s2 =	sld [smem:$0x3FAC]  }
0x29: {  	s4 =	sld [smem:$0x3FAE]  }
0x2a: {  	p0 =	seq.s32 s5, $0x0;
	s5 =	sld [smem:$0x3FAF]  }
0x2b: {  	s6 =	sld [smem:$0x3FB0]  }
0x2c: {  	s7 =	sld [smem:$0x3FB1]  }
0x2d: {  	s3 =	simm.s32 $0x108;
	s8 =	sld [smem:$0x3FB2]  }
0x2e: {  	s3 =	simm.s32 @!p0 $0x1082;
	s9 =	sld [smem:$0x3FB3]  }
0x2f: {  	lr =	sadd.s32 s0, s3;
	s0 =	sld [smem:$0x3FAA]  }
0x30: {  	s3 =	sld [smem:$0x3FAD]  }
0x31: {  	[smem:$0x3FB6] =	sst s10  }
0x32: {  	s10 =	sld [smem:$0x3FB4];
	_ =	sdelay $0x3  }
0x33: {  	p0 =	seq.s32 s10, $0x1;
	s10 =	sld [smem:$0x3FB6];
	_ =	sdelay $0x3  }
0x34: {  	[smem:$0x3FB6] =	sst s10  }
0x35: {  	s10 =	sld [smem:$0x3FB5];
	_ =	sdelay $0x3  }
0x36: {  	p1 =	seq.s32 s10, $0x1;
	s10 =	sld [smem:$0x3FB6];
	_ =	sdelay $0x3  }
0x37: {  	[smem:$0x3FB6] =	sst s10  }
0x38: {  	s10 =	sld [smem:$0x3FB7]  }
0x39: {  	_ = 	snop;
	(pc) =	sbr.ind lr, $3  }
0x3a: {  	_ = 	snop  }
0x3b: {  	_ = 	snop  }
0x3c: {  	p2 =	seq.s32 s10, $0x1;
	s10 =	sld [smem:$0x3FB6]  }
0x3d: {  	_ =	shalt  }
0x3e: {  	_ =	shalt  }
0x3f: {  	_ =	shalt  }
0x40: {  	_ =	shalt  }
0x41: {  	_ =	shalt  }
0x42: {  	_ =	shalt  }
0x43: {  	_ =	shalt  }
0x44: {  	_ =	shalt  }
0x45: {  	_ =	shalt  }
0x46: {  	_ =	shalt  }
0x47: {  	_ =	shalt  }
0x48: {  	_ =	shalt  }
0x49: {  	_ =	shalt  }
0x4a: {  	_ =	shalt  }
0x4b: {  	_ =	shalt  }
0x4c: {  	_ =	shalt  }
0x4d: {  	_ =	shalt  }
0x4e: {  	_ =	shalt  }
0x4f: {  	_ =	shalt  }
0x50: {  	_ =	shalt  }
0x51: {  	_ =	shalt  }
0x52: {  	_ =	shalt  }
0x53: {  	_ =	shalt  }
0x54: {  	_ =	shalt  }
0x55: {  	_ =	shalt  }
0x56: {  	_ =	shalt  }
0x57: {  	_ =	shalt  }
0x58: {  	_ =	shalt  }
0x59: {  	_ =	shalt  }
0x5a: {  	_ =	shalt  }
0x5b: {  	_ =	shalt  }
0x5c: {  	_ =	shalt  }
0x5d: {  	_ =	shalt  }
0x5e: {  	_ =	shalt  }
0x5f: {  	_ =	shalt  }
0x60: {  	_ =	shalt  }
0x61: {  	_ =	shalt  }
0x62: {  	_ =	shalt  }
0x63: {  	_ =	shalt  }
0x64: {  	_ =	shalt  }
0x65: {  	_ =	shalt  }
0x66: {  	_ =	shalt  }
0x67: {  	_ =	shalt  }
0x68: {  	_ =	shalt  }
0x69: {  	_ =	shalt  }
0x6a: {  	_ =	shalt  }
0x6b: {  	_ =	shalt  }
0x6c: {  	_ =	shalt  }
0x6d: {  	_ =	shalt  }
0x6e: {  	_ =	shalt  }
0x6f: {  	_ =	shalt  }
0x70: {  	_ =	shalt  }
0x71: {  	_ =	shalt  }
0x72: {  	_ =	shalt  }
0x73: {  	_ =	shalt  }
0x74: {  	_ =	shalt  }
0x75: {  	_ =	shalt  }
0x76: {  	_ =	shalt  }
0x77: {  	_ =	shalt  }
0x78: {  	_ =	shalt  }
0x79: {  	_ =	shalt  }
0x7a: {  	_ =	shalt  }
0x7b: {  	_ =	shalt  }
0x7c: {  	_ =	shalt  }
0x7d: {  	_ =	shalt  }
0x7e: {  	_ =	shalt  }
0x7f: {  	_ =	shalt  }
0x80: {  	_ =	shalt  }
0x81: {  	_ =	shalt  }
0x82: {  	_ =	shalt  }
0x83: {  	_ =	shalt  }
0x84: {  	_ =	shalt  }
0x85: {  	_ =	shalt  }
0x86: {  	_ =	shalt  }
0x87: {  	_ =	shalt  }
.Lfunc_end0:
.L_simem_size_0:
called_computation_lowered:
.L_overlay_start_0:
0x88: {  	s2 =	sld [smem:$0x3FD9]  }
0x89: {  	s3 =	sld [smem:$0x3FFE];
	_ =	sdelay $0x1  }
0x8a: {  	s1 =	srdreg.scid  }
0x8b: {  	s0 =	sand.u32 $0x1, s1  }
0x8c: {  	s17 =	sshll.u32 s0, $0xA;
	s2 =	sadd.s32 s3, s2  }
0x8d: {  	s2 =	sadd.s32 s2, s17  }
0x8e: {  	[smem:$0x3FC2] =	sst s2  }
0x8f: {  	_ = 	snop  }
0x90: {  	s2 =	sld [smem:$0x3FC9]  }
0x91: {  	s18 =	sld [smem:$0x3FC8]  }
0x92: {  	s4 =	sld [smem:$0x3FD0];
	(tm) =	ssettm $0x1  }
0x93: {  	s5 =	sld [smem:$0x3FFB];
	_ =	sdelay $0x3  }
0x94: {  	_ =	strace s5  }
0x95: {  	s5 =	sld [smem:$0x3FFC];
	_ =	sdelay $0x3  }
0x96: {  	_ =	strace s5  }
0x97: {  	s5 =	sld [smem:$0x3FFD];
	_ =	sdelay $0x3  }
0x98: {  	_ =	strace s5  }
0x99: {  	_ =	strace $0x8FFFFFFF  }
0x9a: {  	s19 =	sld [smem:$0x3FDB];
	_ =	sdelay $0x1  }
0x9b: {  	s6 =	simm.s32 $_scs_section_size  }
0x9c: {  	s7 =	simm.s32 $_size__tile_overlayer_lowered;
	s8 =	simm.s32 $_tile_overlayer_lowered  }
0x9d: {  	s22 =	simm.s32 $0x1BFF;
	s21 =	sshll.u32 s8, $0x1;
	s5 =	sadd.s32 s6, s19  }
0x9e: {  	s9 =	simm.s32 $0x0;
	s20 =	sshll.u32 s7, $0x1;
	s7 =	sadd.s32 s21, s5  }
0x9f: {  	[timem:s9], [sflag:s22] =	dma.local [hbm:s7], s20  }
0xa0: {  	_ =	swait.ge [sflag:s22], s20  }
0xa1: {  	s6 =	ssub.s32 $0x0, s20;
	[sflag:s22] =	ssyncset.done $0x0  }
0xa2: {  	[sflag:s22] =	ssyncadd.s32 s6;
	_ =	sdelay $0x1  }
0xa3: {  	s23 =	simm.s32 $0x1B8B  }
0xa4: {  	_ =	swait.ge [sflag:s23], $0x1  }
0xa5: {  	[sflag:s23] =	ssyncset.done $0x0  }
0xa6: {  	s25 =	simm.s32 $0x1B8E;
	s24 =	sld [smem:$0x3FFE];
	[sflag:s23] =	ssyncadd.s32 $0xFFFFFFFF  }
0xa7: {  	s26 =	simm.s32 $execute0_lowered;
	[smem:$0x3FD2] =	sst s25  }
0xa8: {  	s7 =	sshll.u32 s26, $0x1;
	_ =	strace $0x80000046;
	[dreg:$0x1] =	wrdreg $0xFFFFFFFF  }
0xa9: {  	s28 =	simm.s32 $_size_execute0_lowered;
	s5 =	sadd.s32 s5, s7;
	[dreg:$0x0] =	wrdreg $0x0  }
0xaa: {  	s7 =	sshll.u32 s28, $0x1;
	[dreg:$0x2] =	wrdreg s5  }
0xab: {  	[dreg:$0x3] =	wrdreg s7  }
0xac: {  	[dreg:$0x4] =	wrdreg $0xC0  }
0xad: {  	_ =	task [dreg:s9], $0x5FFFF  }
0xae: {  	[dreg:$0x1] =	wrdreg $0xFFFFFFFF  }
0xaf: {  	[dreg:$0x0] =	wrdreg $0x60  }
0xb0: {  	[dreg:$0x2] =	wrdreg s4  }
0xb1: {  	[dreg:$0x3] =	wrdreg s2  }
0xb2: {  	[dreg:$0x4] =	wrdreg s18  }
0xb3: {  	[dreg:$0x5] =	wrdreg s24  }
0xb4: {  	[dreg:$0x6] =	wrdreg $0x9  }
0xb5: {  	_ =	task.clear_ibuf [dreg:s9], $0x7FFFF;
	_ =	strace $0x90000046  }
0xb6: {  	s29 =	simm.s32 $0x9;
	_ =	strace $0x80000048  }
0xb7: {  	_ =	swait.ge [sflag:s29], $0x1  }
0xb8: {  	[sflag:s29] =	ssyncadd.s32 $0xFFFFFFFF  }
0xb9: {  	_ =	strace $0x90000048  }
0xba: {  	_ =	sfence  }
0xbb: {  	s30 =	sld [smem:$0x0];
	_ =	sdelay $0x2  }
0xbc: {  	s31 =	sshll.u32 s1, $0xD;
	s1 =	sshrl.u32 s1, $0x2  }
0xbd: {  	s3 =	sand.u32 $0x4000, s31;
	s1 =	sadd.s32 s1, s30  }
0xbe: {  	s0 =	sor.u32 s3, s0;
	s1 =	sshll.u32 s1, $0x11  }
0xbf: {  	s0 =	sor.u32 s1, s0  }
0xc0: {  	s0 =	sadd.s32 $0x8F2B, s0  }
0xc1: {  	[sflag:s0] =	ssyncadd.remote.s32 $0x1  }
0xc2: {  	_ =	sfence.sel $0xFFFF  }
0xc3: {  	[dreg:$0x0] =	wrdreg $0xFFFFFFFF;
	(pc) =	sbr.abs _section_cstart, $3  }
0xc4: {  	[dreg:$0x1] =	wrdreg $0xFFFFFFFF  }
0xc5: {  	_ =	task.clear_ibuf [dreg:s9], $0x2FFFF;
	_ =	strace $0x9FFFFFFF  }
0xc6: {  	(tm) =	ssettm $0x7FFFFFFF  }
0xc7: {  	_ =	shalt  }
tec
execute0_lowered:
.L_overlay_start_1:
0x0: {  	(tag) =	ssettag $0x1  }
0x1: {  	s1 =	rddreg [dreg:$0x0]  }
0x2: {  	s2 =	rddreg [dreg:$0x1]  }
0x3: {  	s4 =	rddreg [dreg:$0x2];
	s0 =	srdreg.scid  }
0x4: {  	s5 =	stileid.u32;
	s3 =	rddreg [dreg:$0x3];
	s28 =	simm.s32 $0x1100  }
0x5: {  	s29 =	simm.s32 $0x9200;
	s30 =	simm.s32 $0x1180;
	s31 =	simm.s32 $0xD200  }
0x6: {  	s0 =	sand.u32 $0x1, s0;
	s6 =	sshll.u32 s5, $0x1;
	s5 =	simm.s32 $0x0  }
0x7: {  	s8 =	sor.u32 s0, s6;
	[smem:$0x7FF] =	sst s5;
	s0 =	ssub.s32 $0x2, s0  }
0x8: {  	s6 =	sadd.s32 $0xC00, s3;
	s9 =	smul.u32 $0x19, s8;
	s18 =	sshrl.u32 s0, $0x1  }
0x9: {  	_ =	strace $0x80000047;
	s7 =	sshll.u32 s8, $0xA;
	s0 =	ssub.s32 s0, s18  }
0xa: {  	s7 =	sand.u32 $0xC00, s7;
	s18 =	simm.s32 $0x80;
	s19 =	sshll.u32 s9, $0x7  }
0xb: {  	s10 =	sshll.u32 s9, $0x2;
	s21 =	sadd.s32 $0x1, s9;
	s13 =	sadd.s32 $0x3, s9  }
0xc: {  	s0 =	smax.u32 s0, $0x1;
	s3 =	sand.u32 $0x1F000, s19;
	s20 =	sand.u32 $0x70, s10  }
0xd: {  	s22 =	sshll.u32 s21, $0x7;
	s11 =	sshll.u32 s21, $0xA;
	s10 =	sshll.u32 s21, $0x2  }
0xe: {  	[dreg:$0xb] =	wrdreg s0;
	s19 =	simm.s32 $0x400;
	s0 =	simm.s32 $0x5  }
0xf: {  	s21 =	simm.s32 $0x4;
	s3 =	sor.u32 s7, s3;
	s7 =	sand.u32 $0x3F000, s22  }
0x10: {  	s11 =	sand.u32 $0xC00, s11;
	s10 =	sand.u32 $0x70, s10;
	s22 =	simm.s32 $0x1  }
0x11: {  	s3 =	sor.u32 s20, s3;
	s11 =	sor.u32 s11, s7;
	s7 =	smul.u32 $0xC8000, s8  }
0x12: {  	s8 =	smul.u32 $0x19000, s8;
	s20 =	simm.s32 $0x800;
	s12 =	sadd.s32 s2, s3  }
0x13: {  	s3 =	sadd.s32 s4, s3;
	s23 =	sor.u32 s10, s11;
	[dreg:$0x5] =	wrdreg s12  }
0x14: {  	[dreg:$0x6] =	wrdreg s3;
	s10 =	sadd.s32 s2, s23;
	s24 =	sshrl.u32 s7, $0x3  }
0x15: {  	s3 =	sadd.s32 s4, s23;
	s12 =	sadd.s32 $0x2, s9;
	s8 =	sadd.s32 s6, s8  }
0x16: {  	s23 =	simm.s32 $0x1000;
	s9 =	simm.s32 $0x0;
	[dreg:$0x7] =	wrdreg s10  }
0x17: {  	[dreg:$0x8] =	wrdreg s3;
	s25 =	sadd.s32 s6, s24;
	s17 =	sadd.s32 $0xFFFFF000, s8  }
0x18: {  	s24 =	simm.s32 $0x1200;
	s8 =	simm.s32 $0x6;
	s26 =	sadd.s32 $0x17000, s25  }
0x19: {  	s3 =	sadd.s32 $0x18000, s25;
	s25 =	simm.s32 $0x1080;
	[dreg:$0x9] =	wrdreg s26  }
0x1a: {  	[dreg:$0xa] =	wrdreg s3;
	s26 =	simm.s32 $0x5200;
	s3 =	simm.s32 $0x3  }
.LBB2_1:
0x1b: {  	s10 =	rddreg [dreg:$0x5]  }
0x1c: {  	[tilespmem:s5], [sflag:$0x1] =	stream.strided.gather [hbm4b:s10+s18], $0x400, s19, s18, $0x38;
	[tilespmem:$0x11200] =	vst v63  }
0x1d: {  	s14 =	rddreg [dreg:$0x6]  }
0x1e: {  	[tilespmem:s20], [sflag:$0x1] =	stream.strided.gather [hbm4b:s14+s18], $0x400, s19, s18, $0x38;
	[tilespmem:$0x11200] =	vst v63  }
0x1f: {  	s15 =	rddreg [dreg:$0x7]  }
0x20: {  	[tilespmem:s19], [sflag:$0x2] =	stream.strided.gather [hbm4b:s15+s18], $0x400, s19, s18, $0x38;
	[tilespmem:$0x11200] =	vst v63  }
0x21: {  	s16 =	rddreg [dreg:$0x8];
	s11 =	simm.s32 $0xC00;
	s10 =	simm.s32 $0x0  }
0x22: {  	[tilespmem:s11], [sflag:$0x2] =	stream.strided.gather [hbm4b:s16+s18], $0x400, s19, s18, $0x38;
	[tilespmem:$0x11200] =	vst v63  }
.LBB2_2:
0x23: {  	_ =	swait.ge [sflag:s22], $0x400  }
0x24: {  	[sflag:s22] =	ssyncset.done $0x0  }
0x25: {  	[sflag:s22] =	ssyncadd.s32 $0xFFFFFC00  }
0x26: {  	_ =	swait.ge [sflag:s22], $0x400  }
0x27: {  	p0 =	seq.s32 s10, $0x0;
	[sflag:s22] =	ssyncset.done $0x0  }
0x28: {  	s11 =	simm.s32 @!p0 $0x5;
	[sflag:s22] =	ssyncadd.s32 $0xFFFFFC00  }
0x29: {  	_ =	swait.ge @!p0 [sflag:s11], $0x8000  }
0x2a: {  	[sflag:s11] =	ssyncset.done @!p0 $0x0  }
0x2b: {  	s14 =	simm.s32 $0x0;
	[sflag:s11] =	ssyncadd.s32 @!p0 $0xFFFF8000  }
0x2c: {  	v0 =	vld [tilespmem:s14+$0x0]  }
0x2d: {  	v3 =	vld [tilespmem:s14+$0x100]  }
0x2e: {  	v5 =	vld [tilespmem:s14+$0x800]  }
0x2f: {  	v7 =	vld [tilespmem:s14+$0x900]  }
0x30: {  	v1 =	vld [tilespmem:s14+$0xA00]  }
0x31: {  	v2 =	vld [tilespmem:s14+$0x200]  }
0x32: {  	s15 =	simm.s32 $0x10;
	v6 =	vmul.u32 $0x3, v0;
	v8 =	vmul.u32 $0x3, v3;
	v3 =	vld [tilespmem:s14+$0x300]  }
0x33: {  	v4 =	vld [tilespmem:s15+$0x0]  }
0x34: {  	s16 =	simm.s32 $0x80;
	s11 =	sshll.u32 s10, $0x1;
	v0 =	vld [tilespmem:s14+$0xB00];
	v6 =	vadd.s32 v5, v6;
	v5 =	vadd.s32 v7, v8  }
.LBB2_3:
0x35: {  	p1 =	sne.s32 s16, $0x3C0;
	v7 =	vld [tilespmem:s15+$0x100];
	v6 =	vshll.u32 v6, $0x8;
	v5 =	vshll.u32 v5, $0x4  }
0x36: {  	v8 =	vld [tilespmem:s15+$0x800];
	v2 =	vmul.u32 $0x3, v2;
	v5 =	vadd.s32 v6, v5  }
0x37: {  	v9 =	vld [tilespmem:s15+$0x900];
	v5 =	vadd.s32 v1, v5;
	v3 =	vmul.u32 $0x3, v3  }
.Ltmp0:
0x38: {  	v1 =	vld [tilespmem:s15+$0xA00];
	v5 =	vadd.s32 v2, v5;
	(pc) =	sbr.rel @p1 .LBB2_3-.Ltmp0, $4  }
0x39: {  	v2 =	vld [tilespmem:s15+$0x200];
	v5 =	vshll.u32 v5, $0x4;
	v0 =	vadd.s32 v0, v3  }
0x3a: {  	v6 =	vmul.u32 $0x3, v4;
	v7 =	vmul.u32 $0x3, v7;
	v3 =	vld [tilespmem:s15+$0x300];
	v4 =	vadd.s32 v5, v0  }
0x3b: {  	v0 =	vld [tilespmem:s15+$0xB00];
	[tilespmem:s14+$0x1000] =	vst v4;
	s14 =	smov.u32 s15;
	s15 =	sshra.s32 s16, $0x2  }
0x3c: {  	s16 =	sadd.s32 $0x40, s16;
	v6 =	vadd.s32 v8, v6;
	v4 =	vld [tilespmem:s15+$0x0];
	v5 =	vadd.s32 v9, v7  }
0x3d: {  	v7 =	vld [tilespmem:s15+$0x100]  }
0x3e: {  	v8 =	vld [tilespmem:s15+$0x800]  }
0x3f: {  	v9 =	vld [tilespmem:s15+$0x900]  }
0x40: {  	v10 =	vld [tilespmem:s15+$0xA00]  }
0x41: {  	v6 =	vshll.u32 v6, $0x8;
	v11 =	vld [tilespmem:s15+$0x200]  }
0x42: {  	v5 =	vshll.u32 v5, $0x4;
	v12 =	vld [tilespmem:s15+$0x300];
	v4 =	vmul.u32 $0x3, v4;
	v7 =	vmul.u32 $0x3, v7  }
0x43: {  	v5 =	vadd.s32 v6, v5  }
0x44: {  	v6 =	vld [tilespmem:s15+$0xB00];
	v1 =	vadd.s32 v1, v5;
	v4 =	vadd.s32 v8, v4;
	v5 =	vadd.s32 v9, v7  }
0x45: {  	v2 =	vmul.u32 $0x3, v2;
	v4 =	vshll.u32 v4, $0x8;
	v5 =	vshll.u32 v5, $0x4  }
0x46: {  	v3 =	vmul.u32 $0x3, v3;
	v4 =	vadd.s32 v4, v5;
	v5 =	vmul.u32 $0x3, v11  }
0x47: {  	v1 =	vadd.s32 v2, v1;
	v2 =	vadd.s32 v10, v4;
	v4 =	vmul.u32 $0x3, v12  }
0x48: {  	v1 =	vshll.u32 v1, $0x4;
	v0 =	vadd.s32 v0, v3;
	v2 =	vadd.s32 v5, v2  }
0x49: {  	v0 =	vadd.s32 v1, v0;
	v1 =	vshll.u32 v2, $0x4;
	v2 =	vadd.s32 v6, v4  }
0x4a: {  	[tilespmem:s14+$0x1000] =	vst v0;
	s14 =	sadd.s32 s11, s12;
	v0 =	vadd.s32 v1, v2  }
0x4b: {  	s16 =	sshll.u32 s14, $0xA;
	[tilespmem:s15+$0x1000] =	vst v0;
	s15 =	sshll.u32 s14, $0x7  }
0x4c: {  	[tilespmem:s24], [sflag:$0x3] =	stream.indirect.gather [hbm4b:s1+s18], $0x80, s23, s18, $0xb8;
	[tilespmem:$0x11200] =	vst v63  }
0x4d: {  	s16 =	sand.u32 $0xC00, s16;
	s14 =	sshll.u32 s14, $0x2;
	s15 =	sand.u32 $0xFFFF000, s15  }
0x4e: {  	s14 =	sand.u32 $0x70, s14;
	s15 =	sor.u32 s16, s15  }
0x4f: {  	[tilespmem:s26], [sflag:$0x3] =	stream.indirect.gather [hbm4b:s1+s18], $0x80, s25, s18, $0xb8;
	[tilespmem:$0x11200] =	vst v63  }
0x50: {  	s14 =	sor.u32 s14, s15  }
0x51: {  	s15 =	sadd.s32 s2, s14  }
0x52: {  	[tilespmem:s5], [sflag:$0x1] =	stream.strided.gather [hbm4b:s15+s18], $0x400, s19, s18, $0x38;
	[tilespmem:$0x11200] =	vst v63  }
0x53: {  	s14 =	sadd.s32 s4, s14  }
0x54: {  	[tilespmem:s20], [sflag:$0x1] =	stream.strided.gather [hbm4b:s14+s18], $0x400, s19, s18, $0x38;
	[tilespmem:$0x11200] =	vst v63  }
0x55: {  	s14 =	simm.s32 @p0 $0x2  }
0x56: {  	_ =	swait.ge @p0 [sflag:s14], $0x400  }
0x57: {  	[sflag:s14] =	ssyncset.done @p0 $0x0  }
0x58: {  	[sflag:s14] =	ssyncadd.s32 @p0 $0xFFFFFC00  }
0x59: {  	_ =	swait.ge @p0 [sflag:s14], $0x400  }
0x5a: {  	[sflag:s14] =	ssyncset.done @p0 $0x0  }
0x5b: {  	[sflag:s14] =	ssyncadd.s32 @p0 $0xFFFFFC00;
	s14 =	simm.s32 @!p0 $0x4  }
0x5c: {  	_ =	swait.ge @!p0 [sflag:s14], $0x4000  }
0x5d: {  	[sflag:s14] =	ssyncset.done @!p0 $0x0  }
0x5e: {  	[sflag:s14] =	ssyncadd.s32 @!p0 $0xFFFFC000  }
0x5f: {  	_ =	swait.ge @!p0 [sflag:s14], $0x4000  }
0x60: {  	[sflag:s14] =	ssyncset.done @!p0 $0x0  }
0x61: {  	[sflag:s14] =	ssyncadd.s32 @!p0 $0xFFFFC000;
	s14 =	sshll.u32 @!p0 s10, $0xD  }
0x62: {  	s16 =	simm.s32 @!p0 $0x9200;
	s15 =	simm.s32 @!p0 $0x0;
	s14 =	sadd.s32 @!p0 s17, s14  }
0x63: {  	[hbm4b:s14+s15] =	stream.linear.scatter @!p0 [tilespmem:s16], [sflag:$0x6], $0x8000, $0x38;
	[tilespmem:$0x11200] =	vst v63  }
0x64: {  	s14 =	simm.s32 @!p0 $0x2  }
0x65: {  	_ =	swait.ge @!p0 [sflag:s14], $0x400  }
0x66: {  	[sflag:s14] =	ssyncset.done @!p0 $0x0  }
0x67: {  	[sflag:s14] =	ssyncadd.s32 @!p0 $0xFFFFFC00  }
0x68: {  	_ =	swait.ge @!p0 [sflag:s14], $0x400  }
0x69: {  	[sflag:s14] =	ssyncset.done @!p0 $0x0  }
0x6a: {  	[sflag:s14] =	ssyncadd.s32 @!p0 $0xFFFFFC00;
	s14 =	simm.s32 @!p0 $0x6  }
0x6b: {  	_ =	swait.ge @!p0 [sflag:s14], $0x8000  }
0x6c: {  	[sflag:s14] =	ssyncset.done @!p0 $0x0  }
0x6d: {  	[sflag:s14] =	ssyncadd.s32 @!p0 $0xFFFF8000;
	s14 =	simm.s32 $0x0  }
0x6e: {  	v0 =	vld [tilespmem:s14+$0x400]  }
0x6f: {  	v3 =	vld [tilespmem:s14+$0x500]  }
0x70: {  	v5 =	vld [tilespmem:s14+$0xC00]  }
0x71: {  	v7 =	vld [tilespmem:s14+$0xD00]  }
0x72: {  	v1 =	vld [tilespmem:s14+$0xE00]  }
0x73: {  	v2 =	vld [tilespmem:s14+$0x600]  }
0x74: {  	s15 =	simm.s32 $0x10;
	v6 =	vmul.u32 $0x3, v0;
	v8 =	vmul.u32 $0x3, v3;
	v3 =	vld [tilespmem:s14+$0x700]  }
0x75: {  	v4 =	vld [tilespmem:s15+$0x400]  }
0x76: {  	s16 =	simm.s32 $0x80;
	v0 =	vld [tilespmem:s14+$0xF00];
	v6 =	vadd.s32 v5, v6;
	v5 =	vadd.s32 v7, v8  }
.LBB2_5:
0x77: {  	p0 =	sne.s32 s16, $0x3C0;
	v7 =	vld [tilespmem:s15+$0x500];
	v6 =	vshll.u32 v6, $0x8;
	v5 =	vshll.u32 v5, $0x4  }
0x78: {  	v8 =	vld [tilespmem:s15+$0xC00];
	v2 =	vmul.u32 $0x3, v2;
	v5 =	vadd.s32 v6, v5  }
0x79: {  	v9 =	vld [tilespmem:s15+$0xD00];
	v5 =	vadd.s32 v1, v5;
	v3 =	vmul.u32 $0x3, v3  }
.Ltmp1:
0x7a: {  	v1 =	vld [tilespmem:s15+$0xE00];
	v5 =	vadd.s32 v2, v5;
	(pc) =	sbr.rel @p0 .LBB2_5-.Ltmp1, $4  }
0x7b: {  	v2 =	vld [tilespmem:s15+$0x600];
	v5 =	vshll.u32 v5, $0x4;
	v0 =	vadd.s32 v0, v3  }
0x7c: {  	v6 =	vmul.u32 $0x3, v4;
	v7 =	vmul.u32 $0x3, v7;
	v3 =	vld [tilespmem:s15+$0x700];
	v4 =	vadd.s32 v5, v0  }
0x7d: {  	v0 =	vld [tilespmem:s15+$0xF00];
	[tilespmem:s14+$0x1100] =	vst v4;
	s14 =	smov.u32 s15;
	s15 =	sshra.s32 s16, $0x2  }
0x7e: {  	s16 =	sadd.s32 $0x40, s16;
	v6 =	vadd.s32 v8, v6;
	v4 =	vld [tilespmem:s15+$0x400];
	v5 =	vadd.s32 v9, v7  }
0x7f: {  	v7 =	vld [tilespmem:s15+$0x500]  }
0x80: {  	v8 =	vld [tilespmem:s15+$0xC00]  }
0x81: {  	v9 =	vld [tilespmem:s15+$0xD00]  }
0x82: {  	v10 =	vld [tilespmem:s15+$0xE00]  }
0x83: {  	v6 =	vshll.u32 v6, $0x8;
	v11 =	vld [tilespmem:s15+$0x600]  }
0x84: {  	v5 =	vshll.u32 v5, $0x4;
	v12 =	vld [tilespmem:s15+$0x700];
	v4 =	vmul.u32 $0x3, v4;
	v7 =	vmul.u32 $0x3, v7  }
0x85: {  	v5 =	vadd.s32 v6, v5  }
0x86: {  	v57 =	vld [tilespmem:s15+$0xF00];
	v2 =	vmul.u32 $0x3, v2;
	v4 =	vadd.s32 v8, v4;
	v56 =	vadd.s32 v9, v7  }
0x87: {  	v1 =	vadd.s32 v1, v5;
	v4 =	vshll.u32 v4, $0x8;
	v5 =	vshll.u32 v56, $0x4  }
0x88: {  	v3 =	vmul.u32 $0x3, v3;
	v58 =	vmul.u32 $0x3, v11;
	v4 =	vadd.s32 v4, v5  }
0x89: {  	v1 =	vadd.s32 v2, v1;
	v60 =	vmul.u32 $0x3, v12;
	v59 =	vadd.s32 v10, v4  }
0x8a: {  	v1 =	vshll.u32 v1, $0x4;
	v0 =	vadd.s32 v0, v3;
	v2 =	vadd.s32 v58, v59  }
0x8b: {  	p0 =	seq.s32 s10, $0xB;
	v0 =	vadd.s32 v1, v0;
	v62 =	vadd.s32 v57, v60;
	v61 =	vshll.u32 v2, $0x4  }
0x8c: {  	s11 =	sadd.s32 @!p0 s11, s13;
	[tilespmem:s14+$0x1100] =	vst v0;
	v63 =	vadd.s32 v61, v62  }
0x8d: {  	s14 =	sshll.u32 @!p0 s11, $0x7;
	[tilespmem:s15+$0x1100] =	vst v63;
	s15 =	sshll.u32 @!p0 s11, $0xA  }
0x8e: {  	[tilespmem:s29], [sflag:$0x4] =	stream.indirect.gather [hbm4b:s1+s18], $0x80, s28, s18, $0xb8;
	[tilespmem:$0x11200] =	vst v63  }
0x8f: {  	s14 =	sand.u32 @!p0 $0xFFFF000, s14;
	s11 =	sshll.u32 @!p0 s11, $0x2;
	s15 =	sand.u32 @!p0 $0xC00, s15  }
0x90: {  	s11 =	sand.u32 @!p0 $0x70, s11;
	s14 =	sor.u32 @!p0 s15, s14  }
0x91: {  	[tilespmem:s31], [sflag:$0x4] =	stream.indirect.gather [hbm4b:s1+s18], $0x80, s30, s18, $0xb8;
	[tilespmem:$0x11200] =	vst v63  }
0x92: {  	s11 =	sor.u32 @!p0 s11, s14  }
0x93: {  	s16 =	simm.s32 @!p0 $0x400;
	s15 =	simm.s32 @!p0 $0x80;
	s14 =	sadd.s32 @!p0 s2, s11  }
0x94: {  	[tilespmem:s16], [sflag:$0x2] =	stream.strided.gather @!p0 [hbm4b:s14+s15], $0x400, s16, s15, $0x38;
	[tilespmem:$0x11200] =	vst v63  }
0x95: {  	s11 =	sadd.s32 @!p0 s4, s11;
	s14 =	simm.s32 @!p0 $0xC00  }
0x96: {  	[tilespmem:s14], [sflag:$0x2] =	stream.strided.gather @!p0 [hbm4b:s11+s15], $0x400, s16, s15, $0x38;
	[tilespmem:$0x11200] =	vst v63  }
0x97: {  	s16 =	sshll.u32 s10, $0x10;
	s10 =	sadd.s32 $0x1, s10;
	_ =	swait.ge [sflag:s3], $0x4000  }
0x98: {  	p0 =	sne.s32 s10, $0xC;
	[sflag:s3] =	ssyncset.done $0x0  }
.Ltmp2:
0x99: {  	[sflag:s3] =	ssyncadd.s32 $0xFFFFC000;
	(pc) =	sbr.rel @p0 .LBB2_2-.Ltmp2, $4  }
0x9a: {  	s11 =	sadd.s32 s7, s16;
	_ =	swait.ge [sflag:s3], $0x4000  }
0x9b: {  	s11 =	sshrl.u32 s11, $0x3;
	[sflag:s3] =	ssyncset.done $0x0  }
0x9c: {  	s11 =	sadd.s32 s6, s11;
	[sflag:s3] =	ssyncadd.s32 $0xFFFFC000  }
0x9d: {  	[hbm4b:s11+s5] =	stream.linear.scatter [tilespmem:s24], [sflag:$0x5], $0x8000, $0x38;
	[tilespmem:$0x11200] =	vst v63  }
0x9e: {  	_ =	swait.ge [sflag:s22], $0x400  }
0x9f: {  	[sflag:s22] =	ssyncset.done $0x0  }
0xa0: {  	[sflag:s22] =	ssyncadd.s32 $0xFFFFFC00  }
0xa1: {  	_ =	swait.ge [sflag:s22], $0x400  }
0xa2: {  	[sflag:s22] =	ssyncset.done $0x0  }
0xa3: {  	[sflag:s22] =	ssyncadd.s32 $0xFFFFFC00  }
0xa4: {  	_ =	swait.ge [sflag:s0], $0x8000  }
0xa5: {  	[sflag:s0] =	ssyncset.done $0x0  }
0xa6: {  	s10 =	simm.s32 $0x0;
	[sflag:s0] =	ssyncadd.s32 $0xFFFF8000  }
0xa7: {  	v0 =	vld [tilespmem:s10+$0x0]  }
0xa8: {  	v3 =	vld [tilespmem:s10+$0x100]  }
0xa9: {  	v5 =	vld [tilespmem:s10+$0x800]  }
0xaa: {  	v7 =	vld [tilespmem:s10+$0x900]  }
0xab: {  	v1 =	vld [tilespmem:s10+$0xA00]  }
0xac: {  	v2 =	vld [tilespmem:s10+$0x200]  }
0xad: {  	s11 =	simm.s32 $0x10;
	v6 =	vmul.u32 $0x3, v0;
	v8 =	vmul.u32 $0x3, v3;
	v3 =	vld [tilespmem:s10+$0x300]  }
0xae: {  	v4 =	vld [tilespmem:s11+$0x0]  }
0xaf: {  	s14 =	simm.s32 $0x80;
	v0 =	vld [tilespmem:s10+$0xB00];
	v6 =	vadd.s32 v5, v6;
	v5 =	vadd.s32 v7, v8  }
.LBB2_8:
0xb0: {  	p0 =	sne.s32 s14, $0x3C0;
	v7 =	vld [tilespmem:s11+$0x100];
	v6 =	vshll.u32 v6, $0x8;
	v5 =	vshll.u32 v5, $0x4  }
0xb1: {  	v8 =	vld [tilespmem:s11+$0x800];
	v2 =	vmul.u32 $0x3, v2;
	v5 =	vadd.s32 v6, v5  }
0xb2: {  	v9 =	vld [tilespmem:s11+$0x900];
	v5 =	vadd.s32 v1, v5;
	v3 =	vmul.u32 $0x3, v3  }
.Ltmp3:
0xb3: {  	v1 =	vld [tilespmem:s11+$0xA00];
	v5 =	vadd.s32 v2, v5;
	(pc) =	sbr.rel @p0 .LBB2_8-.Ltmp3, $4  }
0xb4: {  	v2 =	vld [tilespmem:s11+$0x200];
	v5 =	vshll.u32 v5, $0x4;
	v0 =	vadd.s32 v0, v3  }
0xb5: {  	v6 =	vmul.u32 $0x3, v4;
	v7 =	vmul.u32 $0x3, v7;
	v3 =	vld [tilespmem:s11+$0x300];
	v4 =	vadd.s32 v5, v0  }
0xb6: {  	v0 =	vld [tilespmem:s11+$0xB00];
	[tilespmem:s10+$0x1000] =	vst v4;
	s10 =	smov.u32 s11;
	s11 =	sshra.s32 s14, $0x2  }
0xb7: {  	s14 =	sadd.s32 $0x40, s14;
	v6 =	vadd.s32 v8, v6;
	v4 =	vld [tilespmem:s11+$0x0];
	v5 =	vadd.s32 v9, v7  }
0xb8: {  	v7 =	vld [tilespmem:s11+$0x100]  }
0xb9: {  	v8 =	vld [tilespmem:s11+$0x800]  }
0xba: {  	v9 =	vld [tilespmem:s11+$0x900]  }
0xbb: {  	v10 =	vld [tilespmem:s11+$0xA00]  }
0xbc: {  	v6 =	vshll.u32 v6, $0x8;
	v11 =	vld [tilespmem:s11+$0x200]  }
0xbd: {  	v5 =	vshll.u32 v5, $0x4;
	v12 =	vld [tilespmem:s11+$0x300];
	v4 =	vmul.u32 $0x3, v4;
	v7 =	vmul.u32 $0x3, v7  }
0xbe: {  	v5 =	vadd.s32 v6, v5  }
0xbf: {  	v57 =	vld [tilespmem:s11+$0xB00];
	v2 =	vmul.u32 $0x3, v2;
	v4 =	vadd.s32 v8, v4;
	v56 =	vadd.s32 v9, v7  }
0xc0: {  	v1 =	vadd.s32 v1, v5;
	v4 =	vshll.u32 v4, $0x8;
	v5 =	vshll.u32 v56, $0x4  }
0xc1: {  	v3 =	vmul.u32 $0x3, v3;
	v58 =	vmul.u32 $0x3, v11;
	v4 =	vadd.s32 v4, v5  }
0xc2: {  	v1 =	vadd.s32 v2, v1;
	v60 =	vmul.u32 $0x3, v12;
	v59 =	vadd.s32 v10, v4  }
0xc3: {  	v1 =	vshll.u32 v1, $0x4;
	v0 =	vadd.s32 v0, v3;
	v2 =	vadd.s32 v58, v59  }
0xc4: {  	v0 =	vadd.s32 v1, v0;
	v62 =	vadd.s32 v57, v60;
	v61 =	vshll.u32 v2, $0x4  }
0xc5: {  	[tilespmem:s10+$0x1000] =	vst v0;
	v63 =	vadd.s32 v61, v62  }
0xc6: {  	[tilespmem:s11+$0x1000] =	vst v63  }
0xc7: {  	[tilespmem:s24], [sflag:$0x3] =	stream.indirect.gather [hbm4b:s1+s18], $0x80, s23, s18, $0xb8;
	[tilespmem:$0x11200] =	vst v63  }
0xc8: {  	_ = 	snop  }
0xc9: {  	[tilespmem:s26], [sflag:$0x3] =	stream.indirect.gather [hbm4b:s1+s18], $0x80, s25, s18, $0xb8;
	[tilespmem:$0x11200] =	vst v63  }
0xca: {  	_ =	swait.ge [sflag:s21], $0x4000  }
0xcb: {  	[sflag:s21] =	ssyncset.done $0x0  }
0xcc: {  	[sflag:s21] =	ssyncadd.s32 $0xFFFFC000  }
0xcd: {  	_ =	swait.ge [sflag:s21], $0x4000  }
0xce: {  	[sflag:s21] =	ssyncset.done $0x0  }
0xcf: {  	s14 =	rddreg [dreg:$0x9];
	[sflag:s21] =	ssyncadd.s32 $0xFFFFC000  }
0xd0: {  	[hbm4b:s14+s5] =	stream.linear.scatter [tilespmem:s29], [sflag:$0x6], $0x8000, $0x38;
	[tilespmem:$0x11200] =	vst v63  }
0xd1: {  	_ =	swait.ge [sflag:s3], $0x4000  }
0xd2: {  	[sflag:s3] =	ssyncset.done $0x0  }
0xd3: {  	[sflag:s3] =	ssyncadd.s32 $0xFFFFC000  }
0xd4: {  	_ =	swait.ge [sflag:s3], $0x4000  }
0xd5: {  	[sflag:s3] =	ssyncset.done $0x0  }
0xd6: {  	s15 =	rddreg [dreg:$0xa];
	[sflag:s3] =	ssyncadd.s32 $0xFFFFC000  }
0xd7: {  	[hbm4b:s15+s5] =	stream.linear.scatter [tilespmem:s24], [sflag:$0x5], $0x8000, $0x38;
	[tilespmem:$0x11200] =	vst v63  }
0xd8: {  	_ =	swait.ge [sflag:s0], $0x8000  }
0xd9: {  	[sflag:s0] =	ssyncset.done $0x0  }
0xda: {  	[sflag:s0] =	ssyncadd.s32 $0xFFFF8000  }
0xdb: {  	_ =	swait.ge [sflag:s8], $0x8000  }
0xdc: {  	s9 =	sadd.s32 $0x1, s9;
	s16 =	rddreg [dreg:$0xb]  }
0xdd: {  	p0 =	sne.s32 s9, s16  }
.Ltmp4:
0xde: {  	_ = 	snop;
	(pc) =	sbr.rel @p0 .LBB2_1-.Ltmp4, $3  }
0xdf: {  	_ =	sdelay $0x1  }
0xe0: {  	[sflag:s8] =	ssyncset.done $0x0  }
0xe1: {  	[sflag:s8] =	ssyncadd.s32 $0xFFFF8000  }
0xe2: {  	_ =	sfence.sel $0x180000  }
0xe3: {  	[bflag:$0x0] =	sbarrier.arrive $0xFFFF  }
0xe4: {  	_ =	strace $0x90000047  }
0xe5: {  	s0 =	stileid.u32;
	[bflag:$0x2] =	sbarrier.arrive $0xFFFF  }
0xe6: {  	p0 =	sne.s32 s0, $0x0;
	s0 =	rddreg [dreg:$0x4]  }
0xe7: {  	s0 =	sadd.s32 @!p0 $0x100000, s0  }
0xe8: {  	[sflag:s0] =	ssyncadd.tile.s32 @!p0 $0x1;
	_ =	shalt  }
.Lfunc_end2:
_tile_overlayer_lowered:
.L_overlay_start_2:
0xe9: {  	(tag) =	ssettag $0x2  }
0xea: {  	s0 =	rddreg [dreg:$0x0];
	s2 =	stileid.u32  }
0xeb: {  	s1 =	rddreg [dreg:$0x1];
	p0 =	sne.s32 s2, $0x0  }
0xec: {  	s3 =	rddreg [dreg:$0x2];
	[bflag:$0x3] =	sbarrier.arrive $0xFFFF;
	s2 =	simm.s32 @!p0 $0x1C07  }
0xed: {  	[timem:s3], [sflag:s2] =	dma.local @!p0 [hbm:s0], s1  }
0xee: {  	s0 =	simm.s32 @!p0 $0x7  }
0xef: {  	_ =	swait.ge @!p0 [sflag:s0], s1  }
0xf0: {  	s1 =	ssub.s32 @!p0 $0x0, s1;
	[sflag:s0] =	ssyncset.done @!p0 $0x0  }
0xf1: {  	[sflag:s0] =	ssyncadd.s32 @!p0 s1  }
0xf2: {  	[bflag:$0x3] =	sbarrier.arrive $0xFFFF  }
0xf3: {  	_ =	shalt  }

</sc_bundles>
